<compile_context>
chip_gen: v7x
topology: tpu7x:2x2x1
jax: 0.10.2.dev20260603
libtpu: 0.0.44.dev20260713+nightly
codegen_flags: <defaults>
</compile_context>

<pallas_src>
import functools

import jax
import jax.numpy as jnp
from jax import lax
from jax.experimental import pallas as pl
from jax.experimental.pallas import tpu as pltpu
from jax.experimental.pallas import tpu_sc as plsc

N = 50000
E = 800000
D = 64
G = 512
NH = 25088
ACC_R = NH + 16
NPAD = 53248
BLK = 512
EPT = 50048
EP = 16 * EPT
CH = 128
NCH = EPT // CH
CB = 112
EPS = 1e-5


def _make_agg(df):
    mesh = plsc.VectorSubcoreMesh(core_axis_name="c", subcore_axis_name="s", num_cores=2, num_subcores=16)

    @functools.partial(
        pl.kernel,
        out_type=jax.ShapeDtypeStruct((NPAD, df), jnp.float32),
        mesh=mesh,
        scratch_types=[
            pltpu.VMEM_SHARED((ACC_R, df), jnp.float32),
            pltpu.VMEM((CH,), jnp.int32),
            pltpu.VMEM((CH,), jnp.int32),
            pltpu.VMEM((CH,), jnp.int32),
            pltpu.VMEM((CH, df), jnp.float32),
            pltpu.VMEM((CB, df), jnp.float32),
            pltpu.SemaphoreType.DMA,
        ],
        compiler_params=pltpu.CompilerParams(use_tc_tiling_on_sc=False),
    )
    def agg(table, src, dst, zeros, out, acc, sidx, didx, lidx, rows, zv, sem):
        c = lax.axis_index("c")
        s = lax.axis_index("s")
        pltpu.sync_copy(zeros, zv)

        def zchunk(r, carry):
            pltpu.sync_copy(zv, acc.at[pl.ds(s * 1568 + r * CB, CB)])
            return carry

        lax.fori_loop(0, 14, zchunk, 0)

        @pl.when(s == 0)
        def _():
            pltpu.sync_copy(zv.at[pl.ds(0, 16)], acc.at[pl.ds(NH, 16)])

        plsc.subcore_barrier()
        off = c * NH

        def chunk(k, carry):
            base = s * EPT + k * CH
            pltpu.sync_copy(src.at[pl.ds(base, CH)], sidx)
            pltpu.sync_copy(dst.at[pl.ds(base, CH)], didx)
            for j in range(CH // 16):
                dvec = didx[pl.ds(j * 16, 16)]
                loc = dvec - off
                okv = (loc >= 0) & (loc < NH)
                lidx[pl.ds(j * 16, 16)] = jnp.where(okv, loc, NH)
            pltpu.async_copy(table.at[sidx], rows, sem).wait()
            pltpu.sync_copy(rows, acc.at[lidx], add=True)
            return carry

        lax.fori_loop(0, NCH, chunk, 0)
        plsc.subcore_barrier()
        def ochunk(r, carry):
            row0 = s * 1568 + r * CB
            pltpu.sync_copy(acc.at[pl.ds(row0, CB)], zv)
            pltpu.sync_copy(zv, out.at[pl.ds(off + row0, CB)])
            return carry

        lax.fori_loop(0, 14, ochunk, 0)

    return agg


_agg16 = _make_agg(16)
_agg64 = _make_agg(64)


def _make_pool():
    mesh = plsc.VectorSubcoreMesh(core_axis_name="c", subcore_axis_name="s", num_cores=2, num_subcores=16)

    @functools.partial(
        pl.kernel,
        out_type=[
            jax.ShapeDtypeStruct((2 * G, D), jnp.float32),
            jax.ShapeDtypeStruct((2 * G, 16), jnp.float32),
        ],
        mesh=mesh,
        scratch_types=[
            pltpu.VMEM_SHARED((G + 16, D), jnp.float32),
            pltpu.VMEM_SHARED((G + 16, 16), jnp.float32),
            pltpu.VMEM((112, D), jnp.float32),
            pltpu.VMEM((112,), jnp.int32),
            pltpu.VMEM((112, 16), jnp.float32),
            pltpu.VMEM((33, D), jnp.float32),
            pltpu.VMEM((33, 16), jnp.float32),
        ],
        compiler_params=pltpu.CompilerParams(use_tc_tiling_on_sc=False),
    )
    def pool(table, batch, ones_h, zp_h, zc_h, outp, outc,
             accp, accc, prow, bidx, ones_v, zp, zc):
        c = lax.axis_index("c")
        s = lax.axis_index("s")
        pltpu.sync_copy(ones_h, ones_v)
        pltpu.sync_copy(zp_h, zp)
        pltpu.sync_copy(zp, accp.at[pl.ds(s * 33, 33)])
        pltpu.sync_copy(zc_h, zc)
        pltpu.sync_copy(zc, accc.at[pl.ds(s * 33, 33)])
        plsc.subcore_barrier()
        w = c * 16 + s

        def chunk(k, carry):
            row0 = w * 1568 + k * 112
            pltpu.sync_copy(batch.at[pl.ds(row0, 112)], bidx)
            pltpu.sync_copy(table.at[pl.ds(row0, 112)], prow)
            pltpu.sync_copy(prow, accp.at[bidx], add=True)
            pltpu.sync_copy(ones_v, accc.at[bidx], add=True)
            return carry

        lax.fori_loop(0, 14, chunk, 0)
        plsc.subcore_barrier()
        row0 = s * 32
        pltpu.sync_copy(accp.at[pl.ds(row0, 32)], prow.at[pl.ds(0, 32)])
        pltpu.sync_copy(prow.at[pl.ds(0, 32)], outp.at[pl.ds(c * G + row0, 32)])
        pltpu.sync_copy(accc.at[pl.ds(row0, 32)], ones_v.at[pl.ds(0, 32)])
        pltpu.sync_copy(ones_v.at[pl.ds(0, 32)], outc.at[pl.ds(c * G + row0, 32)])

    return pool


_pool = _make_pool()


def _mlp1(xw, agg16, w1w, b1, w2, b2):
    def body(x_ref, a_ref, w1_ref, b1_ref, w2_ref, b2_ref,
             z_ref, s_ref, q_ref):
        i = pl.program_id(0)
        u = x_ref[...] + a_ref[...]
        h1 = jnp.maximum(u @ w1_ref[...] + b1_ref[...], 0.0)
        h2 = jnp.maximum(h1 @ w2_ref[...] + b2_ref[...], 0.0)
        z_ref[...] = h2
        rows = i * BLK + lax.broadcasted_iota(jnp.int32, (BLK, 1), 0)
        h2m = jnp.where(rows < N, h2, 0.0)

        @pl.when(i == 0)
        def _():
            s_ref[...] = jnp.zeros_like(s_ref)
            q_ref[...] = jnp.zeros_like(q_ref)

        s_ref[...] += jnp.sum(h2m, axis=0, keepdims=True)
        q_ref[...] += jnp.sum(h2m * h2m, axis=0, keepdims=True)

    return pl.pallas_call(
        body,
        grid=(NPAD // BLK,),
        in_specs=[
            pl.BlockSpec((BLK, 16), lambda i: (i, 0)),
            pl.BlockSpec((BLK, 16), lambda i: (i, 0)),
            pl.BlockSpec((16, D), lambda i: (0, 0)),
            pl.BlockSpec((1, D), lambda i: (0, 0)),
            pl.BlockSpec((D, D), lambda i: (0, 0)),
            pl.BlockSpec((1, D), lambda i: (0, 0)),
        ],
        out_specs=[
            pl.BlockSpec((BLK, D), lambda i: (i, 0)),
            pl.BlockSpec((1, D), lambda i: (0, 0)),
            pl.BlockSpec((1, D), lambda i: (0, 0)),
        ],
        out_shape=[
            jax.ShapeDtypeStruct((NPAD, D), jnp.float32),
            jax.ShapeDtypeStruct((1, D), jnp.float32),
            jax.ShapeDtypeStruct((1, D), jnp.float32),
        ],
    )(xw, agg16, w1w, b1, w2, b2)


def _mlp23(z, agg, agg16, sums_p, sumsq_p, gamma_p, beta_p, w1, b1, w2, b2):
    def body(z_ref, a_ref, d_ref, sp_ref, qp_ref, g_ref, be_ref,
             w1_ref, b1_ref, w2_ref, b2_ref, z_out, s_ref, q_ref):
        i = pl.program_id(0)
        mean = sp_ref[...] * (1.0 / N)
        var = qp_ref[...] * (1.0 / N) - mean * mean
        sc = g_ref[...] * lax.rsqrt(var + EPS)
        tt = be_ref[...] - mean * sc
        dg = d_ref[...][:, 2:3]
        u = (z_ref[...] + a_ref[...]) * sc + (1.0 + dg) * tt
        h1 = jnp.maximum(u @ w1_ref[...] + b1_ref[...], 0.0)
        h2 = jnp.maximum(h1 @ w2_ref[...] + b2_ref[...], 0.0)
        z_out[...] = h2
        rows = i * BLK + lax.broadcasted_iota(jnp.int32, (BLK, 1), 0)
        h2m = jnp.where(rows < N, h2, 0.0)

        @pl.when(i == 0)
        def _():
            s_ref[...] = jnp.zeros_like(s_ref)
            q_ref[...] = jnp.zeros_like(q_ref)

        s_ref[...] += jnp.sum(h2m, axis=0, keepdims=True)
        q_ref[...] += jnp.sum(h2m * h2m, axis=0, keepdims=True)

    return pl.pallas_call(
        body,
        grid=(NPAD // BLK,),
        in_specs=[
            pl.BlockSpec((BLK, D), lambda i: (i, 0)),
            pl.BlockSpec((BLK, D), lambda i: (i, 0)),
            pl.BlockSpec((BLK, 16), lambda i: (i, 0)),
            pl.BlockSpec((1, D), lambda i: (0, 0)),
            pl.BlockSpec((1, D), lambda i: (0, 0)),
            pl.BlockSpec((1, D), lambda i: (0, 0)),
            pl.BlockSpec((1, D), lambda i: (0, 0)),
            pl.BlockSpec((D, D), lambda i: (0, 0)),
            pl.BlockSpec((1, D), lambda i: (0, 0)),
            pl.BlockSpec((D, D), lambda i: (0, 0)),
            pl.BlockSpec((1, D), lambda i: (0, 0)),
        ],
        out_specs=[
            pl.BlockSpec((BLK, D), lambda i: (i, 0)),
            pl.BlockSpec((1, D), lambda i: (0, 0)),
            pl.BlockSpec((1, D), lambda i: (0, 0)),
        ],
        out_shape=[
            jax.ShapeDtypeStruct((NPAD, D), jnp.float32),
            jax.ShapeDtypeStruct((1, D), jnp.float32),
            jax.ShapeDtypeStruct((1, D), jnp.float32),
        ],
    )(z, agg, agg16, sums_p, sumsq_p, gamma_p, beta_p, w1, b1, w2, b2)


def _final(pooledp, cntp, sums_p, sumsq_p, gamma_p, beta_p, w1, b1, w2p, b2p):
    def body(p_ref, c_ref, sp_ref, qp_ref, g_ref, be_ref,
             w1_ref, b1_ref, w2_ref, b2_ref, o_ref):
        mean = sp_ref[...] * (1.0 / N)
        var = qp_ref[...] * (1.0 / N) - mean * mean
        sc = g_ref[...] * lax.rsqrt(var + EPS)
        tt = be_ref[...] - mean * sc
        pp = p_ref[...]
        p = pp[0:G] + pp[G:2 * G]
        cc = c_ref[...]
        cnt = cc[0:G, 0:1] + cc[G:2 * G, 0:1]
        pn = p * sc + cnt * tt
        h = jnp.maximum(pn @ w1_ref[...] + b1_ref[...], 0.0)
        o_ref[...] = h @ w2_ref[...] + b2_ref[...]

    return pl.pallas_call(
        body,
        out_shape=jax.ShapeDtypeStruct((G, 128), jnp.float32),
    )(pooledp, cntp, sums_p, sumsq_p, gamma_p, beta_p, w1, b1, w2p, b2p)


def kernel(x, edge_index, batch, params):
    f32 = jnp.float32
    src = edge_index[0]
    dst = edge_index[1]
    src_p = jnp.concatenate([src, jnp.zeros((EP - E,), jnp.int32)])
    dst_p = jnp.concatenate([dst, jnp.full((EP - E,), 2 * NH, jnp.int32)])
    xw = jnp.pad(
        jnp.concatenate([x, jnp.ones((N, 1), f32), jnp.zeros((N, 13), f32)], axis=1),
        ((0, NPAD - N), (0, 0)))
    zeros16 = jnp.zeros((CB, 16), f32)
    zeros64 = jnp.zeros((CB, D), f32)

    agg16 = _agg16(xw, src_p, dst_p, zeros16)

    p1 = params["conv1"]
    w1w = jnp.pad(p1["W1"], ((0, 14), (0, 0)))
    z1, s1, q1 = _mlp1(xw, agg16, w1w, p1["b1"].reshape(1, D),
                       p1["W2"], p1["b2"].reshape(1, D))

    zc, sc_, qc = z1, s1, q1
    gprev, bprev = p1["gamma"], p1["beta"]
    for p in params["convs"]:
        agg = _agg64(zc, src_p, dst_p, zeros64)
        zc, sc_, qc = _mlp23(
            zc, agg, agg16, sc_, qc,
            gprev.reshape(1, D), bprev.reshape(1, D),
            p["W1"], p["b1"].reshape(1, D), p["W2"], p["b2"].reshape(1, D))
        gprev, bprev = p["gamma"], p["beta"]

    batch_p = jnp.concatenate([batch, jnp.full((2 * NH - N,), G, jnp.int32)])
    ones112 = jnp.ones((112, 16), f32)
    z33_64 = jnp.zeros((33, D), f32)
    z33_16 = jnp.zeros((33, 16), f32)
    pooledp, cntp = _pool(zc, batch_p, ones112, z33_64, z33_16)

    w2p = jnp.pad(params["lin2_W"], ((0, 0), (0, 127)))
    b2p = jnp.broadcast_to(params["lin2_b"].reshape(1, 1), (1, 128))
    out = _final(pooledp, cntp, sc_, qc,
                 gprev.reshape(1, D), bprev.reshape(1, D),
                 params["lin1_W"], params["lin1_b"].reshape(1, D),
                 w2p, b2p)
    return out[:, 0]

# --- scband reference (transcript-rebuilt; emitter-appended) ---
"""Pipeline reference for scband-gin0-9131100472083 (READ-ONLY COPY).

The authoritative reference and input builder live on the scoring server;
editing this copy changes nothing except your own understanding.
"""

import jax, jax.numpy as jnp
import numpy as np

N_NODES = 50000
N_EDGES = 800000
HIDDEN = 64
NUM_LAYERS = 3
NUM_GRAPHS = 512
IN_DIM = 2


def _mlp_params(key, din, h):
    k1, k2 = jax.random.split(key)
    return {
        "W1": jax.random.normal(k1, (din, h), jnp.float32) * 0.1,
        "b1": jnp.zeros((h,), jnp.float32),
        "W2": jax.random.normal(k2, (h, h), jnp.float32) * 0.1,
        "b2": jnp.zeros((h,), jnp.float32),
        "gamma": jnp.ones((h,), jnp.float32),
        "beta": jnp.zeros((h,), jnp.float32),
    }


def setup_inputs(seed: int = 0) -> dict:
    key = jax.random.key(seed)
    ks = jax.random.split(key, 8 + NUM_LAYERS)
    x = jax.random.normal(ks[0], (N_NODES, IN_DIM), jnp.float32)
    edge_index = jax.random.randint(ks[1], (2, N_EDGES), 0, N_NODES, jnp.int32)
    batch = jnp.sort(jax.random.randint(ks[2], (N_NODES,), 0, NUM_GRAPHS, jnp.int32))
    params = {
        "conv1": _mlp_params(ks[3], IN_DIM, HIDDEN),
        "convs": [_mlp_params(ks[4 + i], HIDDEN, HIDDEN) for i in range(NUM_LAYERS - 1)],
        "lin1_W": jax.random.normal(ks[4 + NUM_LAYERS], (HIDDEN, HIDDEN), jnp.float32) * 0.1,
        "lin1_b": jnp.zeros((HIDDEN,), jnp.float32),
        "lin2_W": jax.random.normal(ks[5 + NUM_LAYERS], (HIDDEN, 1), jnp.float32) * 0.1,
        "lin2_b": jnp.zeros((1,), jnp.float32),
    }
    return {"x": x, "edge_index": edge_index, "batch": batch, "params": params}


def _mlp(p, h):
    h = jnp.maximum(h @ p["W1"] + p["b1"], 0.0)
    h = jnp.maximum(h @ p["W2"] + p["b2"], 0.0)
    mean = jnp.mean(h, axis=0)
    var = jnp.var(h, axis=0)
    h = (h - mean) / jnp.sqrt(var + 1e-5) * p["gamma"] + p["beta"]
    return h


def _gin_conv(p, h, src, dst):
    # GINConv, train_eps=False (eps=0): mlp((1+0)*x + sum_{j in N(i)} x_j)
    agg = jax.ops.segment_sum(h[src], dst, num_segments=N_NODES)
    return _mlp(p, h + agg)


def reference(x, edge_index, batch, params):
    src = edge_index[0]
    dst = edge_index[1]
    h = _gin_conv(params["conv1"], x, src, dst)
    for p in params["convs"]:
        h = _gin_conv(p, h, src, dst)
    pooled = jax.ops.segment_sum(h, batch, num_segments=NUM_GRAPHS)
    h = jnp.maximum(pooled @ params["lin1_W"] + params["lin1_b"], 0.0)
    # dropout is identity in eval mode
    out = h @ params["lin2_W"] + params["lin2_b"]
    return out.reshape((out.shape[0],))

if __name__ == "__main__":
    import jax
    _d = setup_inputs()
    print(jax.jit(kernel)(*tuple(_d.values())))

</pallas_src>

<mosaic_0001>
#map = affine_map<(d0, d1) -> (0, 0)>
#map1 = affine_map<(d0, d1) -> (0)>
module attributes {stable_mosaic.version = 14 : i64} {
  func.func @agg(%arg0: i32, %arg1: i32, %arg2: memref<53248x64xf32, #tpu.memory_space<hbm>>, %arg3: memref<800768xi32, #tpu.memory_space<hbm>>, %arg4: memref<800768xi32, #tpu.memory_space<hbm>>, %arg5: memref<112x64xf32, #tpu.memory_space<hbm>>, %arg6: memref<53248x64xf32, #tpu.memory_space<hbm>>, %arg7: memref<25104x64xf32, #tpu.memory_space<vmem_shared>>, %arg8: memref<128xi32, #tpu.memory_space<vmem>>, %arg9: memref<128xi32, #tpu.memory_space<vmem>>, %arg10: memref<128xi32, #tpu.memory_space<vmem>>, %arg11: memref<128x64xf32, #tpu.memory_space<vmem>>, %arg12: memref<112x64xf32, #tpu.memory_space<vmem>>, %arg13: memref<!tpu.dma_semaphore, #tpu.memory_space<semaphore_mem>>) attributes {dimension_semantics = [#tpu.dimension_semantics<core_parallel>, #tpu.dimension_semantics<subcore_parallel>], iteration_bounds = array<i64: 2, 16>, scalar_prefetch = 0 : i64, scratch_operands = 7 : i64, tpu.core_type = #tpu.core_type<sc_vector_subcore>, window_params = [{transform_indices = #map}, {transform_indices = #map1}, {transform_indices = #map1}, {transform_indices = #map}, {transform_indices = #map}]} {
    "tpu.region"() ({
      %run_scoped3A = tpu.sem_alloc : memref<!tpu.dma_semaphore, #tpu.memory_space<semaphore_mem>>
      tpu.enqueue_dma source(%arg5 : memref<112x64xf32, #tpu.memory_space<hbm>>) target(%arg12 : memref<112x64xf32, #tpu.memory_space<vmem>>) target_semaphore(%run_scoped3A : memref<!tpu.dma_semaphore, #tpu.memory_space<semaphore_mem>>)
      tpu.wait_dma2 semaphore(%run_scoped3A : memref<!tpu.dma_semaphore, #tpu.memory_space<semaphore_mem>>) src(%arg5 : memref<112x64xf32, #tpu.memory_space<hbm>>) dst(%arg12 : memref<112x64xf32, #tpu.memory_space<vmem>>)
      tpu.yield
    }) : () -> ()
    %scan3A = arith.constant 0 : i32
    %scan3A_0 = arith.constant 0 : i32
    %scan3A_1 = arith.constant 14 : i32
    %scan3A_2 = arith.addi %scan3A_0, %scan3A_1 : i32
    %scan3A_3 = arith.constant 1 : i32
    scf.for %scan3A_21 = %scan3A_0 to %scan3A_2 step %scan3A_3  : i32 {
      %mul3A_22 = arith.constant 1568 : i32
      %mul3A_23 = arith.muli %arg1, %mul3A_22 : i32
      %mul3A_24 = arith.constant 112 : i32
      %mul3A_25 = arith.muli %scan3A_21, %mul3A_24 : i32
      %add3A = arith.addi %mul3A_23, %mul3A_25 : i32
      "tpu.region"() ({
        %run_scoped3A = tpu.sem_alloc : memref<!tpu.dma_semaphore, #tpu.memory_space<semaphore_mem>>
        %dma_start3A = arith.constant 0 : i32
        %dma_start3A_26 = tpu.memref_slice %arg7[%add3A, %dma_start3A] : memref<25104x64xf32, #tpu.memory_space<vmem_shared>> -> memref<112x64xf32, #tpu.memory_space<vmem_shared>>
        %dma_start3A_27 = arith.constant 0 : i32
        %dma_start3A_28 = tpu.memref_slice %arg7[%add3A, %dma_start3A_27] : memref<25104x64xf32, #tpu.memory_space<vmem_shared>> -> memref<112x64xf32, #tpu.memory_space<vmem_shared>>
        tpu.enqueue_dma source(%arg12 : memref<112x64xf32, #tpu.memory_space<vmem>>) target(%dma_start3A_28 : memref<112x64xf32, #tpu.memory_space<vmem_shared>>) target_semaphore(%run_scoped3A : memref<!tpu.dma_semaphore, #tpu.memory_space<semaphore_mem>>)
        %dma_wait3A = arith.constant 0 : i32
        %dma_wait3A_29 = tpu.memref_slice %arg7[%add3A, %dma_wait3A] : memref<25104x64xf32, #tpu.memory_space<vmem_shared>> -> memref<112x64xf32, #tpu.memory_space<vmem_shared>>
        %dma_wait3A_30 = arith.constant 0 : i32
        %dma_wait3A_31 = tpu.memref_slice %arg7[%add3A, %dma_wait3A_30] : memref<25104x64xf32, #tpu.memory_space<vmem_shared>> -> memref<112x64xf32, #tpu.memory_space<vmem_shared>>
        tpu.wait_dma2 semaphore(%run_scoped3A : memref<!tpu.dma_semaphore, #tpu.memory_space<semaphore_mem>>) src(%arg12 : memref<112x64xf32, #tpu.memory_space<vmem>>) dst(%dma_wait3A_31 : memref<112x64xf32, #tpu.memory_space<vmem_shared>>)
        tpu.yield
      }) : () -> ()
    }
    %scan3A_4 = arith.constant 14 : i32
    %eq3A = arith.constant 0 : i32
    %eq3A_5 = arith.cmpi eq, %arg1, %eq3A : i32
    %convert_element_type3A = arith.extui %eq3A_5 : i1 to i32
    %cond3A = arith.constant 0 : i32
    %cond3A_6 = arith.cmpi ne, %convert_element_type3A, %cond3A : i32
    scf.if %cond3A_6 {
      "tpu.region"() ({
        %run_scoped3A = tpu.sem_alloc : memref<!tpu.dma_semaphore, #tpu.memory_space<semaphore_mem>>
        %dma_start3A = arith.constant 0 : i32
        %dma_start3A_21 = arith.constant 0 : i32
        %dma_start3A_22 = tpu.memref_slice %arg12[%dma_start3A, %dma_start3A_21] : memref<112x64xf32, #tpu.memory_space<vmem>> -> memref<16x64xf32, #tpu.memory_space<vmem>>
        %dma_start3A_23 = arith.constant 25088 : i32
        %dma_start3A_24 = arith.constant 0 : i32
        %dma_start3A_25 = tpu.memref_slice %arg7[%dma_start3A_23, %dma_start3A_24] : memref<25104x64xf32, #tpu.memory_space<vmem_shared>> -> memref<16x64xf32, #tpu.memory_space<vmem_shared>>
        %dma_start3A_26 = arith.constant 25088 : i32
        %dma_start3A_27 = arith.constant 0 : i32
        %dma_start3A_28 = tpu.memref_slice %arg7[%dma_start3A_26, %dma_start3A_27] : memref<25104x64xf32, #tpu.memory_space<vmem_shared>> -> memref<16x64xf32, #tpu.memory_space<vmem_shared>>
        %dma_start3A_29 = arith.constant 0 : i32
        %dma_start3A_30 = arith.constant 0 : i32
        %dma_start3A_31 = tpu.memref_slice %arg12[%dma_start3A_29, %dma_start3A_30] : memref<112x64xf32, #tpu.memory_space<vmem>> -> memref<16x64xf32, #tpu.memory_space<vmem>>
        tpu.enqueue_dma source(%dma_start3A_31 : memref<16x64xf32, #tpu.memory_space<vmem>>) target(%dma_start3A_28 : memref<16x64xf32, #tpu.memory_space<vmem_shared>>) target_semaphore(%run_scoped3A : memref<!tpu.dma_semaphore, #tpu.memory_space<semaphore_mem>>)
        %dma_wait3A = arith.constant 0 : i32
        %dma_wait3A_32 = arith.constant 0 : i32
        %dma_wait3A_33 = tpu.memref_slice %arg12[%dma_wait3A, %dma_wait3A_32] : memref<112x64xf32, #tpu.memory_space<vmem>> -> memref<16x64xf32, #tpu.memory_space<vmem>>
        %dma_wait3A_34 = arith.constant 25088 : i32
        %dma_wait3A_35 = arith.constant 0 : i32
        %dma_wait3A_36 = tpu.memref_slice %arg7[%dma_wait3A_34, %dma_wait3A_35] : memref<25104x64xf32, #tpu.memory_space<vmem_shared>> -> memref<16x64xf32, #tpu.memory_space<vmem_shared>>
        %dma_wait3A_37 = arith.constant 25088 : i32
        %dma_wait3A_38 = arith.constant 0 : i32
        %dma_wait3A_39 = tpu.memref_slice %arg7[%dma_wait3A_37, %dma_wait3A_38] : memref<25104x64xf32, #tpu.memory_space<vmem_shared>> -> memref<16x64xf32, #tpu.memory_space<vmem_shared>>
        %dma_wait3A_40 = arith.constant 0 : i32
        %dma_wait3A_41 = arith.constant 0 : i32
        %dma_wait3A_42 = tpu.memref_slice %arg12[%dma_wait3A_40, %dma_wait3A_41] : memref<112x64xf32, #tpu.memory_space<vmem>> -> memref<16x64xf32, #tpu.memory_space<vmem>>
        tpu.wait_dma2 semaphore(%run_scoped3A : memref<!tpu.dma_semaphore, #tpu.memory_space<semaphore_mem>>) src(%dma_wait3A_42 : memref<16x64xf32, #tpu.memory_space<vmem>>) dst(%dma_wait3A_39 : memref<16x64xf32, #tpu.memory_space<vmem_shared>>)
        tpu.yield
      }) : () -> ()
    } else {
    }
    %barrier3A = arith.constant 0 : index
    tpu.barrier barrier_id(%barrier3A)
    %mul3A = arith.constant 25088 : i32
    %mul3A_7 = arith.muli %arg0, %mul3A : i32
    %scan3A_8 = arith.constant 0 : i32
    %scan3A_9 = arith.constant 0 : i32
    %scan3A_10 = arith.constant 391 : i32
    %scan3A_11 = arith.addi %scan3A_9, %scan3A_10 : i32
    %scan3A_12 = arith.constant 1 : i32
    scf.for %scan3A_21 = %scan3A_9 to %scan3A_11 step %scan3A_12  : i32 {
      %mul3A_22 = arith.constant 50048 : i32
      %mul3A_23 = arith.muli %arg1, %mul3A_22 : i32
      %mul3A_24 = arith.constant 128 : i32
      %mul3A_25 = arith.muli %scan3A_21, %mul3A_24 : i32
      %add3A = arith.addi %mul3A_23, %mul3A_25 : i32
      "tpu.region"() ({
        %run_scoped3A = tpu.sem_alloc : memref<!tpu.dma_semaphore, #tpu.memory_space<semaphore_mem>>
        %dma_start3A_173 = tpu.memref_slice %arg3[%add3A] : memref<800768xi32, #tpu.memory_space<hbm>> -> memref<128xi32, #tpu.memory_space<hbm>>
        %dma_start3A_174 = tpu.memref_slice %arg3[%add3A] : memref<800768xi32, #tpu.memory_space<hbm>> -> memref<128xi32, #tpu.memory_space<hbm>>
        tpu.enqueue_dma source(%dma_start3A_174 : memref<128xi32, #tpu.memory_space<hbm>>) target(%arg8 : memref<128xi32, #tpu.memory_space<vmem>>) target_semaphore(%run_scoped3A : memref<!tpu.dma_semaphore, #tpu.memory_space<semaphore_mem>>)
        %dma_wait3A_175 = tpu.memref_slice %arg3[%add3A] : memref<800768xi32, #tpu.memory_space<hbm>> -> memref<128xi32, #tpu.memory_space<hbm>>
        %dma_wait3A_176 = tpu.memref_slice %arg3[%add3A] : memref<800768xi32, #tpu.memory_space<hbm>> -> memref<128xi32, #tpu.memory_space<hbm>>
        tpu.wait_dma2 semaphore(%run_scoped3A : memref<!tpu.dma_semaphore, #tpu.memory_space<semaphore_mem>>) src(%dma_wait3A_176 : memref<128xi32, #tpu.memory_space<hbm>>) dst(%arg8 : memref<128xi32, #tpu.memory_space<vmem>>)
        tpu.yield
      }) : () -> ()
      "tpu.region"() ({
        %run_scoped3A = tpu.sem_alloc : memref<!tpu.dma_semaphore, #tpu.memory_space<semaphore_mem>>
        %dma_start3A_173 = tpu.memref_slice %arg4[%add3A] : memref<800768xi32, #tpu.memory_space<hbm>> -> memref<128xi32, #tpu.memory_space<hbm>>
        %dma_start3A_174 = tpu.memref_slice %arg4[%add3A] : memref<800768xi32, #tpu.memory_space<hbm>> -> memref<128xi32, #tpu.memory_space<hbm>>
        tpu.enqueue_dma source(%dma_start3A_174 : memref<128xi32, #tpu.memory_space<hbm>>) target(%arg9 : memref<128xi32, #tpu.memory_space<vmem>>) target_semaphore(%run_scoped3A : memref<!tpu.dma_semaphore, #tpu.memory_space<semaphore_mem>>)
        %dma_wait3A_175 = tpu.memref_slice %arg4[%add3A] : memref<800768xi32, #tpu.memory_space<hbm>> -> memref<128xi32, #tpu.memory_space<hbm>>
        %dma_wait3A_176 = tpu.memref_slice %arg4[%add3A] : memref<800768xi32, #tpu.memory_space<hbm>> -> memref<128xi32, #tpu.memory_space<hbm>>
        tpu.wait_dma2 semaphore(%run_scoped3A : memref<!tpu.dma_semaphore, #tpu.memory_space<semaphore_mem>>) src(%dma_wait3A_176 : memref<128xi32, #tpu.memory_space<hbm>>) dst(%arg9 : memref<128xi32, #tpu.memory_space<vmem>>)
        tpu.yield
      }) : () -> ()
      %get3A = arith.constant 0 : index
      %get3A_26 = tpu.vector_load %arg9[%get3A] {strides = array<i32>} : memref<128xi32, #tpu.memory_space<vmem>>, vector<16xi32>,
      %get3A_27 = vector.shape_cast %get3A_26 : vector<16xi32> to vector<16xi32>
      %sub3A = vector.broadcast %mul3A_7 : i32 to vector<16xi32>
      %sub3A_28 = arith.subi %get3A_27, %sub3A : vector<16xi32>
      %ge3A = arith.constant 0 : i32
      %ge3A_29 = vector.broadcast %ge3A : i32 to vector<16xi32>
      %ge3A_30 = arith.cmpi sge, %sub3A_28, %ge3A_29 : vector<16xi32>
      %lt3A = arith.constant 25088 : i32
      %lt3A_31 = vector.broadcast %lt3A : i32 to vector<16xi32>
      %lt3A_32 = arith.cmpi slt, %sub3A_28, %lt3A_31 : vector<16xi32>
      %and3A = arith.andi %ge3A_30, %lt3A_32 : vector<16xi1>
      %jit3A = arith.constant 25088 : i32
      %broadcast_in_dim3A = vector.broadcast %jit3A : i32 to vector<16xi32>
      %select_n3A = arith.select %and3A, %sub3A_28, %broadcast_in_dim3A : vector<16xi1>, vector<16xi32>
      %swap3A = arith.constant 0 : index
      %swap3A_33 = tpu.vector_load %arg10[%swap3A] {strides = array<i32>} : memref<128xi32, #tpu.memory_space<vmem>>, vector<16xi32>,
      %swap3A_34 = vector.shape_cast %swap3A_33 : vector<16xi32> to vector<16xi32>
      %swap3A_35 = vector.shape_cast %select_n3A : vector<16xi32> to vector<16xi32>
      tpu.vector_store %arg10[%swap3A], %swap3A_35 {strides = array<i32>} : memref<128xi32, #tpu.memory_space<vmem>>, vector<16xi32>,
      %get3A_36 = arith.constant 16 : index
      %get3A_37 = tpu.vector_load %arg9[%get3A_36] {strides = array<i32>} : memref<128xi32, #tpu.memory_space<vmem>>, vector<16xi32>,
      %get3A_38 = vector.shape_cast %get3A_37 : vector<16xi32> to vector<16xi32>
      %sub3A_39 = vector.broadcast %mul3A_7 : i32 to vector<16xi32>
      %sub3A_40 = arith.subi %get3A_38, %sub3A_39 : vector<16xi32>
      %ge3A_41 = arith.constant 0 : i32
      %ge3A_42 = vector.broadcast %ge3A_41 : i32 to vector<16xi32>
      %ge3A_43 = arith.cmpi sge, %sub3A_40, %ge3A_42 : vector<16xi32>
      %lt3A_44 = arith.constant 25088 : i32
      %lt3A_45 = vector.broadcast %lt3A_44 : i32 to vector<16xi32>
      %lt3A_46 = arith.cmpi slt, %sub3A_40, %lt3A_45 : vector<16xi32>
      %and3A_47 = arith.andi %ge3A_43, %lt3A_46 : vector<16xi1>
      %jit3A_48 = arith.constant 25088 : i32
      %broadcast_in_dim3A_49 = vector.broadcast %jit3A_48 : i32 to vector<16xi32>
      %select_n3A_50 = arith.select %and3A_47, %sub3A_40, %broadcast_in_dim3A_49 : vector<16xi1>, vector<16xi32>
      %swap3A_51 = arith.constant 16 : index
      %swap3A_52 = tpu.vector_load %arg10[%swap3A_51] {strides = array<i32>} : memref<128xi32, #tpu.memory_space<vmem>>, vector<16xi32>,
      %swap3A_53 = vector.shape_cast %swap3A_52 : vector<16xi32> to vector<16xi32>
      %swap3A_54 = vector.shape_cast %select_n3A_50 : vector<16xi32> to vector<16xi32>
      tpu.vector_store %arg10[%swap3A_51], %swap3A_54 {strides = array<i32>} : memref<128xi32, #tpu.memory_space<vmem>>, vector<16xi32>,
      %get3A_55 = arith.constant 32 : index
      %get3A_56 = tpu.vector_load %arg9[%get3A_55] {strides = array<i32>} : memref<128xi32, #tpu.memory_space<vmem>>, vector<16xi32>,
      %get3A_57 = vector.shape_cast %get3A_56 : vector<16xi32> to vector<16xi32>
      %sub3A_58 = vector.broadcast %mul3A_7 : i32 to vector<16xi32>
      %sub3A_59 = arith.subi %get3A_57, %sub3A_58 : vector<16xi32>
      %ge3A_60 = arith.constant 0 : i32
      %ge3A_61 = vector.broadcast %ge3A_60 : i32 to vector<16xi32>
      %ge3A_62 = arith.cmpi sge, %sub3A_59, %ge3A_61 : vector<16xi32>
      %lt3A_63 = arith.constant 25088 : i32
      %lt3A_64 = vector.broadcast %lt3A_63 : i32 to vector<16xi32>
      %lt3A_65 = arith.cmpi slt, %sub3A_59, %lt3A_64 : vector<16xi32>
      %and3A_66 = arith.andi %ge3A_62, %lt3A_65 : vector<16xi1>
      %jit3A_67 = arith.constant 25088 : i32
      %broadcast_in_dim3A_68 = vector.broadcast %jit3A_67 : i32 to vector<16xi32>
      %select_n3A_69 = arith.select %and3A_66, %sub3A_59, %broadcast_in_dim3A_68 : vector<16xi1>, vector<16xi32>
      %swap3A_70 = arith.constant 32 : index
      %swap3A_71 = tpu.vector_load %arg10[%swap3A_70] {strides = array<i32>} : memref<128xi32, #tpu.memory_space<vmem>>, vector<16xi32>,
      %swap3A_72 = vector.shape_cast %swap3A_71 : vector<16xi32> to vector<16xi32>
      %swap3A_73 = vector.shape_cast %select_n3A_69 : vector<16xi32> to vector<16xi32>
      tpu.vector_store %arg10[%swap3A_70], %swap3A_73 {strides = array<i32>} : memref<128xi32, #tpu.memory_space<vmem>>, vector<16xi32>,
      %get3A_74 = arith.constant 48 : index
      %get3A_75 = tpu.vector_load %arg9[%get3A_74] {strides = array<i32>} : memref<128xi32, #tpu.memory_space<vmem>>, vector<16xi32>,
      %get3A_76 = vector.shape_cast %get3A_75 : vector<16xi32> to vector<16xi32>
      %sub3A_77 = vector.broadcast %mul3A_7 : i32 to vector<16xi32>
      %sub3A_78 = arith.subi %get3A_76, %sub3A_77 : vector<16xi32>
      %ge3A_79 = arith.constant 0 : i32
      %ge3A_80 = vector.broadcast %ge3A_79 : i32 to vector<16xi32>
      %ge3A_81 = arith.cmpi sge, %sub3A_78, %ge3A_80 : vector<16xi32>
      %lt3A_82 = arith.constant 25088 : i32
      %lt3A_83 = vector.broadcast %lt3A_82 : i32 to vector<16xi32>
      %lt3A_84 = arith.cmpi slt, %sub3A_78, %lt3A_83 : vector<16xi32>
      %and3A_85 = arith.andi %ge3A_81, %lt3A_84 : vector<16xi1>
      %jit3A_86 = arith.constant 25088 : i32
      %broadcast_in_dim3A_87 = vector.broadcast %jit3A_86 : i32 to vector<16xi32>
      %select_n3A_88 = arith.select %and3A_85, %sub3A_78, %broadcast_in_dim3A_87 : vector<16xi1>, vector<16xi32>
      %swap3A_89 = arith.constant 48 : index
      %swap3A_90 = tpu.vector_load %arg10[%swap3A_89] {strides = array<i32>} : memref<128xi32, #tpu.memory_space<vmem>>, vector<16xi32>,
      %swap3A_91 = vector.shape_cast %swap3A_90 : vector<16xi32> to vector<16xi32>
      %swap3A_92 = vector.shape_cast %select_n3A_88 : vector<16xi32> to vector<16xi32>
      tpu.vector_store %arg10[%swap3A_89], %swap3A_92 {strides = array<i32>} : memref<128xi32, #tpu.memory_space<vmem>>, vector<16xi32>,
      %get3A_93 = arith.constant 64 : index
      %get3A_94 = tpu.vector_load %arg9[%get3A_93] {strides = array<i32>} : memref<128xi32, #tpu.memory_space<vmem>>, vector<16xi32>,
      %get3A_95 = vector.shape_cast %get3A_94 : vector<16xi32> to vector<16xi32>
      %sub3A_96 = vector.broadcast %mul3A_7 : i32 to vector<16xi32>
      %sub3A_97 = arith.subi %get3A_95, %sub3A_96 : vector<16xi32>
      %ge3A_98 = arith.constant 0 : i32
      %ge3A_99 = vector.broadcast %ge3A_98 : i32 to vector<16xi32>
      %ge3A_100 = arith.cmpi sge, %sub3A_97, %ge3A_99 : vector<16xi32>
      %lt3A_101 = arith.constant 25088 : i32
      %lt3A_102 = vector.broadcast %lt3A_101 : i32 to vector<16xi32>
      %lt3A_103 = arith.cmpi slt, %sub3A_97, %lt3A_102 : vector<16xi32>
      %and3A_104 = arith.andi %ge3A_100, %lt3A_103 : vector<16xi1>
      %jit3A_105 = arith.constant 25088 : i32
      %broadcast_in_dim3A_106 = vector.broadcast %jit3A_105 : i32 to vector<16xi32>
      %select_n3A_107 = arith.select %and3A_104, %sub3A_97, %broadcast_in_dim3A_106 : vector<16xi1>, vector<16xi32>
      %swap3A_108 = arith.constant 64 : index
      %swap3A_109 = tpu.vector_load %arg10[%swap3A_108] {strides = array<i32>} : memref<128xi32, #tpu.memory_space<vmem>>, vector<16xi32>,
      %swap3A_110 = vector.shape_cast %swap3A_109 : vector<16xi32> to vector<16xi32>
      %swap3A_111 = vector.shape_cast %select_n3A_107 : vector<16xi32> to vector<16xi32>
      tpu.vector_store %arg10[%swap3A_108], %swap3A_111 {strides = array<i32>} : memref<128xi32, #tpu.memory_space<vmem>>, vector<16xi32>,
      %get3A_112 = arith.constant 80 : index
      %get3A_113 = tpu.vector_load %arg9[%get3A_112] {strides = array<i32>} : memref<128xi32, #tpu.memory_space<vmem>>, vector<16xi32>,
      %get3A_114 = vector.shape_cast %get3A_113 : vector<16xi32> to vector<16xi32>
      %sub3A_115 = vector.broadcast %mul3A_7 : i32 to vector<16xi32>
      %sub3A_116 = arith.subi %get3A_114, %sub3A_115 : vector<16xi32>
      %ge3A_117 = arith.constant 0 : i32
      %ge3A_118 = vector.broadcast %ge3A_117 : i32 to vector<16xi32>
      %ge3A_119 = arith.cmpi sge, %sub3A_116, %ge3A_118 : vector<16xi32>
      %lt3A_120 = arith.constant 25088 : i32
      %lt3A_121 = vector.broadcast %lt3A_120 : i32 to vector<16xi32>
      %lt3A_122 = arith.cmpi slt, %sub3A_116, %lt3A_121 : vector<16xi32>
      %and3A_123 = arith.andi %ge3A_119, %lt3A_122 : vector<16xi1>
      %jit3A_124 = arith.constant 25088 : i32
      %broadcast_in_dim3A_125 = vector.broadcast %jit3A_124 : i32 to vector<16xi32>
      %select_n3A_126 = arith.select %and3A_123, %sub3A_116, %broadcast_in_dim3A_125 : vector<16xi1>, vector<16xi32>
      %swap3A_127 = arith.constant 80 : index
      %swap3A_128 = tpu.vector_load %arg10[%swap3A_127] {strides = array<i32>} : memref<128xi32, #tpu.memory_space<vmem>>, vector<16xi32>,
      %swap3A_129 = vector.shape_cast %swap3A_128 : vector<16xi32> to vector<16xi32>
      %swap3A_130 = vector.shape_cast %select_n3A_126 : vector<16xi32> to vector<16xi32>
      tpu.vector_store %arg10[%swap3A_127], %swap3A_130 {strides = array<i32>} : memref<128xi32, #tpu.memory_space<vmem>>, vector<16xi32>,
      %get3A_131 = arith.constant 96 : index
      %get3A_132 = tpu.vector_load %arg9[%get3A_131] {strides = array<i32>} : memref<128xi32, #tpu.memory_space<vmem>>, vector<16xi32>,
      %get3A_133 = vector.shape_cast %get3A_132 : vector<16xi32> to vector<16xi32>
      %sub3A_134 = vector.broadcast %mul3A_7 : i32 to vector<16xi32>
      %sub3A_135 = arith.subi %get3A_133, %sub3A_134 : vector<16xi32>
      %ge3A_136 = arith.constant 0 : i32
      %ge3A_137 = vector.broadcast %ge3A_136 : i32 to vector<16xi32>
      %ge3A_138 = arith.cmpi sge, %sub3A_135, %ge3A_137 : vector<16xi32>
      %lt3A_139 = arith.constant 25088 : i32
      %lt3A_140 = vector.broadcast %lt3A_139 : i32 to vector<16xi32>
      %lt3A_141 = arith.cmpi slt, %sub3A_135, %lt3A_140 : vector<16xi32>
      %and3A_142 = arith.andi %ge3A_138, %lt3A_141 : vector<16xi1>
      %jit3A_143 = arith.constant 25088 : i32
      %broadcast_in_dim3A_144 = vector.broadcast %jit3A_143 : i32 to vector<16xi32>
      %select_n3A_145 = arith.select %and3A_142, %sub3A_135, %broadcast_in_dim3A_144 : vector<16xi1>, vector<16xi32>
      %swap3A_146 = arith.constant 96 : index
      %swap3A_147 = tpu.vector_load %arg10[%swap3A_146] {strides = array<i32>} : memref<128xi32, #tpu.memory_space<vmem>>, vector<16xi32>,
      %swap3A_148 = vector.shape_cast %swap3A_147 : vector<16xi32> to vector<16xi32>
      %swap3A_149 = vector.shape_cast %select_n3A_145 : vector<16xi32> to vector<16xi32>
      tpu.vector_store %arg10[%swap3A_146], %swap3A_149 {strides = array<i32>} : memref<128xi32, #tpu.memory_space<vmem>>, vector<16xi32>,
      %get3A_150 = arith.constant 112 : index
      %get3A_151 = tpu.vector_load %arg9[%get3A_150] {strides = array<i32>} : memref<128xi32, #tpu.memory_space<vmem>>, vector<16xi32>,
      %get3A_152 = vector.shape_cast %get3A_151 : vector<16xi32> to vector<16xi32>
      %sub3A_153 = vector.broadcast %mul3A_7 : i32 to vector<16xi32>
      %sub3A_154 = arith.subi %get3A_152, %sub3A_153 : vector<16xi32>
      %ge3A_155 = arith.constant 0 : i32
      %ge3A_156 = vector.broadcast %ge3A_155 : i32 to vector<16xi32>
      %ge3A_157 = arith.cmpi sge, %sub3A_154, %ge3A_156 : vector<16xi32>
      %lt3A_158 = arith.constant 25088 : i32
      %lt3A_159 = vector.broadcast %lt3A_158 : i32 to vector<16xi32>
      %lt3A_160 = arith.cmpi slt, %sub3A_154, %lt3A_159 : vector<16xi32>
      %and3A_161 = arith.andi %ge3A_157, %lt3A_160 : vector<16xi1>
      %jit3A_162 = arith.constant 25088 : i32
      %broadcast_in_dim3A_163 = vector.broadcast %jit3A_162 : i32 to vector<16xi32>
      %select_n3A_164 = arith.select %and3A_161, %sub3A_154, %broadcast_in_dim3A_163 : vector<16xi1>, vector<16xi32>
      %swap3A_165 = arith.constant 112 : index
      %swap3A_166 = tpu.vector_load %arg10[%swap3A_165] {strides = array<i32>} : memref<128xi32, #tpu.memory_space<vmem>>, vector<16xi32>,
      %swap3A_167 = vector.shape_cast %swap3A_166 : vector<16xi32> to vector<16xi32>
      %swap3A_168 = vector.shape_cast %select_n3A_164 : vector<16xi32> to vector<16xi32>
      tpu.vector_store %arg10[%swap3A_165], %swap3A_168 {strides = array<i32>} : memref<128xi32, #tpu.memory_space<vmem>>, vector<16xi32>,
      %dma_start3A = arith.constant 0 : i32
      %dma_start3A_169 = arith.constant 0 : i32
      %dma_start3A_170 = tpu.memref_slice %arg2[%dma_start3A, %dma_start3A_169] : memref<53248x64xf32, #tpu.memory_space<hbm>> -> memref<53248x64xf32, #tpu.memory_space<hbm>>
      tpu.enqueue_indirect_dma source(%dma_start3A_170 : memref<53248x64xf32, #tpu.memory_space<hbm>>) target(%arg11 : memref<128x64xf32, #tpu.memory_space<vmem>>) offsets(%arg8 : memref<128xi32, #tpu.memory_space<vmem>>) semaphore(%arg13 : memref<!tpu.dma_semaphore, #tpu.memory_space<semaphore_mem>>)
      %dma_wait3A = arith.constant 0 : i32
      %dma_wait3A_171 = arith.constant 0 : i32
      %dma_wait3A_172 = tpu.memref_slice %arg2[%dma_wait3A, %dma_wait3A_171] : memref<53248x64xf32, #tpu.memory_space<hbm>> -> memref<53248x64xf32, #tpu.memory_space<hbm>>
      tpu.wait_indirect_dma semaphore(%arg13 : memref<!tpu.dma_semaphore, #tpu.memory_space<semaphore_mem>>) src(%dma_wait3A_172 : memref<53248x64xf32, #tpu.memory_space<hbm>>) dst(%arg11 : memref<128x64xf32, #tpu.memory_space<vmem>>)
      "tpu.region"() ({
        %run_scoped3A = tpu.sem_alloc : memref<!tpu.dma_semaphore, #tpu.memory_space<semaphore_mem>>
        %dma_start3A_173 = arith.constant 0 : i32
        %dma_start3A_174 = arith.constant 0 : i32
        %dma_start3A_175 = tpu.memref_slice %arg7[%dma_start3A_173, %dma_start3A_174] : memref<25104x64xf32, #tpu.memory_space<vmem_shared>> -> memref<25104x64xf32, #tpu.memory_space<vmem_shared>>
        tpu.enqueue_indirect_dma source(%arg11 : memref<128x64xf32, #tpu.memory_space<vmem>>) target(%dma_start3A_175 : memref<25104x64xf32, #tpu.memory_space<vmem_shared>>) offsets(%arg10 : memref<128xi32, #tpu.memory_space<vmem>>) semaphore(%run_scoped3A : memref<!tpu.dma_semaphore, #tpu.memory_space<semaphore_mem>>) {add = true}
        %dma_wait3A_176 = arith.constant 0 : i32
        %dma_wait3A_177 = arith.constant 0 : i32
        %dma_wait3A_178 = tpu.memref_slice %arg7[%dma_wait3A_176, %dma_wait3A_177] : memref<25104x64xf32, #tpu.memory_space<vmem_shared>> -> memref<25104x64xf32, #tpu.memory_space<vmem_shared>>
        tpu.wait_indirect_dma semaphore(%run_scoped3A : memref<!tpu.dma_semaphore, #tpu.memory_space<semaphore_mem>>) src(%arg11 : memref<128x64xf32, #tpu.memory_space<vmem>>) dst(%dma_wait3A_178 : memref<25104x64xf32, #tpu.memory_space<vmem_shared>>)
        tpu.yield
      }) : () -> ()
    }
    %scan3A_13 = arith.constant 391 : i32
    %barrier3A_14 = arith.constant 0 : index
    tpu.barrier barrier_id(%barrier3A_14)
    %scan3A_15 = arith.constant 0 : i32
    %scan3A_16 = arith.constant 0 : i32
    %scan3A_17 = arith.constant 14 : i32
    %scan3A_18 = arith.addi %scan3A_16, %scan3A_17 : i32
    %scan3A_19 = arith.constant 1 : i32
    scf.for %scan3A_21 = %scan3A_16 to %scan3A_18 step %scan3A_19  : i32 {
      %mul3A_22 = arith.constant 1568 : i32
      %mul3A_23 = arith.muli %arg1, %mul3A_22 : i32
      %mul3A_24 = arith.constant 112 : i32
      %mul3A_25 = arith.muli %scan3A_21, %mul3A_24 : i32
      %add3A = arith.addi %mul3A_23, %mul3A_25 : i32
      "tpu.region"() ({
        %run_scoped3A = tpu.sem_alloc : memref<!tpu.dma_semaphore, #tpu.memory_space<semaphore_mem>>
        %dma_start3A = arith.constant 0 : i32
        %dma_start3A_27 = tpu.memref_slice %arg7[%add3A, %dma_start3A] : memref<25104x64xf32, #tpu.memory_space<vmem_shared>> -> memref<112x64xf32, #tpu.memory_space<vmem_shared>>
        %dma_start3A_28 = arith.constant 0 : i32
        %dma_start3A_29 = tpu.memref_slice %arg7[%add3A, %dma_start3A_28] : memref<25104x64xf32, #tpu.memory_space<vmem_shared>> -> memref<112x64xf32, #tpu.memory_space<vmem_shared>>
        tpu.enqueue_dma source(%dma_start3A_29 : memref<112x64xf32, #tpu.memory_space<vmem_shared>>) target(%arg12 : memref<112x64xf32, #tpu.memory_space<vmem>>) target_semaphore(%run_scoped3A : memref<!tpu.dma_semaphore, #tpu.memory_space<semaphore_mem>>)
        %dma_wait3A = arith.constant 0 : i32
        %dma_wait3A_30 = tpu.memref_slice %arg7[%add3A, %dma_wait3A] : memref<25104x64xf32, #tpu.memory_space<vmem_shared>> -> memref<112x64xf32, #tpu.memory_space<vmem_shared>>
        %dma_wait3A_31 = arith.constant 0 : i32
        %dma_wait3A_32 = tpu.memref_slice %arg7[%add3A, %dma_wait3A_31] : memref<25104x64xf32, #tpu.memory_space<vmem_shared>> -> memref<112x64xf32, #tpu.memory_space<vmem_shared>>
        tpu.wait_dma2 semaphore(%run_scoped3A : memref<!tpu.dma_semaphore, #tpu.memory_space<semaphore_mem>>) src(%dma_wait3A_32 : memref<112x64xf32, #tpu.memory_space<vmem_shared>>) dst(%arg12 : memref<112x64xf32, #tpu.memory_space<vmem>>)
        tpu.yield
      }) : () -> ()
      %add3A_26 = arith.addi %mul3A_7, %add3A : i32
      "tpu.region"() ({
        %run_scoped3A = tpu.sem_alloc : memref<!tpu.dma_semaphore, #tpu.memory_space<semaphore_mem>>
        %dma_start3A = arith.constant 0 : i32
        %dma_start3A_27 = tpu.memref_slice %arg6[%add3A_26, %dma_start3A] : memref<53248x64xf32, #tpu.memory_space<hbm>> -> memref<112x64xf32, #tpu.memory_space<hbm>>
        %dma_start3A_28 = arith.constant 0 : i32
        %dma_start3A_29 = tpu.memref_slice %arg6[%add3A_26, %dma_start3A_28] : memref<53248x64xf32, #tpu.memory_space<hbm>> -> memref<112x64xf32, #tpu.memory_space<hbm>>
        tpu.enqueue_dma source(%arg12 : memref<112x64xf32, #tpu.memory_space<vmem>>) target(%dma_start3A_29 : memref<112x64xf32, #tpu.memory_space<hbm>>) target_semaphore(%run_scoped3A : memref<!tpu.dma_semaphore, #tpu.memory_space<semaphore_mem>>)
        %dma_wait3A = arith.constant 0 : i32
        %dma_wait3A_30 = tpu.memref_slice %arg6[%add3A_26, %dma_wait3A] : memref<53248x64xf32, #tpu.memory_space<hbm>> -> memref<112x64xf32, #tpu.memory_space<hbm>>
        %dma_wait3A_31 = arith.constant 0 : i32
        %dma_wait3A_32 = tpu.memref_slice %arg6[%add3A_26, %dma_wait3A_31] : memref<53248x64xf32, #tpu.memory_space<hbm>> -> memref<112x64xf32, #tpu.memory_space<hbm>>
        tpu.wait_dma2 semaphore(%run_scoped3A : memref<!tpu.dma_semaphore, #tpu.memory_space<semaphore_mem>>) src(%arg12 : memref<112x64xf32, #tpu.memory_space<vmem>>) dst(%dma_wait3A_32 : memref<112x64xf32, #tpu.memory_space<hbm>>)
        tpu.yield
      }) : () -> ()
    }
    %scan3A_20 = arith.constant 14 : i32
    return
  }
}

#map = affine_map<(d0, d1) -> (0, 0)>
#map1 = affine_map<(d0, d1) -> (0)>
module attributes {stable_mosaic.version = 14 : i64} {
  func.func @agg(%arg0: i32, %arg1: i32, %arg2: memref<53248x16xf32, #tpu.memory_space<hbm>>, %arg3: memref<800768xi32, #tpu.memory_space<hbm>>, %arg4: memref<800768xi32, #tpu.memory_space<hbm>>, %arg5: memref<112x16xf32, #tpu.memory_space<hbm>>, %arg6: memref<53248x16xf32, #tpu.memory_space<hbm>>, %arg7: memref<25104x16xf32, #tpu.memory_space<vmem_shared>>, %arg8: memref<128xi32, #tpu.memory_space<vmem>>, %arg9: memref<128xi32, #tpu.memory_space<vmem>>, %arg10: memref<128xi32, #tpu.memory_space<vmem>>, %arg11: memref<128x16xf32, #tpu.memory_space<vmem>>, %arg12: memref<112x16xf32, #tpu.memory_space<vmem>>, %arg13: memref<!tpu.dma_semaphore, #tpu.memory_space<semaphore_mem>>) attributes {dimension_semantics = [#tpu.dimension_semantics<core_parallel>, #tpu.dimension_semantics<subcore_parallel>], iteration_bounds = array<i64: 2, 16>, scalar_prefetch = 0 : i64, scratch_operands = 7 : i64, tpu.core_type = #tpu.core_type<sc_vector_subcore>, window_params = [{transform_indices = #map}, {transform_indices = #map1}, {transform_indices = #map1}, {transform_indices = #map}, {transform_indices = #map}]} {
    "tpu.region"() ({
      %run_scoped3A = tpu.sem_alloc : memref<!tpu.dma_semaphore, #tpu.memory_space<semaphore_mem>>
      tpu.enqueue_dma source(%arg5 : memref<112x16xf32, #tpu.memory_space<hbm>>) target(%arg12 : memref<112x16xf32, #tpu.memory_space<vmem>>) target_semaphore(%run_scoped3A : memref<!tpu.dma_semaphore, #tpu.memory_space<semaphore_mem>>)
      tpu.wait_dma2 semaphore(%run_scoped3A : memref<!tpu.dma_semaphore, #tpu.memory_space<semaphore_mem>>) src(%arg5 : memref<112x16xf32, #tpu.memory_space<hbm>>) dst(%arg12 : memref<112x16xf32, #tpu.memory_space<vmem>>)
      tpu.yield
    }) : () -> ()
    %scan3A = arith.constant 0 : i32
    %scan3A_0 = arith.constant 0 : i32
    %scan3A_1 = arith.constant 14 : i32
    %scan3A_2 = arith.addi %scan3A_0, %scan3A_1 : i32
    %scan3A_3 = arith.constant 1 : i32
    scf.for %scan3A_21 = %scan3A_0 to %scan3A_2 step %scan3A_3  : i32 {
      %mul3A_22 = arith.constant 1568 : i32
      %mul3A_23 = arith.muli %arg1, %mul3A_22 : i32
      %mul3A_24 = arith.constant 112 : i32
      %mul3A_25 = arith.muli %scan3A_21, %mul3A_24 : i32
      %add3A = arith.addi %mul3A_23, %mul3A_25 : i32
      "tpu.region"() ({
        %run_scoped3A = tpu.sem_alloc : memref<!tpu.dma_semaphore, #tpu.memory_space<semaphore_mem>>
        %dma_start3A = arith.constant 0 : i32
        %dma_start3A_26 = tpu.memref_slice %arg7[%add3A, %dma_start3A] : memref<25104x16xf32, #tpu.memory_space<vmem_shared>> -> memref<112x16xf32, #tpu.memory_space<vmem_shared>>
        %dma_start3A_27 = arith.constant 0 : i32
        %dma_start3A_28 = tpu.memref_slice %arg7[%add3A, %dma_start3A_27] : memref<25104x16xf32, #tpu.memory_space<vmem_shared>> -> memref<112x16xf32, #tpu.memory_space<vmem_shared>>
        tpu.enqueue_dma source(%arg12 : memref<112x16xf32, #tpu.memory_space<vmem>>) target(%dma_start3A_28 : memref<112x16xf32, #tpu.memory_space<vmem_shared>>) target_semaphore(%run_scoped3A : memref<!tpu.dma_semaphore, #tpu.memory_space<semaphore_mem>>)
        %dma_wait3A = arith.constant 0 : i32
        %dma_wait3A_29 = tpu.memref_slice %arg7[%add3A, %dma_wait3A] : memref<25104x16xf32, #tpu.memory_space<vmem_shared>> -> memref<112x16xf32, #tpu.memory_space<vmem_shared>>
        %dma_wait3A_30 = arith.constant 0 : i32
        %dma_wait3A_31 = tpu.memref_slice %arg7[%add3A, %dma_wait3A_30] : memref<25104x16xf32, #tpu.memory_space<vmem_shared>> -> memref<112x16xf32, #tpu.memory_space<vmem_shared>>
        tpu.wait_dma2 semaphore(%run_scoped3A : memref<!tpu.dma_semaphore, #tpu.memory_space<semaphore_mem>>) src(%arg12 : memref<112x16xf32, #tpu.memory_space<vmem>>) dst(%dma_wait3A_31 : memref<112x16xf32, #tpu.memory_space<vmem_shared>>)
        tpu.yield
      }) : () -> ()
    }
    %scan3A_4 = arith.constant 14 : i32
    %eq3A = arith.constant 0 : i32
    %eq3A_5 = arith.cmpi eq, %arg1, %eq3A : i32
    %convert_element_type3A = arith.extui %eq3A_5 : i1 to i32
    %cond3A = arith.constant 0 : i32
    %cond3A_6 = arith.cmpi ne, %convert_element_type3A, %cond3A : i32
    scf.if %cond3A_6 {
      "tpu.region"() ({
        %run_scoped3A = tpu.sem_alloc : memref<!tpu.dma_semaphore, #tpu.memory_space<semaphore_mem>>
        %dma_start3A = arith.constant 0 : i32
        %dma_start3A_21 = arith.constant 0 : i32
        %dma_start3A_22 = tpu.memref_slice %arg12[%dma_start3A, %dma_start3A_21] : memref<112x16xf32, #tpu.memory_space<vmem>> -> memref<16x16xf32, #tpu.memory_space<vmem>>
        %dma_start3A_23 = arith.constant 25088 : i32
        %dma_start3A_24 = arith.constant 0 : i32
        %dma_start3A_25 = tpu.memref_slice %arg7[%dma_start3A_23, %dma_start3A_24] : memref<25104x16xf32, #tpu.memory_space<vmem_shared>> -> memref<16x16xf32, #tpu.memory_space<vmem_shared>>
        %dma_start3A_26 = arith.constant 25088 : i32
        %dma_start3A_27 = arith.constant 0 : i32
        %dma_start3A_28 = tpu.memref_slice %arg7[%dma_start3A_26, %dma_start3A_27] : memref<25104x16xf32, #tpu.memory_space<vmem_shared>> -> memref<16x16xf32, #tpu.memory_space<vmem_shared>>
        %dma_start3A_29 = arith.constant 0 : i32
        %dma_start3A_30 = arith.constant 0 : i32
        %dma_start3A_31 = tpu.memref_slice %arg12[%dma_start3A_29, %dma_start3A_30] : memref<112x16xf32, #tpu.memory_space<vmem>> -> memref<16x16xf32, #tpu.memory_space<vmem>>
        tpu.enqueue_dma source(%dma_start3A_31 : memref<16x16xf32, #tpu.memory_space<vmem>>) target(%dma_start3A_28 : memref<16x16xf32, #tpu.memory_space<vmem_shared>>) target_semaphore(%run_scoped3A : memref<!tpu.dma_semaphore, #tpu.memory_space<semaphore_mem>>)
        %dma_wait3A = arith.constant 0 : i32
        %dma_wait3A_32 = arith.constant 0 : i32
        %dma_wait3A_33 = tpu.memref_slice %arg12[%dma_wait3A, %dma_wait3A_32] : memref<112x16xf32, #tpu.memory_space<vmem>> -> memref<16x16xf32, #tpu.memory_space<vmem>>
        %dma_wait3A_34 = arith.constant 25088 : i32
        %dma_wait3A_35 = arith.constant 0 : i32
        %dma_wait3A_36 = tpu.memref_slice %arg7[%dma_wait3A_34, %dma_wait3A_35] : memref<25104x16xf32, #tpu.memory_space<vmem_shared>> -> memref<16x16xf32, #tpu.memory_space<vmem_shared>>
        %dma_wait3A_37 = arith.constant 25088 : i32
        %dma_wait3A_38 = arith.constant 0 : i32
        %dma_wait3A_39 = tpu.memref_slice %arg7[%dma_wait3A_37, %dma_wait3A_38] : memref<25104x16xf32, #tpu.memory_space<vmem_shared>> -> memref<16x16xf32, #tpu.memory_space<vmem_shared>>
        %dma_wait3A_40 = arith.constant 0 : i32
        %dma_wait3A_41 = arith.constant 0 : i32
        %dma_wait3A_42 = tpu.memref_slice %arg12[%dma_wait3A_40, %dma_wait3A_41] : memref<112x16xf32, #tpu.memory_space<vmem>> -> memref<16x16xf32, #tpu.memory_space<vmem>>
        tpu.wait_dma2 semaphore(%run_scoped3A : memref<!tpu.dma_semaphore, #tpu.memory_space<semaphore_mem>>) src(%dma_wait3A_42 : memref<16x16xf32, #tpu.memory_space<vmem>>) dst(%dma_wait3A_39 : memref<16x16xf32, #tpu.memory_space<vmem_shared>>)
        tpu.yield
      }) : () -> ()
    } else {
    }
    %barrier3A = arith.constant 0 : index
    tpu.barrier barrier_id(%barrier3A)
    %mul3A = arith.constant 25088 : i32
    %mul3A_7 = arith.muli %arg0, %mul3A : i32
    %scan3A_8 = arith.constant 0 : i32
    %scan3A_9 = arith.constant 0 : i32
    %scan3A_10 = arith.constant 391 : i32
    %scan3A_11 = arith.addi %scan3A_9, %scan3A_10 : i32
    %scan3A_12 = arith.constant 1 : i32
    scf.for %scan3A_21 = %scan3A_9 to %scan3A_11 step %scan3A_12  : i32 {
      %mul3A_22 = arith.constant 50048 : i32
      %mul3A_23 = arith.muli %arg1, %mul3A_22 : i32
      %mul3A_24 = arith.constant 128 : i32
      %mul3A_25 = arith.muli %scan3A_21, %mul3A_24 : i32
      %add3A = arith.addi %mul3A_23, %mul3A_25 : i32
      "tpu.region"() ({
        %run_scoped3A = tpu.sem_alloc : memref<!tpu.dma_semaphore, #tpu.memory_space<semaphore_mem>>
        %dma_start3A_173 = tpu.memref_slice %arg3[%add3A] : memref<800768xi32, #tpu.memory_space<hbm>> -> memref<128xi32, #tpu.memory_space<hbm>>
        %dma_start3A_174 = tpu.memref_slice %arg3[%add3A] : memref<800768xi32, #tpu.memory_space<hbm>> -> memref<128xi32, #tpu.memory_space<hbm>>
        tpu.enqueue_dma source(%dma_start3A_174 : memref<128xi32, #tpu.memory_space<hbm>>) target(%arg8 : memref<128xi32, #tpu.memory_space<vmem>>) target_semaphore(%run_scoped3A : memref<!tpu.dma_semaphore, #tpu.memory_space<semaphore_mem>>)
        %dma_wait3A_175 = tpu.memref_slice %arg3[%add3A] : memref<800768xi32, #tpu.memory_space<hbm>> -> memref<128xi32, #tpu.memory_space<hbm>>
        %dma_wait3A_176 = tpu.memref_slice %arg3[%add3A] : memref<800768xi32, #tpu.memory_space<hbm>> -> memref<128xi32, #tpu.memory_space<hbm>>
        tpu.wait_dma2 semaphore(%run_scoped3A : memref<!tpu.dma_semaphore, #tpu.memory_space<semaphore_mem>>) src(%dma_wait3A_176 : memref<128xi32, #tpu.memory_space<hbm>>) dst(%arg8 : memref<128xi32, #tpu.memory_space<vmem>>)
        tpu.yield
      }) : () -> ()
      "tpu.region"() ({
        %run_scoped3A = tpu.sem_alloc : memref<!tpu.dma_semaphore, #tpu.memory_space<semaphore_mem>>
        %dma_start3A_173 = tpu.memref_slice %arg4[%add3A] : memref<800768xi32, #tpu.memory_space<hbm>> -> memref<128xi32, #tpu.memory_space<hbm>>
        %dma_start3A_174 = tpu.memref_slice %arg4[%add3A] : memref<800768xi32, #tpu.memory_space<hbm>> -> memref<128xi32, #tpu.memory_space<hbm>>
        tpu.enqueue_dma source(%dma_start3A_174 : memref<128xi32, #tpu.memory_space<hbm>>) target(%arg9 : memref<128xi32, #tpu.memory_space<vmem>>) target_semaphore(%run_scoped3A : memref<!tpu.dma_semaphore, #tpu.memory_space<semaphore_mem>>)
        %dma_wait3A_175 = tpu.memref_slice %arg4[%add3A] : memref<800768xi32, #tpu.memory_space<hbm>> -> memref<128xi32, #tpu.memory_space<hbm>>
        %dma_wait3A_176 = tpu.memref_slice %arg4[%add3A] : memref<800768xi32, #tpu.memory_space<hbm>> -> memref<128xi32, #tpu.memory_space<hbm>>
        tpu.wait_dma2 semaphore(%run_scoped3A : memref<!tpu.dma_semaphore, #tpu.memory_space<semaphore_mem>>) src(%dma_wait3A_176 : memref<128xi32, #tpu.memory_space<hbm>>) dst(%arg9 : memref<128xi32, #tpu.memory_space<vmem>>)
        tpu.yield
      }) : () -> ()
      %get3A = arith.constant 0 : index
      %get3A_26 = tpu.vector_load %arg9[%get3A] {strides = array<i32>} : memref<128xi32, #tpu.memory_space<vmem>>, vector<16xi32>,
      %get3A_27 = vector.shape_cast %get3A_26 : vector<16xi32> to vector<16xi32>
      %sub3A = vector.broadcast %mul3A_7 : i32 to vector<16xi32>
      %sub3A_28 = arith.subi %get3A_27, %sub3A : vector<16xi32>
      %ge3A = arith.constant 0 : i32
      %ge3A_29 = vector.broadcast %ge3A : i32 to vector<16xi32>
      %ge3A_30 = arith.cmpi sge, %sub3A_28, %ge3A_29 : vector<16xi32>
      %lt3A = arith.constant 25088 : i32
      %lt3A_31 = vector.broadcast %lt3A : i32 to vector<16xi32>
      %lt3A_32 = arith.cmpi slt, %sub3A_28, %lt3A_31 : vector<16xi32>
      %and3A = arith.andi %ge3A_30, %lt3A_32 : vector<16xi1>
      %jit3A = arith.constant 25088 : i32
      %broadcast_in_dim3A = vector.broadcast %jit3A : i32 to vector<16xi32>
      %select_n3A = arith.select %and3A, %sub3A_28, %broadcast_in_dim3A : vector<16xi1>, vector<16xi32>
      %swap3A = arith.constant 0 : index
      %swap3A_33 = tpu.vector_load %arg10[%swap3A] {strides = array<i32>} : memref<128xi32, #tpu.memory_space<vmem>>, vector<16xi32>,
      %swap3A_34 = vector.shape_cast %swap3A_33 : vector<16xi32> to vector<16xi32>
      %swap3A_35 = vector.shape_cast %select_n3A : vector<16xi32> to vector<16xi32>
      tpu.vector_store %arg10[%swap3A], %swap3A_35 {strides = array<i32>} : memref<128xi32, #tpu.memory_space<vmem>>, vector<16xi32>,
      %get3A_36 = arith.constant 16 : index
      %get3A_37 = tpu.vector_load %arg9[%get3A_36] {strides = array<i32>} : memref<128xi32, #tpu.memory_space<vmem>>, vector<16xi32>,
      %get3A_38 = vector.shape_cast %get3A_37 : vector<16xi32> to vector<16xi32>
      %sub3A_39 = vector.broadcast %mul3A_7 : i32 to vector<16xi32>
      %sub3A_40 = arith.subi %get3A_38, %sub3A_39 : vector<16xi32>
      %ge3A_41 = arith.constant 0 : i32
      %ge3A_42 = vector.broadcast %ge3A_41 : i32 to vector<16xi32>
      %ge3A_43 = arith.cmpi sge, %sub3A_40, %ge3A_42 : vector<16xi32>
      %lt3A_44 = arith.constant 25088 : i32
      %lt3A_45 = vector.broadcast %lt3A_44 : i32 to vector<16xi32>
      %lt3A_46 = arith.cmpi slt, %sub3A_40, %lt3A_45 : vector<16xi32>
      %and3A_47 = arith.andi %ge3A_43, %lt3A_46 : vector<16xi1>
      %jit3A_48 = arith.constant 25088 : i32
      %broadcast_in_dim3A_49 = vector.broadcast %jit3A_48 : i32 to vector<16xi32>
      %select_n3A_50 = arith.select %and3A_47, %sub3A_40, %broadcast_in_dim3A_49 : vector<16xi1>, vector<16xi32>
      %swap3A_51 = arith.constant 16 : index
      %swap3A_52 = tpu.vector_load %arg10[%swap3A_51] {strides = array<i32>} : memref<128xi32, #tpu.memory_space<vmem>>, vector<16xi32>,
      %swap3A_53 = vector.shape_cast %swap3A_52 : vector<16xi32> to vector<16xi32>
      %swap3A_54 = vector.shape_cast %select_n3A_50 : vector<16xi32> to vector<16xi32>
      tpu.vector_store %arg10[%swap3A_51], %swap3A_54 {strides = array<i32>} : memref<128xi32, #tpu.memory_space<vmem>>, vector<16xi32>,
      %get3A_55 = arith.constant 32 : index
      %get3A_56 = tpu.vector_load %arg9[%get3A_55] {strides = array<i32>} : memref<128xi32, #tpu.memory_space<vmem>>, vector<16xi32>,
      %get3A_57 = vector.shape_cast %get3A_56 : vector<16xi32> to vector<16xi32>
      %sub3A_58 = vector.broadcast %mul3A_7 : i32 to vector<16xi32>
      %sub3A_59 = arith.subi %get3A_57, %sub3A_58 : vector<16xi32>
      %ge3A_60 = arith.constant 0 : i32
      %ge3A_61 = vector.broadcast %ge3A_60 : i32 to vector<16xi32>
      %ge3A_62 = arith.cmpi sge, %sub3A_59, %ge3A_61 : vector<16xi32>
      %lt3A_63 = arith.constant 25088 : i32
      %lt3A_64 = vector.broadcast %lt3A_63 : i32 to vector<16xi32>
      %lt3A_65 = arith.cmpi slt, %sub3A_59, %lt3A_64 : vector<16xi32>
      %and3A_66 = arith.andi %ge3A_62, %lt3A_65 : vector<16xi1>
      %jit3A_67 = arith.constant 25088 : i32
      %broadcast_in_dim3A_68 = vector.broadcast %jit3A_67 : i32 to vector<16xi32>
      %select_n3A_69 = arith.select %and3A_66, %sub3A_59, %broadcast_in_dim3A_68 : vector<16xi1>, vector<16xi32>
      %swap3A_70 = arith.constant 32 : index
      %swap3A_71 = tpu.vector_load %arg10[%swap3A_70] {strides = array<i32>} : memref<128xi32, #tpu.memory_space<vmem>>, vector<16xi32>,
      %swap3A_72 = vector.shape_cast %swap3A_71 : vector<16xi32> to vector<16xi32>
      %swap3A_73 = vector.shape_cast %select_n3A_69 : vector<16xi32> to vector<16xi32>
      tpu.vector_store %arg10[%swap3A_70], %swap3A_73 {strides = array<i32>} : memref<128xi32, #tpu.memory_space<vmem>>, vector<16xi32>,
      %get3A_74 = arith.constant 48 : index
      %get3A_75 = tpu.vector_load %arg9[%get3A_74] {strides = array<i32>} : memref<128xi32, #tpu.memory_space<vmem>>, vector<16xi32>,
      %get3A_76 = vector.shape_cast %get3A_75 : vector<16xi32> to vector<16xi32>
      %sub3A_77 = vector.broadcast %mul3A_7 : i32 to vector<16xi32>
      %sub3A_78 = arith.subi %get3A_76, %sub3A_77 : vector<16xi32>
      %ge3A_79 = arith.constant 0 : i32
      %ge3A_80 = vector.broadcast %ge3A_79 : i32 to vector<16xi32>
      %ge3A_81 = arith.cmpi sge, %sub3A_78, %ge3A_80 : vector<16xi32>
      %lt3A_82 = arith.constant 25088 : i32
      %lt3A_83 = vector.broadcast %lt3A_82 : i32 to vector<16xi32>
      %lt3A_84 = arith.cmpi slt, %sub3A_78, %lt3A_83 : vector<16xi32>
      %and3A_85 = arith.andi %ge3A_81, %lt3A_84 : vector<16xi1>
      %jit3A_86 = arith.constant 25088 : i32
      %broadcast_in_dim3A_87 = vector.broadcast %jit3A_86 : i32 to vector<16xi32>
      %select_n3A_88 = arith.select %and3A_85, %sub3A_78, %broadcast_in_dim3A_87 : vector<16xi1>, vector<16xi32>
      %swap3A_89 = arith.constant 48 : index
      %swap3A_90 = tpu.vector_load %arg10[%swap3A_89] {strides = array<i32>} : memref<128xi32, #tpu.memory_space<vmem>>, vector<16xi32>,
      %swap3A_91 = vector.shape_cast %swap3A_90 : vector<16xi32> to vector<16xi32>
      %swap3A_92 = vector.shape_cast %select_n3A_88 : vector<16xi32> to vector<16xi32>
      tpu.vector_store %arg10[%swap3A_89], %swap3A_92 {strides = array<i32>} : memref<128xi32, #tpu.memory_space<vmem>>, vector<16xi32>,
      %get3A_93 = arith.constant 64 : index
      %get3A_94 = tpu.vector_load %arg9[%get3A_93] {strides = array<i32>} : memref<128xi32, #tpu.memory_space<vmem>>, vector<16xi32>,
      %get3A_95 = vector.shape_cast %get3A_94 : vector<16xi32> to vector<16xi32>
      %sub3A_96 = vector.broadcast %mul3A_7 : i32 to vector<16xi32>
      %sub3A_97 = arith.subi %get3A_95, %sub3A_96 : vector<16xi32>
      %ge3A_98 = arith.constant 0 : i32
      %ge3A_99 = vector.broadcast %ge3A_98 : i32 to vector<16xi32>
      %ge3A_100 = arith.cmpi sge, %sub3A_97, %ge3A_99 : vector<16xi32>
      %lt3A_101 = arith.constant 25088 : i32
      %lt3A_102 = vector.broadcast %lt3A_101 : i32 to vector<16xi32>
      %lt3A_103 = arith.cmpi slt, %sub3A_97, %lt3A_102 : vector<16xi32>
      %and3A_104 = arith.andi %ge3A_100, %lt3A_103 : vector<16xi1>
      %jit3A_105 = arith.constant 25088 : i32
      %broadcast_in_dim3A_106 = vector.broadcast %jit3A_105 : i32 to vector<16xi32>
      %select_n3A_107 = arith.select %and3A_104, %sub3A_97, %broadcast_in_dim3A_106 : vector<16xi1>, vector<16xi32>
      %swap3A_108 = arith.constant 64 : index
      %swap3A_109 = tpu.vector_load %arg10[%swap3A_108] {strides = array<i32>} : memref<128xi32, #tpu.memory_space<vmem>>, vector<16xi32>,
      %swap3A_110 = vector.shape_cast %swap3A_109 : vector<16xi32> to vector<16xi32>
      %swap3A_111 = vector.shape_cast %select_n3A_107 : vector<16xi32> to vector<16xi32>
      tpu.vector_store %arg10[%swap3A_108], %swap3A_111 {strides = array<i32>} : memref<128xi32, #tpu.memory_space<vmem>>, vector<16xi32>,
      %get3A_112 = arith.constant 80 : index
      %get3A_113 = tpu.vector_load %arg9[%get3A_112] {strides = array<i32>} : memref<128xi32, #tpu.memory_space<vmem>>, vector<16xi32>,
      %get3A_114 = vector.shape_cast %get3A_113 : vector<16xi32> to vector<16xi32>
      %sub3A_115 = vector.broadcast %mul3A_7 : i32 to vector<16xi32>
      %sub3A_116 = arith.subi %get3A_114, %sub3A_115 : vector<16xi32>
      %ge3A_117 = arith.constant 0 : i32
      %ge3A_118 = vector.broadcast %ge3A_117 : i32 to vector<16xi32>
      %ge3A_119 = arith.cmpi sge, %sub3A_116, %ge3A_118 : vector<16xi32>
      %lt3A_120 = arith.constant 25088 : i32
      %lt3A_121 = vector.broadcast %lt3A_120 : i32 to vector<16xi32>
      %lt3A_122 = arith.cmpi slt, %sub3A_116, %lt3A_121 : vector<16xi32>
      %and3A_123 = arith.andi %ge3A_119, %lt3A_122 : vector<16xi1>
      %jit3A_124 = arith.constant 25088 : i32
      %broadcast_in_dim3A_125 = vector.broadcast %jit3A_124 : i32 to vector<16xi32>
      %select_n3A_126 = arith.select %and3A_123, %sub3A_116, %broadcast_in_dim3A_125 : vector<16xi1>, vector<16xi32>
      %swap3A_127 = arith.constant 80 : index
      %swap3A_128 = tpu.vector_load %arg10[%swap3A_127] {strides = array<i32>} : memref<128xi32, #tpu.memory_space<vmem>>, vector<16xi32>,
      %swap3A_129 = vector.shape_cast %swap3A_128 : vector<16xi32> to vector<16xi32>
      %swap3A_130 = vector.shape_cast %select_n3A_126 : vector<16xi32> to vector<16xi32>
      tpu.vector_store %arg10[%swap3A_127], %swap3A_130 {strides = array<i32>} : memref<128xi32, #tpu.memory_space<vmem>>, vector<16xi32>,
      %get3A_131 = arith.constant 96 : index
      %get3A_132 = tpu.vector_load %arg9[%get3A_131] {strides = array<i32>} : memref<128xi32, #tpu.memory_space<vmem>>, vector<16xi32>,
      %get3A_133 = vector.shape_cast %get3A_132 : vector<16xi32> to vector<16xi32>
      %sub3A_134 = vector.broadcast %mul3A_7 : i32 to vector<16xi32>
      %sub3A_135 = arith.subi %get3A_133, %sub3A_134 : vector<16xi32>
      %ge3A_136 = arith.constant 0 : i32
      %ge3A_137 = vector.broadcast %ge3A_136 : i32 to vector<16xi32>
      %ge3A_138 = arith.cmpi sge, %sub3A_135, %ge3A_137 : vector<16xi32>
      %lt3A_139 = arith.constant 25088 : i32
      %lt3A_140 = vector.broadcast %lt3A_139 : i32 to vector<16xi32>
      %lt3A_141 = arith.cmpi slt, %sub3A_135, %lt3A_140 : vector<16xi32>
      %and3A_142 = arith.andi %ge3A_138, %lt3A_141 : vector<16xi1>
      %jit3A_143 = arith.constant 25088 : i32
      %broadcast_in_dim3A_144 = vector.broadcast %jit3A_143 : i32 to vector<16xi32>
      %select_n3A_145 = arith.select %and3A_142, %sub3A_135, %broadcast_in_dim3A_144 : vector<16xi1>, vector<16xi32>
      %swap3A_146 = arith.constant 96 : index
      %swap3A_147 = tpu.vector_load %arg10[%swap3A_146] {strides = array<i32>} : memref<128xi32, #tpu.memory_space<vmem>>, vector<16xi32>,
      %swap3A_148 = vector.shape_cast %swap3A_147 : vector<16xi32> to vector<16xi32>
      %swap3A_149 = vector.shape_cast %select_n3A_145 : vector<16xi32> to vector<16xi32>
      tpu.vector_store %arg10[%swap3A_146], %swap3A_149 {strides = array<i32>} : memref<128xi32, #tpu.memory_space<vmem>>, vector<16xi32>,
      %get3A_150 = arith.constant 112 : index
      %get3A_151 = tpu.vector_load %arg9[%get3A_150] {strides = array<i32>} : memref<128xi32, #tpu.memory_space<vmem>>, vector<16xi32>,
      %get3A_152 = vector.shape_cast %get3A_151 : vector<16xi32> to vector<16xi32>
      %sub3A_153 = vector.broadcast %mul3A_7 : i32 to vector<16xi32>
      %sub3A_154 = arith.subi %get3A_152, %sub3A_153 : vector<16xi32>
      %ge3A_155 = arith.constant 0 : i32
      %ge3A_156 = vector.broadcast %ge3A_155 : i32 to vector<16xi32>
      %ge3A_157 = arith.cmpi sge, %sub3A_154, %ge3A_156 : vector<16xi32>
      %lt3A_158 = arith.constant 25088 : i32
      %lt3A_159 = vector.broadcast %lt3A_158 : i32 to vector<16xi32>
      %lt3A_160 = arith.cmpi slt, %sub3A_154, %lt3A_159 : vector<16xi32>
      %and3A_161 = arith.andi %ge3A_157, %lt3A_160 : vector<16xi1>
      %jit3A_162 = arith.constant 25088 : i32
      %broadcast_in_dim3A_163 = vector.broadcast %jit3A_162 : i32 to vector<16xi32>
      %select_n3A_164 = arith.select %and3A_161, %sub3A_154, %broadcast_in_dim3A_163 : vector<16xi1>, vector<16xi32>
      %swap3A_165 = arith.constant 112 : index
      %swap3A_166 = tpu.vector_load %arg10[%swap3A_165] {strides = array<i32>} : memref<128xi32, #tpu.memory_space<vmem>>, vector<16xi32>,
      %swap3A_167 = vector.shape_cast %swap3A_166 : vector<16xi32> to vector<16xi32>
      %swap3A_168 = vector.shape_cast %select_n3A_164 : vector<16xi32> to vector<16xi32>
      tpu.vector_store %arg10[%swap3A_165], %swap3A_168 {strides = array<i32>} : memref<128xi32, #tpu.memory_space<vmem>>, vector<16xi32>,
      %dma_start3A = arith.constant 0 : i32
      %dma_start3A_169 = arith.constant 0 : i32
      %dma_start3A_170 = tpu.memref_slice %arg2[%dma_start3A, %dma_start3A_169] : memref<53248x16xf32, #tpu.memory_space<hbm>> -> memref<53248x16xf32, #tpu.memory_space<hbm>>
      tpu.enqueue_indirect_dma source(%dma_start3A_170 : memref<53248x16xf32, #tpu.memory_space<hbm>>) target(%arg11 : memref<128x16xf32, #tpu.memory_space<vmem>>) offsets(%arg8 : memref<128xi32, #tpu.memory_space<vmem>>) semaphore(%arg13 : memref<!tpu.dma_semaphore, #tpu.memory_space<semaphore_mem>>)
      %dma_wait3A = arith.constant 0 : i32
      %dma_wait3A_171 = arith.constant 0 : i32
      %dma_wait3A_172 = tpu.memref_slice %arg2[%dma_wait3A, %dma_wait3A_171] : memref<53248x16xf32, #tpu.memory_space<hbm>> -> memref<53248x16xf32, #tpu.memory_space<hbm>>
      tpu.wait_indirect_dma semaphore(%arg13 : memref<!tpu.dma_semaphore, #tpu.memory_space<semaphore_mem>>) src(%dma_wait3A_172 : memref<53248x16xf32, #tpu.memory_space<hbm>>) dst(%arg11 : memref<128x16xf32, #tpu.memory_space<vmem>>)
      "tpu.region"() ({
        %run_scoped3A = tpu.sem_alloc : memref<!tpu.dma_semaphore, #tpu.memory_space<semaphore_mem>>
        %dma_start3A_173 = arith.constant 0 : i32
        %dma_start3A_174 = arith.constant 0 : i32
        %dma_start3A_175 = tpu.memref_slice %arg7[%dma_start3A_173, %dma_start3A_174] : memref<25104x16xf32, #tpu.memory_space<vmem_shared>> -> memref<25104x16xf32, #tpu.memory_space<vmem_shared>>
        tpu.enqueue_indirect_dma source(%arg11 : memref<128x16xf32, #tpu.memory_space<vmem>>) target(%dma_start3A_175 : memref<25104x16xf32, #tpu.memory_space<vmem_shared>>) offsets(%arg10 : memref<128xi32, #tpu.memory_space<vmem>>) semaphore(%run_scoped3A : memref<!tpu.dma_semaphore, #tpu.memory_space<semaphore_mem>>) {add = true}
        %dma_wait3A_176 = arith.constant 0 : i32
        %dma_wait3A_177 = arith.constant 0 : i32
        %dma_wait3A_178 = tpu.memref_slice %arg7[%dma_wait3A_176, %dma_wait3A_177] : memref<25104x16xf32, #tpu.memory_space<vmem_shared>> -> memref<25104x16xf32, #tpu.memory_space<vmem_shared>>
        tpu.wait_indirect_dma semaphore(%run_scoped3A : memref<!tpu.dma_semaphore, #tpu.memory_space<semaphore_mem>>) src(%arg11 : memref<128x16xf32, #tpu.memory_space<vmem>>) dst(%dma_wait3A_178 : memref<25104x16xf32, #tpu.memory_space<vmem_shared>>)
        tpu.yield
      }) : () -> ()
    }
    %scan3A_13 = arith.constant 391 : i32
    %barrier3A_14 = arith.constant 0 : index
    tpu.barrier barrier_id(%barrier3A_14)
    %scan3A_15 = arith.constant 0 : i32
    %scan3A_16 = arith.constant 0 : i32
    %scan3A_17 = arith.constant 14 : i32
    %scan3A_18 = arith.addi %scan3A_16, %scan3A_17 : i32
    %scan3A_19 = arith.constant 1 : i32
    scf.for %scan3A_21 = %scan3A_16 to %scan3A_18 step %scan3A_19  : i32 {
      %mul3A_22 = arith.constant 1568 : i32
      %mul3A_23 = arith.muli %arg1, %mul3A_22 : i32
      %mul3A_24 = arith.constant 112 : i32
      %mul3A_25 = arith.muli %scan3A_21, %mul3A_24 : i32
      %add3A = arith.addi %mul3A_23, %mul3A_25 : i32
      "tpu.region"() ({
        %run_scoped3A = tpu.sem_alloc : memref<!tpu.dma_semaphore, #tpu.memory_space<semaphore_mem>>
        %dma_start3A = arith.constant 0 : i32
        %dma_start3A_27 = tpu.memref_slice %arg7[%add3A, %dma_start3A] : memref<25104x16xf32, #tpu.memory_space<vmem_shared>> -> memref<112x16xf32, #tpu.memory_space<vmem_shared>>
        %dma_start3A_28 = arith.constant 0 : i32
        %dma_start3A_29 = tpu.memref_slice %arg7[%add3A, %dma_start3A_28] : memref<25104x16xf32, #tpu.memory_space<vmem_shared>> -> memref<112x16xf32, #tpu.memory_space<vmem_shared>>
        tpu.enqueue_dma source(%dma_start3A_29 : memref<112x16xf32, #tpu.memory_space<vmem_shared>>) target(%arg12 : memref<112x16xf32, #tpu.memory_space<vmem>>) target_semaphore(%run_scoped3A : memref<!tpu.dma_semaphore, #tpu.memory_space<semaphore_mem>>)
        %dma_wait3A = arith.constant 0 : i32
        %dma_wait3A_30 = tpu.memref_slice %arg7[%add3A, %dma_wait3A] : memref<25104x16xf32, #tpu.memory_space<vmem_shared>> -> memref<112x16xf32, #tpu.memory_space<vmem_shared>>
        %dma_wait3A_31 = arith.constant 0 : i32
        %dma_wait3A_32 = tpu.memref_slice %arg7[%add3A, %dma_wait3A_31] : memref<25104x16xf32, #tpu.memory_space<vmem_shared>> -> memref<112x16xf32, #tpu.memory_space<vmem_shared>>
        tpu.wait_dma2 semaphore(%run_scoped3A : memref<!tpu.dma_semaphore, #tpu.memory_space<semaphore_mem>>) src(%dma_wait3A_32 : memref<112x16xf32, #tpu.memory_space<vmem_shared>>) dst(%arg12 : memref<112x16xf32, #tpu.memory_space<vmem>>)
        tpu.yield
      }) : () -> ()
      %add3A_26 = arith.addi %mul3A_7, %add3A : i32
      "tpu.region"() ({
        %run_scoped3A = tpu.sem_alloc : memref<!tpu.dma_semaphore, #tpu.memory_space<semaphore_mem>>
        %dma_start3A = arith.constant 0 : i32
        %dma_start3A_27 = tpu.memref_slice %arg6[%add3A_26, %dma_start3A] : memref<53248x16xf32, #tpu.memory_space<hbm>> -> memref<112x16xf32, #tpu.memory_space<hbm>>
        %dma_start3A_28 = arith.constant 0 : i32
        %dma_start3A_29 = tpu.memref_slice %arg6[%add3A_26, %dma_start3A_28] : memref<53248x16xf32, #tpu.memory_space<hbm>> -> memref<112x16xf32, #tpu.memory_space<hbm>>
        tpu.enqueue_dma source(%arg12 : memref<112x16xf32, #tpu.memory_space<vmem>>) target(%dma_start3A_29 : memref<112x16xf32, #tpu.memory_space<hbm>>) target_semaphore(%run_scoped3A : memref<!tpu.dma_semaphore, #tpu.memory_space<semaphore_mem>>)
        %dma_wait3A = arith.constant 0 : i32
        %dma_wait3A_30 = tpu.memref_slice %arg6[%add3A_26, %dma_wait3A] : memref<53248x16xf32, #tpu.memory_space<hbm>> -> memref<112x16xf32, #tpu.memory_space<hbm>>
        %dma_wait3A_31 = arith.constant 0 : i32
        %dma_wait3A_32 = tpu.memref_slice %arg6[%add3A_26, %dma_wait3A_31] : memref<53248x16xf32, #tpu.memory_space<hbm>> -> memref<112x16xf32, #tpu.memory_space<hbm>>
        tpu.wait_dma2 semaphore(%run_scoped3A : memref<!tpu.dma_semaphore, #tpu.memory_space<semaphore_mem>>) src(%arg12 : memref<112x16xf32, #tpu.memory_space<vmem>>) dst(%dma_wait3A_32 : memref<112x16xf32, #tpu.memory_space<hbm>>)
        tpu.yield
      }) : () -> ()
    }
    %scan3A_20 = arith.constant 14 : i32
    return
  }
}

#map = affine_map<(d0, d1) -> (0, 0)>
#map1 = affine_map<(d0, d1) -> (0)>
module attributes {stable_mosaic.version = 14 : i64} {
  func.func @pool(%arg0: i32, %arg1: i32, %arg2: memref<53248x64xf32, #tpu.memory_space<hbm>>, %arg3: memref<50176xi32, #tpu.memory_space<hbm>>, %arg4: memref<112x16xf32, #tpu.memory_space<hbm>>, %arg5: memref<33x64xf32, #tpu.memory_space<hbm>>, %arg6: memref<33x16xf32, #tpu.memory_space<hbm>>, %arg7: memref<1024x64xf32, #tpu.memory_space<hbm>>, %arg8: memref<1024x16xf32, #tpu.memory_space<hbm>>, %arg9: memref<528x64xf32, #tpu.memory_space<vmem_shared>>, %arg10: memref<528x16xf32, #tpu.memory_space<vmem_shared>>, %arg11: memref<112x64xf32, #tpu.memory_space<vmem>>, %arg12: memref<112xi32, #tpu.memory_space<vmem>>, %arg13: memref<112x16xf32, #tpu.memory_space<vmem>>, %arg14: memref<33x64xf32, #tpu.memory_space<vmem>>, %arg15: memref<33x16xf32, #tpu.memory_space<vmem>>) attributes {dimension_semantics = [#tpu.dimension_semantics<core_parallel>, #tpu.dimension_semantics<subcore_parallel>], iteration_bounds = array<i64: 2, 16>, scalar_prefetch = 0 : i64, scratch_operands = 7 : i64, tpu.core_type = #tpu.core_type<sc_vector_subcore>, window_params = [{transform_indices = #map}, {transform_indices = #map1}, {transform_indices = #map}, {transform_indices = #map}, {transform_indices = #map}, {transform_indices = #map}, {transform_indices = #map}]} {
    "tpu.region"() ({
      %run_scoped3A = tpu.sem_alloc : memref<!tpu.dma_semaphore, #tpu.memory_space<semaphore_mem>>
      tpu.enqueue_dma source(%arg4 : memref<112x16xf32, #tpu.memory_space<hbm>>) target(%arg13 : memref<112x16xf32, #tpu.memory_space<vmem>>) target_semaphore(%run_scoped3A : memref<!tpu.dma_semaphore, #tpu.memory_space<semaphore_mem>>)
      tpu.wait_dma2 semaphore(%run_scoped3A : memref<!tpu.dma_semaphore, #tpu.memory_space<semaphore_mem>>) src(%arg4 : memref<112x16xf32, #tpu.memory_space<hbm>>) dst(%arg13 : memref<112x16xf32, #tpu.memory_space<vmem>>)
      tpu.yield
    }) : () -> ()
    "tpu.region"() ({
      %run_scoped3A = tpu.sem_alloc : memref<!tpu.dma_semaphore, #tpu.memory_space<semaphore_mem>>
      tpu.enqueue_dma source(%arg5 : memref<33x64xf32, #tpu.memory_space<hbm>>) target(%arg14 : memref<33x64xf32, #tpu.memory_space<vmem>>) target_semaphore(%run_scoped3A : memref<!tpu.dma_semaphore, #tpu.memory_space<semaphore_mem>>)
      tpu.wait_dma2 semaphore(%run_scoped3A : memref<!tpu.dma_semaphore, #tpu.memory_space<semaphore_mem>>) src(%arg5 : memref<33x64xf32, #tpu.memory_space<hbm>>) dst(%arg14 : memref<33x64xf32, #tpu.memory_space<vmem>>)
      tpu.yield
    }) : () -> ()
    %mul3A = arith.constant 33 : i32
    %mul3A_0 = arith.muli %arg1, %mul3A : i32
    "tpu.region"() ({
      %run_scoped3A = tpu.sem_alloc : memref<!tpu.dma_semaphore, #tpu.memory_space<semaphore_mem>>
      %dma_start3A = arith.constant 0 : i32
      %dma_start3A_19 = tpu.memref_slice %arg9[%mul3A_0, %dma_start3A] : memref<528x64xf32, #tpu.memory_space<vmem_shared>> -> memref<33x64xf32, #tpu.memory_space<vmem_shared>>
      %dma_start3A_20 = arith.constant 0 : i32
      %dma_start3A_21 = tpu.memref_slice %arg9[%mul3A_0, %dma_start3A_20] : memref<528x64xf32, #tpu.memory_space<vmem_shared>> -> memref<33x64xf32, #tpu.memory_space<vmem_shared>>
      tpu.enqueue_dma source(%arg14 : memref<33x64xf32, #tpu.memory_space<vmem>>) target(%dma_start3A_21 : memref<33x64xf32, #tpu.memory_space<vmem_shared>>) target_semaphore(%run_scoped3A : memref<!tpu.dma_semaphore, #tpu.memory_space<semaphore_mem>>)
      %dma_wait3A = arith.constant 0 : i32
      %dma_wait3A_22 = tpu.memref_slice %arg9[%mul3A_0, %dma_wait3A] : memref<528x64xf32, #tpu.memory_space<vmem_shared>> -> memref<33x64xf32, #tpu.memory_space<vmem_shared>>
      %dma_wait3A_23 = arith.constant 0 : i32
      %dma_wait3A_24 = tpu.memref_slice %arg9[%mul3A_0, %dma_wait3A_23] : memref<528x64xf32, #tpu.memory_space<vmem_shared>> -> memref<33x64xf32, #tpu.memory_space<vmem_shared>>
      tpu.wait_dma2 semaphore(%run_scoped3A : memref<!tpu.dma_semaphore, #tpu.memory_space<semaphore_mem>>) src(%arg14 : memref<33x64xf32, #tpu.memory_space<vmem>>) dst(%dma_wait3A_24 : memref<33x64xf32, #tpu.memory_space<vmem_shared>>)
      tpu.yield
    }) : () -> ()
    "tpu.region"() ({
      %run_scoped3A = tpu.sem_alloc : memref<!tpu.dma_semaphore, #tpu.memory_space<semaphore_mem>>
      tpu.enqueue_dma source(%arg6 : memref<33x16xf32, #tpu.memory_space<hbm>>) target(%arg15 : memref<33x16xf32, #tpu.memory_space<vmem>>) target_semaphore(%run_scoped3A : memref<!tpu.dma_semaphore, #tpu.memory_space<semaphore_mem>>)
      tpu.wait_dma2 semaphore(%run_scoped3A : memref<!tpu.dma_semaphore, #tpu.memory_space<semaphore_mem>>) src(%arg6 : memref<33x16xf32, #tpu.memory_space<hbm>>) dst(%arg15 : memref<33x16xf32, #tpu.memory_space<vmem>>)
      tpu.yield
    }) : () -> ()
    %mul3A_1 = arith.constant 33 : i32
    %mul3A_2 = arith.muli %arg1, %mul3A_1 : i32
    "tpu.region"() ({
      %run_scoped3A = tpu.sem_alloc : memref<!tpu.dma_semaphore, #tpu.memory_space<semaphore_mem>>
      %dma_start3A = arith.constant 0 : i32
      %dma_start3A_19 = tpu.memref_slice %arg10[%mul3A_2, %dma_start3A] : memref<528x16xf32, #tpu.memory_space<vmem_shared>> -> memref<33x16xf32, #tpu.memory_space<vmem_shared>>
      %dma_start3A_20 = arith.constant 0 : i32
      %dma_start3A_21 = tpu.memref_slice %arg10[%mul3A_2, %dma_start3A_20] : memref<528x16xf32, #tpu.memory_space<vmem_shared>> -> memref<33x16xf32, #tpu.memory_space<vmem_shared>>
      tpu.enqueue_dma source(%arg15 : memref<33x16xf32, #tpu.memory_space<vmem>>) target(%dma_start3A_21 : memref<33x16xf32, #tpu.memory_space<vmem_shared>>) target_semaphore(%run_scoped3A : memref<!tpu.dma_semaphore, #tpu.memory_space<semaphore_mem>>)
      %dma_wait3A = arith.constant 0 : i32
      %dma_wait3A_22 = tpu.memref_slice %arg10[%mul3A_2, %dma_wait3A] : memref<528x16xf32, #tpu.memory_space<vmem_shared>> -> memref<33x16xf32, #tpu.memory_space<vmem_shared>>
      %dma_wait3A_23 = arith.constant 0 : i32
      %dma_wait3A_24 = tpu.memref_slice %arg10[%mul3A_2, %dma_wait3A_23] : memref<528x16xf32, #tpu.memory_space<vmem_shared>> -> memref<33x16xf32, #tpu.memory_space<vmem_shared>>
      tpu.wait_dma2 semaphore(%run_scoped3A : memref<!tpu.dma_semaphore, #tpu.memory_space<semaphore_mem>>) src(%arg15 : memref<33x16xf32, #tpu.memory_space<vmem>>) dst(%dma_wait3A_24 : memref<33x16xf32, #tpu.memory_space<vmem_shared>>)
      tpu.yield
    }) : () -> ()
    %barrier3A = arith.constant 0 : index
    tpu.barrier barrier_id(%barrier3A)
    %mul3A_3 = arith.constant 16 : i32
    %mul3A_4 = arith.muli %arg0, %mul3A_3 : i32
    %add3A = arith.addi %mul3A_4, %arg1 : i32
    %scan3A = arith.constant 0 : i32
    %scan3A_5 = arith.constant 0 : i32
    %scan3A_6 = arith.constant 14 : i32
    %scan3A_7 = arith.addi %scan3A_5, %scan3A_6 : i32
    %scan3A_8 = arith.constant 1 : i32
    scf.for %scan3A_19 = %scan3A_5 to %scan3A_7 step %scan3A_8  : i32 {
      %mul3A_20 = arith.constant 1568 : i32
      %mul3A_21 = arith.muli %add3A, %mul3A_20 : i32
      %mul3A_22 = arith.constant 112 : i32
      %mul3A_23 = arith.muli %scan3A_19, %mul3A_22 : i32
      %add3A_24 = arith.addi %mul3A_21, %mul3A_23 : i32
      "tpu.region"() ({
        %run_scoped3A = tpu.sem_alloc : memref<!tpu.dma_semaphore, #tpu.memory_space<semaphore_mem>>
        %dma_start3A = tpu.memref_slice %arg3[%add3A_24] : memref<50176xi32, #tpu.memory_space<hbm>> -> memref<112xi32, #tpu.memory_space<hbm>>
        %dma_start3A_25 = tpu.memref_slice %arg3[%add3A_24] : memref<50176xi32, #tpu.memory_space<hbm>> -> memref<112xi32, #tpu.memory_space<hbm>>
        tpu.enqueue_dma source(%dma_start3A_25 : memref<112xi32, #tpu.memory_space<hbm>>) target(%arg12 : memref<112xi32, #tpu.memory_space<vmem>>) target_semaphore(%run_scoped3A : memref<!tpu.dma_semaphore, #tpu.memory_space<semaphore_mem>>)
        %dma_wait3A = tpu.memref_slice %arg3[%add3A_24] : memref<50176xi32, #tpu.memory_space<hbm>> -> memref<112xi32, #tpu.memory_space<hbm>>
        %dma_wait3A_26 = tpu.memref_slice %arg3[%add3A_24] : memref<50176xi32, #tpu.memory_space<hbm>> -> memref<112xi32, #tpu.memory_space<hbm>>
        tpu.wait_dma2 semaphore(%run_scoped3A : memref<!tpu.dma_semaphore, #tpu.memory_space<semaphore_mem>>) src(%dma_wait3A_26 : memref<112xi32, #tpu.memory_space<hbm>>) dst(%arg12 : memref<112xi32, #tpu.memory_space<vmem>>)
        tpu.yield
      }) : () -> ()
      "tpu.region"() ({
        %run_scoped3A = tpu.sem_alloc : memref<!tpu.dma_semaphore, #tpu.memory_space<semaphore_mem>>
        %dma_start3A = arith.constant 0 : i32
        %dma_start3A_25 = tpu.memref_slice %arg2[%add3A_24, %dma_start3A] : memref<53248x64xf32, #tpu.memory_space<hbm>> -> memref<112x64xf32, #tpu.memory_space<hbm>>
        %dma_start3A_26 = arith.constant 0 : i32
        %dma_start3A_27 = tpu.memref_slice %arg2[%add3A_24, %dma_start3A_26] : memref<53248x64xf32, #tpu.memory_space<hbm>> -> memref<112x64xf32, #tpu.memory_space<hbm>>
        tpu.enqueue_dma source(%dma_start3A_27 : memref<112x64xf32, #tpu.memory_space<hbm>>) target(%arg11 : memref<112x64xf32, #tpu.memory_space<vmem>>) target_semaphore(%run_scoped3A : memref<!tpu.dma_semaphore, #tpu.memory_space<semaphore_mem>>)
        %dma_wait3A = arith.constant 0 : i32
        %dma_wait3A_28 = tpu.memref_slice %arg2[%add3A_24, %dma_wait3A] : memref<53248x64xf32, #tpu.memory_space<hbm>> -> memref<112x64xf32, #tpu.memory_space<hbm>>
        %dma_wait3A_29 = arith.constant 0 : i32
        %dma_wait3A_30 = tpu.memref_slice %arg2[%add3A_24, %dma_wait3A_29] : memref<53248x64xf32, #tpu.memory_space<hbm>> -> memref<112x64xf32, #tpu.memory_space<hbm>>
        tpu.wait_dma2 semaphore(%run_scoped3A : memref<!tpu.dma_semaphore, #tpu.memory_space<semaphore_mem>>) src(%dma_wait3A_30 : memref<112x64xf32, #tpu.memory_space<hbm>>) dst(%arg11 : memref<112x64xf32, #tpu.memory_space<vmem>>)
        tpu.yield
      }) : () -> ()
      "tpu.region"() ({
        %run_scoped3A = tpu.sem_alloc : memref<!tpu.dma_semaphore, #tpu.memory_space<semaphore_mem>>
        %dma_start3A = arith.constant 0 : i32
        %dma_start3A_25 = arith.constant 0 : i32
        %dma_start3A_26 = tpu.memref_slice %arg9[%dma_start3A, %dma_start3A_25] : memref<528x64xf32, #tpu.memory_space<vmem_shared>> -> memref<528x64xf32, #tpu.memory_space<vmem_shared>>
        tpu.enqueue_indirect_dma source(%arg11 : memref<112x64xf32, #tpu.memory_space<vmem>>) target(%dma_start3A_26 : memref<528x64xf32, #tpu.memory_space<vmem_shared>>) offsets(%arg12 : memref<112xi32, #tpu.memory_space<vmem>>) semaphore(%run_scoped3A : memref<!tpu.dma_semaphore, #tpu.memory_space<semaphore_mem>>) {add = true}
        %dma_wait3A = arith.constant 0 : i32
        %dma_wait3A_27 = arith.constant 0 : i32
        %dma_wait3A_28 = tpu.memref_slice %arg9[%dma_wait3A, %dma_wait3A_27] : memref<528x64xf32, #tpu.memory_space<vmem_shared>> -> memref<528x64xf32, #tpu.memory_space<vmem_shared>>
        tpu.wait_indirect_dma semaphore(%run_scoped3A : memref<!tpu.dma_semaphore, #tpu.memory_space<semaphore_mem>>) src(%arg11 : memref<112x64xf32, #tpu.memory_space<vmem>>) dst(%dma_wait3A_28 : memref<528x64xf32, #tpu.memory_space<vmem_shared>>)
        tpu.yield
      }) : () -> ()
      "tpu.region"() ({
        %run_scoped3A = tpu.sem_alloc : memref<!tpu.dma_semaphore, #tpu.memory_space<semaphore_mem>>
        %dma_start3A = arith.constant 0 : i32
        %dma_start3A_25 = arith.constant 0 : i32
        %dma_start3A_26 = tpu.memref_slice %arg10[%dma_start3A, %dma_start3A_25] : memref<528x16xf32, #tpu.memory_space<vmem_shared>> -> memref<528x16xf32, #tpu.memory_space<vmem_shared>>
        tpu.enqueue_indirect_dma source(%arg13 : memref<112x16xf32, #tpu.memory_space<vmem>>) target(%dma_start3A_26 : memref<528x16xf32, #tpu.memory_space<vmem_shared>>) offsets(%arg12 : memref<112xi32, #tpu.memory_space<vmem>>) semaphore(%run_scoped3A : memref<!tpu.dma_semaphore, #tpu.memory_space<semaphore_mem>>) {add = true}
        %dma_wait3A = arith.constant 0 : i32
        %dma_wait3A_27 = arith.constant 0 : i32
        %dma_wait3A_28 = tpu.memref_slice %arg10[%dma_wait3A, %dma_wait3A_27] : memref<528x16xf32, #tpu.memory_space<vmem_shared>> -> memref<528x16xf32, #tpu.memory_space<vmem_shared>>
        tpu.wait_indirect_dma semaphore(%run_scoped3A : memref<!tpu.dma_semaphore, #tpu.memory_space<semaphore_mem>>) src(%arg13 : memref<112x16xf32, #tpu.memory_space<vmem>>) dst(%dma_wait3A_28 : memref<528x16xf32, #tpu.memory_space<vmem_shared>>)
        tpu.yield
      }) : () -> ()
    }
    %scan3A_9 = arith.constant 14 : i32
    %barrier3A_10 = arith.constant 0 : index
    tpu.barrier barrier_id(%barrier3A_10)
    %mul3A_11 = arith.constant 32 : i32
    %mul3A_12 = arith.muli %arg1, %mul3A_11 : i32
    "tpu.region"() ({
      %run_scoped3A = tpu.sem_alloc : memref<!tpu.dma_semaphore, #tpu.memory_space<semaphore_mem>>
      %dma_start3A = arith.constant 0 : i32
      %dma_start3A_19 = arith.constant 0 : i32
      %dma_start3A_20 = tpu.memref_slice %arg11[%dma_start3A, %dma_start3A_19] : memref<112x64xf32, #tpu.memory_space<vmem>> -> memref<32x64xf32, #tpu.memory_space<vmem>>
      %dma_start3A_21 = arith.constant 0 : i32
      %dma_start3A_22 = tpu.memref_slice %arg9[%mul3A_12, %dma_start3A_21] : memref<528x64xf32, #tpu.memory_space<vmem_shared>> -> memref<32x64xf32, #tpu.memory_space<vmem_shared>>
      %dma_start3A_23 = arith.constant 0 : i32
      %dma_start3A_24 = arith.constant 0 : i32
      %dma_start3A_25 = tpu.memref_slice %arg11[%dma_start3A_23, %dma_start3A_24] : memref<112x64xf32, #tpu.memory_space<vmem>> -> memref<32x64xf32, #tpu.memory_space<vmem>>
      %dma_start3A_26 = arith.constant 0 : i32
      %dma_start3A_27 = tpu.memref_slice %arg9[%mul3A_12, %dma_start3A_26] : memref<528x64xf32, #tpu.memory_space<vmem_shared>> -> memref<32x64xf32, #tpu.memory_space<vmem_shared>>
      tpu.enqueue_dma source(%dma_start3A_27 : memref<32x64xf32, #tpu.memory_space<vmem_shared>>) target(%dma_start3A_25 : memref<32x64xf32, #tpu.memory_space<vmem>>) target_semaphore(%run_scoped3A : memref<!tpu.dma_semaphore, #tpu.memory_space<semaphore_mem>>)
      %dma_wait3A = arith.constant 0 : i32
      %dma_wait3A_28 = arith.constant 0 : i32
      %dma_wait3A_29 = tpu.memref_slice %arg11[%dma_wait3A, %dma_wait3A_28] : memref<112x64xf32, #tpu.memory_space<vmem>> -> memref<32x64xf32, #tpu.memory_space<vmem>>
      %dma_wait3A_30 = arith.constant 0 : i32
      %dma_wait3A_31 = tpu.memref_slice %arg9[%mul3A_12, %dma_wait3A_30] : memref<528x64xf32, #tpu.memory_space<vmem_shared>> -> memref<32x64xf32, #tpu.memory_space<vmem_shared>>
      %dma_wait3A_32 = arith.constant 0 : i32
      %dma_wait3A_33 = arith.constant 0 : i32
      %dma_wait3A_34 = tpu.memref_slice %arg11[%dma_wait3A_32, %dma_wait3A_33] : memref<112x64xf32, #tpu.memory_space<vmem>> -> memref<32x64xf32, #tpu.memory_space<vmem>>
      %dma_wait3A_35 = arith.constant 0 : i32
      %dma_wait3A_36 = tpu.memref_slice %arg9[%mul3A_12, %dma_wait3A_35] : memref<528x64xf32, #tpu.memory_space<vmem_shared>> -> memref<32x64xf32, #tpu.memory_space<vmem_shared>>
      tpu.wait_dma2 semaphore(%run_scoped3A : memref<!tpu.dma_semaphore, #tpu.memory_space<semaphore_mem>>) src(%dma_wait3A_36 : memref<32x64xf32, #tpu.memory_space<vmem_shared>>) dst(%dma_wait3A_34 : memref<32x64xf32, #tpu.memory_space<vmem>>)
      tpu.yield
    }) : () -> ()
    %mul3A_13 = arith.constant 512 : i32
    %mul3A_14 = arith.muli %arg0, %mul3A_13 : i32
    %add3A_15 = arith.addi %mul3A_14, %mul3A_12 : i32
    "tpu.region"() ({
      %run_scoped3A = tpu.sem_alloc : memref<!tpu.dma_semaphore, #tpu.memory_space<semaphore_mem>>
      %dma_start3A = arith.constant 0 : i32
      %dma_start3A_19 = arith.constant 0 : i32
      %dma_start3A_20 = tpu.memref_slice %arg11[%dma_start3A, %dma_start3A_19] : memref<112x64xf32, #tpu.memory_space<vmem>> -> memref<32x64xf32, #tpu.memory_space<vmem>>
      %dma_start3A_21 = arith.constant 0 : i32
      %dma_start3A_22 = tpu.memref_slice %arg7[%add3A_15, %dma_start3A_21] : memref<1024x64xf32, #tpu.memory_space<hbm>> -> memref<32x64xf32, #tpu.memory_space<hbm>>
      %dma_start3A_23 = arith.constant 0 : i32
      %dma_start3A_24 = tpu.memref_slice %arg7[%add3A_15, %dma_start3A_23] : memref<1024x64xf32, #tpu.memory_space<hbm>> -> memref<32x64xf32, #tpu.memory_space<hbm>>
      %dma_start3A_25 = arith.constant 0 : i32
      %dma_start3A_26 = arith.constant 0 : i32
      %dma_start3A_27 = tpu.memref_slice %arg11[%dma_start3A_25, %dma_start3A_26] : memref<112x64xf32, #tpu.memory_space<vmem>> -> memref<32x64xf32, #tpu.memory_space<vmem>>
      tpu.enqueue_dma source(%dma_start3A_27 : memref<32x64xf32, #tpu.memory_space<vmem>>) target(%dma_start3A_24 : memref<32x64xf32, #tpu.memory_space<hbm>>) target_semaphore(%run_scoped3A : memref<!tpu.dma_semaphore, #tpu.memory_space<semaphore_mem>>)
      %dma_wait3A = arith.constant 0 : i32
      %dma_wait3A_28 = arith.constant 0 : i32
      %dma_wait3A_29 = tpu.memref_slice %arg11[%dma_wait3A, %dma_wait3A_28] : memref<112x64xf32, #tpu.memory_space<vmem>> -> memref<32x64xf32, #tpu.memory_space<vmem>>
      %dma_wait3A_30 = arith.constant 0 : i32
      %dma_wait3A_31 = tpu.memref_slice %arg7[%add3A_15, %dma_wait3A_30] : memref<1024x64xf32, #tpu.memory_space<hbm>> -> memref<32x64xf32, #tpu.memory_space<hbm>>
      %dma_wait3A_32 = arith.constant 0 : i32
      %dma_wait3A_33 = tpu.memref_slice %arg7[%add3A_15, %dma_wait3A_32] : memref<1024x64xf32, #tpu.memory_space<hbm>> -> memref<32x64xf32, #tpu.memory_space<hbm>>
      %dma_wait3A_34 = arith.constant 0 : i32
      %dma_wait3A_35 = arith.constant 0 : i32
      %dma_wait3A_36 = tpu.memref_slice %arg11[%dma_wait3A_34, %dma_wait3A_35] : memref<112x64xf32, #tpu.memory_space<vmem>> -> memref<32x64xf32, #tpu.memory_space<vmem>>
      tpu.wait_dma2 semaphore(%run_scoped3A : memref<!tpu.dma_semaphore, #tpu.memory_space<semaphore_mem>>) src(%dma_wait3A_36 : memref<32x64xf32, #tpu.memory_space<vmem>>) dst(%dma_wait3A_33 : memref<32x64xf32, #tpu.memory_space<hbm>>)
      tpu.yield
    }) : () -> ()
    "tpu.region"() ({
      %run_scoped3A = tpu.sem_alloc : memref<!tpu.dma_semaphore, #tpu.memory_space<semaphore_mem>>
      %dma_start3A = arith.constant 0 : i32
      %dma_start3A_19 = arith.constant 0 : i32
      %dma_start3A_20 = tpu.memref_slice %arg13[%dma_start3A, %dma_start3A_19] : memref<112x16xf32, #tpu.memory_space<vmem>> -> memref<32x16xf32, #tpu.memory_space<vmem>>
      %dma_start3A_21 = arith.constant 0 : i32
      %dma_start3A_22 = tpu.memref_slice %arg10[%mul3A_12, %dma_start3A_21] : memref<528x16xf32, #tpu.memory_space<vmem_shared>> -> memref<32x16xf32, #tpu.memory_space<vmem_shared>>
      %dma_start3A_23 = arith.constant 0 : i32
      %dma_start3A_24 = arith.constant 0 : i32
      %dma_start3A_25 = tpu.memref_slice %arg13[%dma_start3A_23, %dma_start3A_24] : memref<112x16xf32, #tpu.memory_space<vmem>> -> memref<32x16xf32, #tpu.memory_space<vmem>>
      %dma_start3A_26 = arith.constant 0 : i32
      %dma_start3A_27 = tpu.memref_slice %arg10[%mul3A_12, %dma_start3A_26] : memref<528x16xf32, #tpu.memory_space<vmem_shared>> -> memref<32x16xf32, #tpu.memory_space<vmem_shared>>
      tpu.enqueue_dma source(%dma_start3A_27 : memref<32x16xf32, #tpu.memory_space<vmem_shared>>) target(%dma_start3A_25 : memref<32x16xf32, #tpu.memory_space<vmem>>) target_semaphore(%run_scoped3A : memref<!tpu.dma_semaphore, #tpu.memory_space<semaphore_mem>>)
      %dma_wait3A = arith.constant 0 : i32
      %dma_wait3A_28 = arith.constant 0 : i32
      %dma_wait3A_29 = tpu.memref_slice %arg13[%dma_wait3A, %dma_wait3A_28] : memref<112x16xf32, #tpu.memory_space<vmem>> -> memref<32x16xf32, #tpu.memory_space<vmem>>
      %dma_wait3A_30 = arith.constant 0 : i32
      %dma_wait3A_31 = tpu.memref_slice %arg10[%mul3A_12, %dma_wait3A_30] : memref<528x16xf32, #tpu.memory_space<vmem_shared>> -> memref<32x16xf32, #tpu.memory_space<vmem_shared>>
      %dma_wait3A_32 = arith.constant 0 : i32
      %dma_wait3A_33 = arith.constant 0 : i32
      %dma_wait3A_34 = tpu.memref_slice %arg13[%dma_wait3A_32, %dma_wait3A_33] : memref<112x16xf32, #tpu.memory_space<vmem>> -> memref<32x16xf32, #tpu.memory_space<vmem>>
      %dma_wait3A_35 = arith.constant 0 : i32
      %dma_wait3A_36 = tpu.memref_slice %arg10[%mul3A_12, %dma_wait3A_35] : memref<528x16xf32, #tpu.memory_space<vmem_shared>> -> memref<32x16xf32, #tpu.memory_space<vmem_shared>>
      tpu.wait_dma2 semaphore(%run_scoped3A : memref<!tpu.dma_semaphore, #tpu.memory_space<semaphore_mem>>) src(%dma_wait3A_36 : memref<32x16xf32, #tpu.memory_space<vmem_shared>>) dst(%dma_wait3A_34 : memref<32x16xf32, #tpu.memory_space<vmem>>)
      tpu.yield
    }) : () -> ()
    %mul3A_16 = arith.constant 512 : i32
    %mul3A_17 = arith.muli %arg0, %mul3A_16 : i32
    %add3A_18 = arith.addi %mul3A_17, %mul3A_12 : i32
    "tpu.region"() ({
      %run_scoped3A = tpu.sem_alloc : memref<!tpu.dma_semaphore, #tpu.memory_space<semaphore_mem>>
      %dma_start3A = arith.constant 0 : i32
      %dma_start3A_19 = arith.constant 0 : i32
      %dma_start3A_20 = tpu.memref_slice %arg13[%dma_start3A, %dma_start3A_19] : memref<112x16xf32, #tpu.memory_space<vmem>> -> memref<32x16xf32, #tpu.memory_space<vmem>>
      %dma_start3A_21 = arith.constant 0 : i32
      %dma_start3A_22 = tpu.memref_slice %arg8[%add3A_18, %dma_start3A_21] : memref<1024x16xf32, #tpu.memory_space<hbm>> -> memref<32x16xf32, #tpu.memory_space<hbm>>
      %dma_start3A_23 = arith.constant 0 : i32
      %dma_start3A_24 = tpu.memref_slice %arg8[%add3A_18, %dma_start3A_23] : memref<1024x16xf32, #tpu.memory_space<hbm>> -> memref<32x16xf32, #tpu.memory_space<hbm>>
      %dma_start3A_25 = arith.constant 0 : i32
      %dma_start3A_26 = arith.constant 0 : i32
      %dma_start3A_27 = tpu.memref_slice %arg13[%dma_start3A_25, %dma_start3A_26] : memref<112x16xf32, #tpu.memory_space<vmem>> -> memref<32x16xf32, #tpu.memory_space<vmem>>
      tpu.enqueue_dma source(%dma_start3A_27 : memref<32x16xf32, #tpu.memory_space<vmem>>) target(%dma_start3A_24 : memref<32x16xf32, #tpu.memory_space<hbm>>) target_semaphore(%run_scoped3A : memref<!tpu.dma_semaphore, #tpu.memory_space<semaphore_mem>>)
      %dma_wait3A = arith.constant 0 : i32
      %dma_wait3A_28 = arith.constant 0 : i32
      %dma_wait3A_29 = tpu.memref_slice %arg13[%dma_wait3A, %dma_wait3A_28] : memref<112x16xf32, #tpu.memory_space<vmem>> -> memref<32x16xf32, #tpu.memory_space<vmem>>
      %dma_wait3A_30 = arith.constant 0 : i32
      %dma_wait3A_31 = tpu.memref_slice %arg8[%add3A_18, %dma_wait3A_30] : memref<1024x16xf32, #tpu.memory_space<hbm>> -> memref<32x16xf32, #tpu.memory_space<hbm>>
      %dma_wait3A_32 = arith.constant 0 : i32
      %dma_wait3A_33 = tpu.memref_slice %arg8[%add3A_18, %dma_wait3A_32] : memref<1024x16xf32, #tpu.memory_space<hbm>> -> memref<32x16xf32, #tpu.memory_space<hbm>>
      %dma_wait3A_34 = arith.constant 0 : i32
      %dma_wait3A_35 = arith.constant 0 : i32
      %dma_wait3A_36 = tpu.memref_slice %arg13[%dma_wait3A_34, %dma_wait3A_35] : memref<112x16xf32, #tpu.memory_space<vmem>> -> memref<32x16xf32, #tpu.memory_space<vmem>>
      tpu.wait_dma2 semaphore(%run_scoped3A : memref<!tpu.dma_semaphore, #tpu.memory_space<semaphore_mem>>) src(%dma_wait3A_36 : memref<32x16xf32, #tpu.memory_space<vmem>>) dst(%dma_wait3A_33 : memref<32x16xf32, #tpu.memory_space<hbm>>)
      tpu.yield
    }) : () -> ()
    return
  }
}

#map = affine_map<(d0, d1) -> (0, 0)>
#map1 = affine_map<(d0, d1) -> (0)>
module attributes {stable_mosaic.version = 14 : i64} {
  func.func @agg(%arg0: i32, %arg1: i32, %arg2: memref<53248x64xf32, #tpu.memory_space<hbm>>, %arg3: memref<800768xi32, #tpu.memory_space<hbm>>, %arg4: memref<800768xi32, #tpu.memory_space<hbm>>, %arg5: memref<112x64xf32, #tpu.memory_space<hbm>>, %arg6: memref<53248x64xf32, #tpu.memory_space<hbm>>, %arg7: memref<25104x64xf32, #tpu.memory_space<vmem_shared>>, %arg8: memref<128xi32, #tpu.memory_space<vmem>>, %arg9: memref<128xi32, #tpu.memory_space<vmem>>, %arg10: memref<128xi32, #tpu.memory_space<vmem>>, %arg11: memref<128x64xf32, #tpu.memory_space<vmem>>, %arg12: memref<112x64xf32, #tpu.memory_space<vmem>>, %arg13: memref<!tpu.dma_semaphore, #tpu.memory_space<semaphore_mem>>) attributes {dimension_semantics = [#tpu.dimension_semantics<core_parallel>, #tpu.dimension_semantics<subcore_parallel>], iteration_bounds = array<i64: 2, 16>, scalar_prefetch = 0 : i64, scratch_operands = 7 : i64, tpu.core_type = #tpu.core_type<sc_vector_subcore>, window_params = [{transform_indices = #map}, {transform_indices = #map1}, {transform_indices = #map1}, {transform_indices = #map}, {transform_indices = #map}]} {
    "tpu.region"() ({
      %run_scoped3A = tpu.sem_alloc : memref<!tpu.dma_semaphore, #tpu.memory_space<semaphore_mem>>
      tpu.enqueue_dma source(%arg5 : memref<112x64xf32, #tpu.memory_space<hbm>>) target(%arg12 : memref<112x64xf32, #tpu.memory_space<vmem>>) target_semaphore(%run_scoped3A : memref<!tpu.dma_semaphore, #tpu.memory_space<semaphore_mem>>)
      tpu.wait_dma2 semaphore(%run_scoped3A : memref<!tpu.dma_semaphore, #tpu.memory_space<semaphore_mem>>) src(%arg5 : memref<112x64xf32, #tpu.memory_space<hbm>>) dst(%arg12 : memref<112x64xf32, #tpu.memory_space<vmem>>)
      tpu.yield
    }) : () -> ()
    %scan3A = arith.constant 0 : i32
    %scan3A_0 = arith.constant 0 : i32
    %scan3A_1 = arith.constant 14 : i32
    %scan3A_2 = arith.addi %scan3A_0, %scan3A_1 : i32
    %scan3A_3 = arith.constant 1 : i32
    scf.for %scan3A_21 = %scan3A_0 to %scan3A_2 step %scan3A_3  : i32 {
      %mul3A_22 = arith.constant 1568 : i32
      %mul3A_23 = arith.muli %arg1, %mul3A_22 : i32
      %mul3A_24 = arith.constant 112 : i32
      %mul3A_25 = arith.muli %scan3A_21, %mul3A_24 : i32
      %add3A = arith.addi %mul3A_23, %mul3A_25 : i32
      "tpu.region"() ({
        %run_scoped3A = tpu.sem_alloc : memref<!tpu.dma_semaphore, #tpu.memory_space<semaphore_mem>>
        %dma_start3A = arith.constant 0 : i32
        %dma_start3A_26 = tpu.memref_slice %arg7[%add3A, %dma_start3A] : memref<25104x64xf32, #tpu.memory_space<vmem_shared>> -> memref<112x64xf32, #tpu.memory_space<vmem_shared>>
        %dma_start3A_27 = arith.constant 0 : i32
        %dma_start3A_28 = tpu.memref_slice %arg7[%add3A, %dma_start3A_27] : memref<25104x64xf32, #tpu.memory_space<vmem_shared>> -> memref<112x64xf32, #tpu.memory_space<vmem_shared>>
        tpu.enqueue_dma source(%arg12 : memref<112x64xf32, #tpu.memory_space<vmem>>) target(%dma_start3A_28 : memref<112x64xf32, #tpu.memory_space<vmem_shared>>) target_semaphore(%run_scoped3A : memref<!tpu.dma_semaphore, #tpu.memory_space<semaphore_mem>>)
        %dma_wait3A = arith.constant 0 : i32
        %dma_wait3A_29 = tpu.memref_slice %arg7[%add3A, %dma_wait3A] : memref<25104x64xf32, #tpu.memory_space<vmem_shared>> -> memref<112x64xf32, #tpu.memory_space<vmem_shared>>
        %dma_wait3A_30 = arith.constant 0 : i32
        %dma_wait3A_31 = tpu.memref_slice %arg7[%add3A, %dma_wait3A_30] : memref<25104x64xf32, #tpu.memory_space<vmem_shared>> -> memref<112x64xf32, #tpu.memory_space<vmem_shared>>
        tpu.wait_dma2 semaphore(%run_scoped3A : memref<!tpu.dma_semaphore, #tpu.memory_space<semaphore_mem>>) src(%arg12 : memref<112x64xf32, #tpu.memory_space<vmem>>) dst(%dma_wait3A_31 : memref<112x64xf32, #tpu.memory_space<vmem_shared>>)
        tpu.yield
      }) : () -> ()
    }
    %scan3A_4 = arith.constant 14 : i32
    %eq3A = arith.constant 0 : i32
    %eq3A_5 = arith.cmpi eq, %arg1, %eq3A : i32
    %convert_element_type3A = arith.extui %eq3A_5 : i1 to i32
    %cond3A = arith.constant 0 : i32
    %cond3A_6 = arith.cmpi ne, %convert_element_type3A, %cond3A : i32
    scf.if %cond3A_6 {
      "tpu.region"() ({
        %run_scoped3A = tpu.sem_alloc : memref<!tpu.dma_semaphore, #tpu.memory_space<semaphore_mem>>
        %dma_start3A = arith.constant 0 : i32
        %dma_start3A_21 = arith.constant 0 : i32
        %dma_start3A_22 = tpu.memref_slice %arg12[%dma_start3A, %dma_start3A_21] : memref<112x64xf32, #tpu.memory_space<vmem>> -> memref<16x64xf32, #tpu.memory_space<vmem>>
        %dma_start3A_23 = arith.constant 25088 : i32
        %dma_start3A_24 = arith.constant 0 : i32
        %dma_start3A_25 = tpu.memref_slice %arg7[%dma_start3A_23, %dma_start3A_24] : memref<25104x64xf32, #tpu.memory_space<vmem_shared>> -> memref<16x64xf32, #tpu.memory_space<vmem_shared>>
        %dma_start3A_26 = arith.constant 25088 : i32
        %dma_start3A_27 = arith.constant 0 : i32
        %dma_start3A_28 = tpu.memref_slice %arg7[%dma_start3A_26, %dma_start3A_27] : memref<25104x64xf32, #tpu.memory_space<vmem_shared>> -> memref<16x64xf32, #tpu.memory_space<vmem_shared>>
        %dma_start3A_29 = arith.constant 0 : i32
        %dma_start3A_30 = arith.constant 0 : i32
        %dma_start3A_31 = tpu.memref_slice %arg12[%dma_start3A_29, %dma_start3A_30] : memref<112x64xf32, #tpu.memory_space<vmem>> -> memref<16x64xf32, #tpu.memory_space<vmem>>
        tpu.enqueue_dma source(%dma_start3A_31 : memref<16x64xf32, #tpu.memory_space<vmem>>) target(%dma_start3A_28 : memref<16x64xf32, #tpu.memory_space<vmem_shared>>) target_semaphore(%run_scoped3A : memref<!tpu.dma_semaphore, #tpu.memory_space<semaphore_mem>>)
        %dma_wait3A = arith.constant 0 : i32
        %dma_wait3A_32 = arith.constant 0 : i32
        %dma_wait3A_33 = tpu.memref_slice %arg12[%dma_wait3A, %dma_wait3A_32] : memref<112x64xf32, #tpu.memory_space<vmem>> -> memref<16x64xf32, #tpu.memory_space<vmem>>
        %dma_wait3A_34 = arith.constant 25088 : i32
        %dma_wait3A_35 = arith.constant 0 : i32
        %dma_wait3A_36 = tpu.memref_slice %arg7[%dma_wait3A_34, %dma_wait3A_35] : memref<25104x64xf32, #tpu.memory_space<vmem_shared>> -> memref<16x64xf32, #tpu.memory_space<vmem_shared>>
        %dma_wait3A_37 = arith.constant 25088 : i32
        %dma_wait3A_38 = arith.constant 0 : i32
        %dma_wait3A_39 = tpu.memref_slice %arg7[%dma_wait3A_37, %dma_wait3A_38] : memref<25104x64xf32, #tpu.memory_space<vmem_shared>> -> memref<16x64xf32, #tpu.memory_space<vmem_shared>>
        %dma_wait3A_40 = arith.constant 0 : i32
        %dma_wait3A_41 = arith.constant 0 : i32
        %dma_wait3A_42 = tpu.memref_slice %arg12[%dma_wait3A_40, %dma_wait3A_41] : memref<112x64xf32, #tpu.memory_space<vmem>> -> memref<16x64xf32, #tpu.memory_space<vmem>>
        tpu.wait_dma2 semaphore(%run_scoped3A : memref<!tpu.dma_semaphore, #tpu.memory_space<semaphore_mem>>) src(%dma_wait3A_42 : memref<16x64xf32, #tpu.memory_space<vmem>>) dst(%dma_wait3A_39 : memref<16x64xf32, #tpu.memory_space<vmem_shared>>)
        tpu.yield
      }) : () -> ()
    } else {
    }
    %barrier3A = arith.constant 0 : index
    tpu.barrier barrier_id(%barrier3A)
    %mul3A = arith.constant 25088 : i32
    %mul3A_7 = arith.muli %arg0, %mul3A : i32
    %scan3A_8 = arith.constant 0 : i32
    %scan3A_9 = arith.constant 0 : i32
    %scan3A_10 = arith.constant 391 : i32
    %scan3A_11 = arith.addi %scan3A_9, %scan3A_10 : i32
    %scan3A_12 = arith.constant 1 : i32
    scf.for %scan3A_21 = %scan3A_9 to %scan3A_11 step %scan3A_12  : i32 {
      %mul3A_22 = arith.constant 50048 : i32
      %mul3A_23 = arith.muli %arg1, %mul3A_22 : i32
      %mul3A_24 = arith.constant 128 : i32
      %mul3A_25 = arith.muli %scan3A_21, %mul3A_24 : i32
      %add3A = arith.addi %mul3A_23, %mul3A_25 : i32
      "tpu.region"() ({
        %run_scoped3A = tpu.sem_alloc : memref<!tpu.dma_semaphore, #tpu.memory_space<semaphore_mem>>
        %dma_start3A_173 = tpu.memref_slice %arg3[%add3A] : memref<800768xi32, #tpu.memory_space<hbm>> -> memref<128xi32, #tpu.memory_space<hbm>>
        %dma_start3A_174 = tpu.memref_slice %arg3[%add3A] : memref<800768xi32, #tpu.memory_space<hbm>> -> memref<128xi32, #tpu.memory_space<hbm>>
        tpu.enqueue_dma source(%dma_start3A_174 : memref<128xi32, #tpu.memory_space<hbm>>) target(%arg8 : memref<128xi32, #tpu.memory_space<vmem>>) target_semaphore(%run_scoped3A : memref<!tpu.dma_semaphore, #tpu.memory_space<semaphore_mem>>)
        %dma_wait3A_175 = tpu.memref_slice %arg3[%add3A] : memref<800768xi32, #tpu.memory_space<hbm>> -> memref<128xi32, #tpu.memory_space<hbm>>
        %dma_wait3A_176 = tpu.memref_slice %arg3[%add3A] : memref<800768xi32, #tpu.memory_space<hbm>> -> memref<128xi32, #tpu.memory_space<hbm>>
        tpu.wait_dma2 semaphore(%run_scoped3A : memref<!tpu.dma_semaphore, #tpu.memory_space<semaphore_mem>>) src(%dma_wait3A_176 : memref<128xi32, #tpu.memory_space<hbm>>) dst(%arg8 : memref<128xi32, #tpu.memory_space<vmem>>)
        tpu.yield
      }) : () -> ()
      "tpu.region"() ({
        %run_scoped3A = tpu.sem_alloc : memref<!tpu.dma_semaphore, #tpu.memory_space<semaphore_mem>>
        %dma_start3A_173 = tpu.memref_slice %arg4[%add3A] : memref<800768xi32, #tpu.memory_space<hbm>> -> memref<128xi32, #tpu.memory_space<hbm>>
        %dma_start3A_174 = tpu.memref_slice %arg4[%add3A] : memref<800768xi32, #tpu.memory_space<hbm>> -> memref<128xi32, #tpu.memory_space<hbm>>
        tpu.enqueue_dma source(%dma_start3A_174 : memref<128xi32, #tpu.memory_space<hbm>>) target(%arg9 : memref<128xi32, #tpu.memory_space<vmem>>) target_semaphore(%run_scoped3A : memref<!tpu.dma_semaphore, #tpu.memory_space<semaphore_mem>>)
        %dma_wait3A_175 = tpu.memref_slice %arg4[%add3A] : memref<800768xi32, #tpu.memory_space<hbm>> -> memref<128xi32, #tpu.memory_space<hbm>>
        %dma_wait3A_176 = tpu.memref_slice %arg4[%add3A] : memref<800768xi32, #tpu.memory_space<hbm>> -> memref<128xi32, #tpu.memory_space<hbm>>
        tpu.wait_dma2 semaphore(%run_scoped3A : memref<!tpu.dma_semaphore, #tpu.memory_space<semaphore_mem>>) src(%dma_wait3A_176 : memref<128xi32, #tpu.memory_space<hbm>>) dst(%arg9 : memref<128xi32, #tpu.memory_space<vmem>>)
        tpu.yield
      }) : () -> ()
      %get3A = arith.constant 0 : index
      %get3A_26 = tpu.vector_load %arg9[%get3A] {strides = array<i32>} : memref<128xi32, #tpu.memory_space<vmem>>, vector<16xi32>,
      %get3A_27 = vector.shape_cast %get3A_26 : vector<16xi32> to vector<16xi32>
      %sub3A = vector.broadcast %mul3A_7 : i32 to vector<16xi32>
      %sub3A_28 = arith.subi %get3A_27, %sub3A : vector<16xi32>
      %ge3A = arith.constant 0 : i32
      %ge3A_29 = vector.broadcast %ge3A : i32 to vector<16xi32>
      %ge3A_30 = arith.cmpi sge, %sub3A_28, %ge3A_29 : vector<16xi32>
      %lt3A = arith.constant 25088 : i32
      %lt3A_31 = vector.broadcast %lt3A : i32 to vector<16xi32>
      %lt3A_32 = arith.cmpi slt, %sub3A_28, %lt3A_31 : vector<16xi32>
      %and3A = arith.andi %ge3A_30, %lt3A_32 : vector<16xi1>
      %jit3A = arith.constant 25088 : i32
      %broadcast_in_dim3A = vector.broadcast %jit3A : i32 to vector<16xi32>
      %select_n3A = arith.select %and3A, %sub3A_28, %broadcast_in_dim3A : vector<16xi1>, vector<16xi32>
      %swap3A = arith.constant 0 : index
      %swap3A_33 = tpu.vector_load %arg10[%swap3A] {strides = array<i32>} : memref<128xi32, #tpu.memory_space<vmem>>, vector<16xi32>,
      %swap3A_34 = vector.shape_cast %swap3A_33 : vector<16xi32> to vector<16xi32>
      %swap3A_35 = vector.shape_cast %select_n3A : vector<16xi32> to vector<16xi32>
      tpu.vector_store %arg10[%swap3A], %swap3A_35 {strides = array<i32>} : memref<128xi32, #tpu.memory_space<vmem>>, vector<16xi32>,
      %get3A_36 = arith.constant 16 : index
      %get3A_37 = tpu.vector_load %arg9[%get3A_36] {strides = array<i32>} : memref<128xi32, #tpu.memory_space<vmem>>, vector<16xi32>,
      %get3A_38 = vector.shape_cast %get3A_37 : vector<16xi32> to vector<16xi32>
      %sub3A_39 = vector.broadcast %mul3A_7 : i32 to vector<16xi32>
      %sub3A_40 = arith.subi %get3A_38, %sub3A_39 : vector<16xi32>
      %ge3A_41 = arith.constant 0 : i32
      %ge3A_42 = vector.broadcast %ge3A_41 : i32 to vector<16xi32>
      %ge3A_43 = arith.cmpi sge, %sub3A_40, %ge3A_42 : vector<16xi32>
      %lt3A_44 = arith.constant 25088 : i32
      %lt3A_45 = vector.broadcast %lt3A_44 : i32 to vector<16xi32>
      %lt3A_46 = arith.cmpi slt, %sub3A_40, %lt3A_45 : vector<16xi32>
      %and3A_47 = arith.andi %ge3A_43, %lt3A_46 : vector<16xi1>
      %jit3A_48 = arith.constant 25088 : i32
      %broadcast_in_dim3A_49 = vector.broadcast %jit3A_48 : i32 to vector<16xi32>
      %select_n3A_50 = arith.select %and3A_47, %sub3A_40, %broadcast_in_dim3A_49 : vector<16xi1>, vector<16xi32>
      %swap3A_51 = arith.constant 16 : index
      %swap3A_52 = tpu.vector_load %arg10[%swap3A_51] {strides = array<i32>} : memref<128xi32, #tpu.memory_space<vmem>>, vector<16xi32>,
      %swap3A_53 = vector.shape_cast %swap3A_52 : vector<16xi32> to vector<16xi32>
      %swap3A_54 = vector.shape_cast %select_n3A_50 : vector<16xi32> to vector<16xi32>
      tpu.vector_store %arg10[%swap3A_51], %swap3A_54 {strides = array<i32>} : memref<128xi32, #tpu.memory_space<vmem>>, vector<16xi32>,
      %get3A_55 = arith.constant 32 : index
      %get3A_56 = tpu.vector_load %arg9[%get3A_55] {strides = array<i32>} : memref<128xi32, #tpu.memory_space<vmem>>, vector<16xi32>,
      %get3A_57 = vector.shape_cast %get3A_56 : vector<16xi32> to vector<16xi32>
      %sub3A_58 = vector.broadcast %mul3A_7 : i32 to vector<16xi32>
      %sub3A_59 = arith.subi %get3A_57, %sub3A_58 : vector<16xi32>
      %ge3A_60 = arith.constant 0 : i32
      %ge3A_61 = vector.broadcast %ge3A_60 : i32 to vector<16xi32>
      %ge3A_62 = arith.cmpi sge, %sub3A_59, %ge3A_61 : vector<16xi32>
      %lt3A_63 = arith.constant 25088 : i32
      %lt3A_64 = vector.broadcast %lt3A_63 : i32 to vector<16xi32>
      %lt3A_65 = arith.cmpi slt, %sub3A_59, %lt3A_64 : vector<16xi32>
      %and3A_66 = arith.andi %ge3A_62, %lt3A_65 : vector<16xi1>
      %jit3A_67 = arith.constant 25088 : i32
      %broadcast_in_dim3A_68 = vector.broadcast %jit3A_67 : i32 to vector<16xi32>
      %select_n3A_69 = arith.select %and3A_66, %sub3A_59, %broadcast_in_dim3A_68 : vector<16xi1>, vector<16xi32>
      %swap3A_70 = arith.constant 32 : index
      %swap3A_71 = tpu.vector_load %arg10[%swap3A_70] {strides = array<i32>} : memref<128xi32, #tpu.memory_space<vmem>>, vector<16xi32>,
      %swap3A_72 = vector.shape_cast %swap3A_71 : vector<16xi32> to vector<16xi32>
      %swap3A_73 = vector.shape_cast %select_n3A_69 : vector<16xi32> to vector<16xi32>
      tpu.vector_store %arg10[%swap3A_70], %swap3A_73 {strides = array<i32>} : memref<128xi32, #tpu.memory_space<vmem>>, vector<16xi32>,
      %get3A_74 = arith.constant 48 : index
      %get3A_75 = tpu.vector_load %arg9[%get3A_74] {strides = array<i32>} : memref<128xi32, #tpu.memory_space<vmem>>, vector<16xi32>,
      %get3A_76 = vector.shape_cast %get3A_75 : vector<16xi32> to vector<16xi32>
      %sub3A_77 = vector.broadcast %mul3A_7 : i32 to vector<16xi32>
      %sub3A_78 = arith.subi %get3A_76, %sub3A_77 : vector<16xi32>
      %ge3A_79 = arith.constant 0 : i32
      %ge3A_80 = vector.broadcast %ge3A_79 : i32 to vector<16xi32>
      %ge3A_81 = arith.cmpi sge, %sub3A_78, %ge3A_80 : vector<16xi32>
      %lt3A_82 = arith.constant 25088 : i32
      %lt3A_83 = vector.broadcast %lt3A_82 : i32 to vector<16xi32>
      %lt3A_84 = arith.cmpi slt, %sub3A_78, %lt3A_83 : vector<16xi32>
      %and3A_85 = arith.andi %ge3A_81, %lt3A_84 : vector<16xi1>
      %jit3A_86 = arith.constant 25088 : i32
      %broadcast_in_dim3A_87 = vector.broadcast %jit3A_86 : i32 to vector<16xi32>
      %select_n3A_88 = arith.select %and3A_85, %sub3A_78, %broadcast_in_dim3A_87 : vector<16xi1>, vector<16xi32>
      %swap3A_89 = arith.constant 48 : index
      %swap3A_90 = tpu.vector_load %arg10[%swap3A_89] {strides = array<i32>} : memref<128xi32, #tpu.memory_space<vmem>>, vector<16xi32>,
      %swap3A_91 = vector.shape_cast %swap3A_90 : vector<16xi32> to vector<16xi32>
      %swap3A_92 = vector.shape_cast %select_n3A_88 : vector<16xi32> to vector<16xi32>
      tpu.vector_store %arg10[%swap3A_89], %swap3A_92 {strides = array<i32>} : memref<128xi32, #tpu.memory_space<vmem>>, vector<16xi32>,
      %get3A_93 = arith.constant 64 : index
      %get3A_94 = tpu.vector_load %arg9[%get3A_93] {strides = array<i32>} : memref<128xi32, #tpu.memory_space<vmem>>, vector<16xi32>,
      %get3A_95 = vector.shape_cast %get3A_94 : vector<16xi32> to vector<16xi32>
      %sub3A_96 = vector.broadcast %mul3A_7 : i32 to vector<16xi32>
      %sub3A_97 = arith.subi %get3A_95, %sub3A_96 : vector<16xi32>
      %ge3A_98 = arith.constant 0 : i32
      %ge3A_99 = vector.broadcast %ge3A_98 : i32 to vector<16xi32>
      %ge3A_100 = arith.cmpi sge, %sub3A_97, %ge3A_99 : vector<16xi32>
      %lt3A_101 = arith.constant 25088 : i32
      %lt3A_102 = vector.broadcast %lt3A_101 : i32 to vector<16xi32>
      %lt3A_103 = arith.cmpi slt, %sub3A_97, %lt3A_102 : vector<16xi32>
      %and3A_104 = arith.andi %ge3A_100, %lt3A_103 : vector<16xi1>
      %jit3A_105 = arith.constant 25088 : i32
      %broadcast_in_dim3A_106 = vector.broadcast %jit3A_105 : i32 to vector<16xi32>
      %select_n3A_107 = arith.select %and3A_104, %sub3A_97, %broadcast_in_dim3A_106 : vector<16xi1>, vector<16xi32>
      %swap3A_108 = arith.constant 64 : index
      %swap3A_109 = tpu.vector_load %arg10[%swap3A_108] {strides = array<i32>} : memref<128xi32, #tpu.memory_space<vmem>>, vector<16xi32>,
      %swap3A_110 = vector.shape_cast %swap3A_109 : vector<16xi32> to vector<16xi32>
      %swap3A_111 = vector.shape_cast %select_n3A_107 : vector<16xi32> to vector<16xi32>
      tpu.vector_store %arg10[%swap3A_108], %swap3A_111 {strides = array<i32>} : memref<128xi32, #tpu.memory_space<vmem>>, vector<16xi32>,
      %get3A_112 = arith.constant 80 : index
      %get3A_113 = tpu.vector_load %arg9[%get3A_112] {strides = array<i32>} : memref<128xi32, #tpu.memory_space<vmem>>, vector<16xi32>,
      %get3A_114 = vector.shape_cast %get3A_113 : vector<16xi32> to vector<16xi32>
      %sub3A_115 = vector.broadcast %mul3A_7 : i32 to vector<16xi32>
      %sub3A_116 = arith.subi %get3A_114, %sub3A_115 : vector<16xi32>
      %ge3A_117 = arith.constant 0 : i32
      %ge3A_118 = vector.broadcast %ge3A_117 : i32 to vector<16xi32>
      %ge3A_119 = arith.cmpi sge, %sub3A_116, %ge3A_118 : vector<16xi32>
      %lt3A_120 = arith.constant 25088 : i32
      %lt3A_121 = vector.broadcast %lt3A_120 : i32 to vector<16xi32>
      %lt3A_122 = arith.cmpi slt, %sub3A_116, %lt3A_121 : vector<16xi32>
      %and3A_123 = arith.andi %ge3A_119, %lt3A_122 : vector<16xi1>
      %jit3A_124 = arith.constant 25088 : i32
      %broadcast_in_dim3A_125 = vector.broadcast %jit3A_124 : i32 to vector<16xi32>
      %select_n3A_126 = arith.select %and3A_123, %sub3A_116, %broadcast_in_dim3A_125 : vector<16xi1>, vector<16xi32>
      %swap3A_127 = arith.constant 80 : index
      %swap3A_128 = tpu.vector_load %arg10[%swap3A_127] {strides = array<i32>} : memref<128xi32, #tpu.memory_space<vmem>>, vector<16xi32>,
      %swap3A_129 = vector.shape_cast %swap3A_128 : vector<16xi32> to vector<16xi32>
      %swap3A_130 = vector.shape_cast %select_n3A_126 : vector<16xi32> to vector<16xi32>
      tpu.vector_store %arg10[%swap3A_127], %swap3A_130 {strides = array<i32>} : memref<128xi32, #tpu.memory_space<vmem>>, vector<16xi32>,
      %get3A_131 = arith.constant 96 : index
      %get3A_132 = tpu.vector_load %arg9[%get3A_131] {strides = array<i32>} : memref<128xi32, #tpu.memory_space<vmem>>, vector<16xi32>,
      %get3A_133 = vector.shape_cast %get3A_132 : vector<16xi32> to vector<16xi32>
      %sub3A_134 = vector.broadcast %mul3A_7 : i32 to vector<16xi32>
      %sub3A_135 = arith.subi %get3A_133, %sub3A_134 : vector<16xi32>
      %ge3A_136 = arith.constant 0 : i32
      %ge3A_137 = vector.broadcast %ge3A_136 : i32 to vector<16xi32>
      %ge3A_138 = arith.cmpi sge, %sub3A_135, %ge3A_137 : vector<16xi32>
      %lt3A_139 = arith.constant 25088 : i32
      %lt3A_140 = vector.broadcast %lt3A_139 : i32 to vector<16xi32>
      %lt3A_141 = arith.cmpi slt, %sub3A_135, %lt3A_140 : vector<16xi32>
      %and3A_142 = arith.andi %ge3A_138, %lt3A_141 : vector<16xi1>
      %jit3A_143 = arith.constant 25088 : i32
      %broadcast_in_dim3A_144 = vector.broadcast %jit3A_143 : i32 to vector<16xi32>
      %select_n3A_145 = arith.select %and3A_142, %sub3A_135, %broadcast_in_dim3A_144 : vector<16xi1>, vector<16xi32>
      %swap3A_146 = arith.constant 96 : index
      %swap3A_147 = tpu.vector_load %arg10[%swap3A_146] {strides = array<i32>} : memref<128xi32, #tpu.memory_space<vmem>>, vector<16xi32>,
      %swap3A_148 = vector.shape_cast %swap3A_147 : vector<16xi32> to vector<16xi32>
      %swap3A_149 = vector.shape_cast %select_n3A_145 : vector<16xi32> to vector<16xi32>
      tpu.vector_store %arg10[%swap3A_146], %swap3A_149 {strides = array<i32>} : memref<128xi32, #tpu.memory_space<vmem>>, vector<16xi32>,
      %get3A_150 = arith.constant 112 : index
      %get3A_151 = tpu.vector_load %arg9[%get3A_150] {strides = array<i32>} : memref<128xi32, #tpu.memory_space<vmem>>, vector<16xi32>,
      %get3A_152 = vector.shape_cast %get3A_151 : vector<16xi32> to vector<16xi32>
      %sub3A_153 = vector.broadcast %mul3A_7 : i32 to vector<16xi32>
      %sub3A_154 = arith.subi %get3A_152, %sub3A_153 : vector<16xi32>
      %ge3A_155 = arith.constant 0 : i32
      %ge3A_156 = vector.broadcast %ge3A_155 : i32 to vector<16xi32>
      %ge3A_157 = arith.cmpi sge, %sub3A_154, %ge3A_156 : vector<16xi32>
      %lt3A_158 = arith.constant 25088 : i32
      %lt3A_159 = vector.broadcast %lt3A_158 : i32 to vector<16xi32>
      %lt3A_160 = arith.cmpi slt, %sub3A_154, %lt3A_159 : vector<16xi32>
      %and3A_161 = arith.andi %ge3A_157, %lt3A_160 : vector<16xi1>
      %jit3A_162 = arith.constant 25088 : i32
      %broadcast_in_dim3A_163 = vector.broadcast %jit3A_162 : i32 to vector<16xi32>
      %select_n3A_164 = arith.select %and3A_161, %sub3A_154, %broadcast_in_dim3A_163 : vector<16xi1>, vector<16xi32>
      %swap3A_165 = arith.constant 112 : index
      %swap3A_166 = tpu.vector_load %arg10[%swap3A_165] {strides = array<i32>} : memref<128xi32, #tpu.memory_space<vmem>>, vector<16xi32>,
      %swap3A_167 = vector.shape_cast %swap3A_166 : vector<16xi32> to vector<16xi32>
      %swap3A_168 = vector.shape_cast %select_n3A_164 : vector<16xi32> to vector<16xi32>
      tpu.vector_store %arg10[%swap3A_165], %swap3A_168 {strides = array<i32>} : memref<128xi32, #tpu.memory_space<vmem>>, vector<16xi32>,
      %dma_start3A = arith.constant 0 : i32
      %dma_start3A_169 = arith.constant 0 : i32
      %dma_start3A_170 = tpu.memref_slice %arg2[%dma_start3A, %dma_start3A_169] : memref<53248x64xf32, #tpu.memory_space<hbm>> -> memref<53248x64xf32, #tpu.memory_space<hbm>>
      tpu.enqueue_indirect_dma source(%dma_start3A_170 : memref<53248x64xf32, #tpu.memory_space<hbm>>) target(%arg11 : memref<128x64xf32, #tpu.memory_space<vmem>>) offsets(%arg8 : memref<128xi32, #tpu.memory_space<vmem>>) semaphore(%arg13 : memref<!tpu.dma_semaphore, #tpu.memory_space<semaphore_mem>>)
      %dma_wait3A = arith.constant 0 : i32
      %dma_wait3A_171 = arith.constant 0 : i32
      %dma_wait3A_172 = tpu.memref_slice %arg2[%dma_wait3A, %dma_wait3A_171] : memref<53248x64xf32, #tpu.memory_space<hbm>> -> memref<53248x64xf32, #tpu.memory_space<hbm>>
      tpu.wait_indirect_dma semaphore(%arg13 : memref<!tpu.dma_semaphore, #tpu.memory_space<semaphore_mem>>) src(%dma_wait3A_172 : memref<53248x64xf32, #tpu.memory_space<hbm>>) dst(%arg11 : memref<128x64xf32, #tpu.memory_space<vmem>>)
      "tpu.region"() ({
        %run_scoped3A = tpu.sem_alloc : memref<!tpu.dma_semaphore, #tpu.memory_space<semaphore_mem>>
        %dma_start3A_173 = arith.constant 0 : i32
        %dma_start3A_174 = arith.constant 0 : i32
        %dma_start3A_175 = tpu.memref_slice %arg7[%dma_start3A_173, %dma_start3A_174] : memref<25104x64xf32, #tpu.memory_space<vmem_shared>> -> memref<25104x64xf32, #tpu.memory_space<vmem_shared>>
        tpu.enqueue_indirect_dma source(%arg11 : memref<128x64xf32, #tpu.memory_space<vmem>>) target(%dma_start3A_175 : memref<25104x64xf32, #tpu.memory_space<vmem_shared>>) offsets(%arg10 : memref<128xi32, #tpu.memory_space<vmem>>) semaphore(%run_scoped3A : memref<!tpu.dma_semaphore, #tpu.memory_space<semaphore_mem>>) {add = true}
        %dma_wait3A_176 = arith.constant 0 : i32
        %dma_wait3A_177 = arith.constant 0 : i32
        %dma_wait3A_178 = tpu.memref_slice %arg7[%dma_wait3A_176, %dma_wait3A_177] : memref<25104x64xf32, #tpu.memory_space<vmem_shared>> -> memref<25104x64xf32, #tpu.memory_space<vmem_shared>>
        tpu.wait_indirect_dma semaphore(%run_scoped3A : memref<!tpu.dma_semaphore, #tpu.memory_space<semaphore_mem>>) src(%arg11 : memref<128x64xf32, #tpu.memory_space<vmem>>) dst(%dma_wait3A_178 : memref<25104x64xf32, #tpu.memory_space<vmem_shared>>)
        tpu.yield
      }) : () -> ()
    }
    %scan3A_13 = arith.constant 391 : i32
    %barrier3A_14 = arith.constant 0 : index
    tpu.barrier barrier_id(%barrier3A_14)
    %scan3A_15 = arith.constant 0 : i32
    %scan3A_16 = arith.constant 0 : i32
    %scan3A_17 = arith.constant 14 : i32
    %scan3A_18 = arith.addi %scan3A_16, %scan3A_17 : i32
    %scan3A_19 = arith.constant 1 : i32
    scf.for %scan3A_21 = %scan3A_16 to %scan3A_18 step %scan3A_19  : i32 {
      %mul3A_22 = arith.constant 1568 : i32
      %mul3A_23 = arith.muli %arg1, %mul3A_22 : i32
      %mul3A_24 = arith.constant 112 : i32
      %mul3A_25 = arith.muli %scan3A_21, %mul3A_24 : i32
      %add3A = arith.addi %mul3A_23, %mul3A_25 : i32
      "tpu.region"() ({
        %run_scoped3A = tpu.sem_alloc : memref<!tpu.dma_semaphore, #tpu.memory_space<semaphore_mem>>
        %dma_start3A = arith.constant 0 : i32
        %dma_start3A_27 = tpu.memref_slice %arg7[%add3A, %dma_start3A] : memref<25104x64xf32, #tpu.memory_space<vmem_shared>> -> memref<112x64xf32, #tpu.memory_space<vmem_shared>>
        %dma_start3A_28 = arith.constant 0 : i32
        %dma_start3A_29 = tpu.memref_slice %arg7[%add3A, %dma_start3A_28] : memref<25104x64xf32, #tpu.memory_space<vmem_shared>> -> memref<112x64xf32, #tpu.memory_space<vmem_shared>>
        tpu.enqueue_dma source(%dma_start3A_29 : memref<112x64xf32, #tpu.memory_space<vmem_shared>>) target(%arg12 : memref<112x64xf32, #tpu.memory_space<vmem>>) target_semaphore(%run_scoped3A : memref<!tpu.dma_semaphore, #tpu.memory_space<semaphore_mem>>)
        %dma_wait3A = arith.constant 0 : i32
        %dma_wait3A_30 = tpu.memref_slice %arg7[%add3A, %dma_wait3A] : memref<25104x64xf32, #tpu.memory_space<vmem_shared>> -> memref<112x64xf32, #tpu.memory_space<vmem_shared>>
        %dma_wait3A_31 = arith.constant 0 : i32
        %dma_wait3A_32 = tpu.memref_slice %arg7[%add3A, %dma_wait3A_31] : memref<25104x64xf32, #tpu.memory_space<vmem_shared>> -> memref<112x64xf32, #tpu.memory_space<vmem_shared>>
        tpu.wait_dma2 semaphore(%run_scoped3A : memref<!tpu.dma_semaphore, #tpu.memory_space<semaphore_mem>>) src(%dma_wait3A_32 : memref<112x64xf32, #tpu.memory_space<vmem_shared>>) dst(%arg12 : memref<112x64xf32, #tpu.memory_space<vmem>>)
        tpu.yield
      }) : () -> ()
      %add3A_26 = arith.addi %mul3A_7, %add3A : i32
      "tpu.region"() ({
        %run_scoped3A = tpu.sem_alloc : memref<!tpu.dma_semaphore, #tpu.memory_space<semaphore_mem>>
        %dma_start3A = arith.constant 0 : i32
        %dma_start3A_27 = tpu.memref_slice %arg6[%add3A_26, %dma_start3A] : memref<53248x64xf32, #tpu.memory_space<hbm>> -> memref<112x64xf32, #tpu.memory_space<hbm>>
        %dma_start3A_28 = arith.constant 0 : i32
        %dma_start3A_29 = tpu.memref_slice %arg6[%add3A_26, %dma_start3A_28] : memref<53248x64xf32, #tpu.memory_space<hbm>> -> memref<112x64xf32, #tpu.memory_space<hbm>>
        tpu.enqueue_dma source(%arg12 : memref<112x64xf32, #tpu.memory_space<vmem>>) target(%dma_start3A_29 : memref<112x64xf32, #tpu.memory_space<hbm>>) target_semaphore(%run_scoped3A : memref<!tpu.dma_semaphore, #tpu.memory_space<semaphore_mem>>)
        %dma_wait3A = arith.constant 0 : i32
        %dma_wait3A_30 = tpu.memref_slice %arg6[%add3A_26, %dma_wait3A] : memref<53248x64xf32, #tpu.memory_space<hbm>> -> memref<112x64xf32, #tpu.memory_space<hbm>>
        %dma_wait3A_31 = arith.constant 0 : i32
        %dma_wait3A_32 = tpu.memref_slice %arg6[%add3A_26, %dma_wait3A_31] : memref<53248x64xf32, #tpu.memory_space<hbm>> -> memref<112x64xf32, #tpu.memory_space<hbm>>
        tpu.wait_dma2 semaphore(%run_scoped3A : memref<!tpu.dma_semaphore, #tpu.memory_space<semaphore_mem>>) src(%arg12 : memref<112x64xf32, #tpu.memory_space<vmem>>) dst(%dma_wait3A_32 : memref<112x64xf32, #tpu.memory_space<hbm>>)
        tpu.yield
      }) : () -> ()
    }
    %scan3A_20 = arith.constant 14 : i32
    return
  }
}

module attributes {stable_mosaic.version = 14 : i64} {
  func.func @body(%arg0: i32, %arg1: memref<512x16xf32, #tpu.memory_space<vmem>>, %arg2: memref<512x16xf32, #tpu.memory_space<vmem>>, %arg3: memref<16x64xf32, #tpu.memory_space<vmem>>, %arg4: memref<1x64xf32, #tpu.memory_space<vmem>>, %arg5: memref<64x64xf32, #tpu.memory_space<vmem>>, %arg6: memref<1x64xf32, #tpu.memory_space<vmem>>, %arg7: memref<512x64xf32, #tpu.memory_space<vmem>>, %arg8: memref<1x64xf32, #tpu.memory_space<vmem>>, %arg9: memref<1x64xf32, #tpu.memory_space<vmem>>) attributes {dimension_semantics = [#tpu.dimension_semantics<arbitrary>], iteration_bounds = array<i64: 104>, scalar_prefetch = 0 : i64, scratch_operands = 0 : i64, tpu.core_type = #tpu.core_type<tc>, window_params = [{transform_indices = @transform_0, window_bounds = array<i64: 512, 16>}, {transform_indices = @transform_1, window_bounds = array<i64: 512, 16>}, {pipeline_mode = #tpu.pipeline_mode<synchronous>, transform_indices = @transform_2, window_bounds = array<i64: 16, 64>}, {pipeline_mode = #tpu.pipeline_mode<synchronous>, transform_indices = @transform_3, window_bounds = array<i64: 1, 64>}, {pipeline_mode = #tpu.pipeline_mode<synchronous>, transform_indices = @transform_4, window_bounds = array<i64: 64, 64>}, {pipeline_mode = #tpu.pipeline_mode<synchronous>, transform_indices = @transform_5, window_bounds = array<i64: 1, 64>}, {transform_indices = @transform_6, window_bounds = array<i64: 512, 64>}, {pipeline_mode = #tpu.pipeline_mode<synchronous>, transform_indices = @transform_7, window_bounds = array<i64: 1, 64>}, {pipeline_mode = #tpu.pipeline_mode<synchronous>, transform_indices = @transform_8, window_bounds = array<i64: 1, 64>}]} {
    %get3A = arith.constant 0 : index
    %get3A_0 = arith.constant 0 : index
    %get3A_1 = vector.load %arg1[%get3A, %get3A_0] : memref<512x16xf32, #tpu.memory_space<vmem>>, vector<512x16xf32>
    %get3A_2 = arith.constant 0 : index
    %get3A_3 = arith.constant 0 : index
    %get3A_4 = vector.load %arg2[%get3A_2, %get3A_3] : memref<512x16xf32, #tpu.memory_space<vmem>>, vector<512x16xf32>
    %add3A = arith.addf %get3A_1, %get3A_4 : vector<512x16xf32>
    %get3A_5 = arith.constant 0 : index
    %get3A_6 = arith.constant 0 : index
    %get3A_7 = vector.load %arg3[%get3A_5, %get3A_6] : memref<16x64xf32, #tpu.memory_space<vmem>>, vector<16x64xf32>
    %dot_general3A = arith.constant dense<0.000000e+00> : vector<512x64xf32>
    %dot_general3A_8 = tpu.matmul %add3A, %get3A_7, %dot_general3A {dimension_numbers = #tpu.dot_dimension_numbers<[1], [0], [0], [1], [0, 0, 1, 1], [], []>, transpose_lhs_hint = false} : vector<512x16xf32>, vector<16x64xf32>, vector<512x64xf32> -> vector<512x64xf32>
    %get3A_9 = arith.constant 0 : index
    %get3A_10 = arith.constant 0 : index
    %get3A_11 = vector.load %arg4[%get3A_9, %get3A_10] : memref<1x64xf32, #tpu.memory_space<vmem>>, vector<1x64xf32>
    %add3A_12 = vector.broadcast %get3A_11 : vector<1x64xf32> to vector<512x64xf32>
    %add3A_13 = arith.addf %dot_general3A_8, %add3A_12 : vector<512x64xf32>
    %max3A = arith.constant 0.000000e+00 : f32
    %max3A_14 = vector.broadcast %max3A : f32 to vector<512x64xf32>
    %max3A_15 = arith.maximumf %add3A_13, %max3A_14 : vector<512x64xf32>
    %get3A_16 = arith.constant 0 : index
    %get3A_17 = arith.constant 0 : index
    %get3A_18 = vector.load %arg5[%get3A_16, %get3A_17] : memref<64x64xf32, #tpu.memory_space<vmem>>, vector<64x64xf32>
    %dot_general3A_19 = arith.constant dense<0.000000e+00> : vector<512x64xf32>
    %dot_general3A_20 = tpu.matmul %max3A_15, %get3A_18, %dot_general3A_19 {dimension_numbers = #tpu.dot_dimension_numbers<[1], [0], [0], [1], [0, 0, 1, 1], [], []>, transpose_lhs_hint = false} : vector<512x64xf32>, vector<64x64xf32>, vector<512x64xf32> -> vector<512x64xf32>
    %get3A_21 = arith.constant 0 : index
    %get3A_22 = arith.constant 0 : index
    %get3A_23 = vector.load %arg6[%get3A_21, %get3A_22] : memref<1x64xf32, #tpu.memory_space<vmem>>, vector<1x64xf32>
    %add3A_24 = vector.broadcast %get3A_23 : vector<1x64xf32> to vector<512x64xf32>
    %add3A_25 = arith.addf %dot_general3A_20, %add3A_24 : vector<512x64xf32>
    %max3A_26 = arith.constant 0.000000e+00 : f32
    %max3A_27 = vector.broadcast %max3A_26 : f32 to vector<512x64xf32>
    %max3A_28 = arith.maximumf %add3A_25, %max3A_27 : vector<512x64xf32>
    %swap3A = arith.constant 0 : index
    %swap3A_29 = arith.constant 0 : index
    %swap3A_30 = vector.load %arg7[%swap3A, %swap3A_29] : memref<512x64xf32, #tpu.memory_space<vmem>>, vector<512x64xf32>
    tpu.vector_store %arg7[%swap3A, %swap3A_29], %max3A_28 {strides = array<i32>} : memref<512x64xf32, #tpu.memory_space<vmem>>, vector<512x64xf32>,
    %mul3A = arith.constant 512 : i32
    %mul3A_31 = arith.muli %arg0, %mul3A : i32
    %iota3A = tpu.iota {dimensions = array<i32: 0>} : vector<512x1xi32>
    %add3A_32 = vector.broadcast %mul3A_31 : i32 to vector<512x1xi32>
    %add3A_33 = arith.addi %add3A_32, %iota3A : vector<512x1xi32>
    %lt3A = arith.constant 50000 : i32
    %lt3A_34 = vector.broadcast %lt3A : i32 to vector<512x1xi32>
    %lt3A_35 = arith.cmpi slt, %add3A_33, %lt3A_34 : vector<512x1xi32>
    %jit3A = arith.constant 0.000000e+00 : f32
    %broadcast_in_dim3A = vector.shape_cast %lt3A_35 : vector<512x1xi1> to vector<512x1xi1>
    %broadcast_in_dim3A_36 = vector.broadcast %broadcast_in_dim3A : vector<512x1xi1> to vector<512x64xi1>
    %broadcast_in_dim3A_37 = vector.broadcast %jit3A : f32 to vector<512x64xf32>
    %select_n3A = arith.select %broadcast_in_dim3A_36, %max3A_28, %broadcast_in_dim3A_37 : vector<512x64xi1>, vector<512x64xf32>
    %eq3A = arith.constant 0 : i32
    %eq3A_38 = arith.cmpi eq, %arg0, %eq3A : i32
    %convert_element_type3A = arith.extui %eq3A_38 : i1 to i32
    %cond3A = arith.constant 0 : i32
    %cond3A_39 = arith.cmpi ne, %convert_element_type3A, %cond3A : i32
    scf.if %cond3A_39 {
      %broadcast_in_dim3A_60 = arith.constant 0.000000e+00 : f32
      %broadcast_in_dim3A_61 = vector.broadcast %broadcast_in_dim3A_60 : f32 to vector<1x64xf32>
      %swap3A_62 = arith.constant 0 : index
      %swap3A_63 = arith.constant 0 : index
      %swap3A_64 = vector.load %arg8[%swap3A_62, %swap3A_63] : memref<1x64xf32, #tpu.memory_space<vmem>>, vector<1x64xf32>
      tpu.vector_store %arg8[%swap3A_62, %swap3A_63], %broadcast_in_dim3A_61 {strides = array<i32>} : memref<1x64xf32, #tpu.memory_space<vmem>>, vector<1x64xf32>,
      %broadcast_in_dim3A_65 = arith.constant 0.000000e+00 : f32
      %broadcast_in_dim3A_66 = vector.broadcast %broadcast_in_dim3A_65 : f32 to vector<1x64xf32>
      %swap3A_67 = arith.constant 0 : index
      %swap3A_68 = arith.constant 0 : index
      %swap3A_69 = vector.load %arg9[%swap3A_67, %swap3A_68] : memref<1x64xf32, #tpu.memory_space<vmem>>, vector<1x64xf32>
      tpu.vector_store %arg9[%swap3A_67, %swap3A_68], %broadcast_in_dim3A_66 {strides = array<i32>} : memref<1x64xf32, #tpu.memory_space<vmem>>, vector<1x64xf32>,
    } else {
    }
    %get3A_40 = arith.constant 0 : index
    %get3A_41 = arith.constant 0 : index
    %get3A_42 = vector.load %arg8[%get3A_40, %get3A_41] : memref<1x64xf32, #tpu.memory_space<vmem>>, vector<1x64xf32>
    %reduce_sum3A = arith.constant dense<0.000000e+00> : vector<64xf32>
    %reduce_sum3A_43 = vector.multi_reduction <add>, %select_n3A, %reduce_sum3A [0] : vector<512x64xf32> to vector<64xf32>
    %broadcast_in_dim3A_44 = vector.shape_cast %reduce_sum3A_43 : vector<64xf32> to vector<1x64xf32>
    %add3A_45 = arith.addf %get3A_42, %broadcast_in_dim3A_44 : vector<1x64xf32>
    %swap3A_46 = arith.constant 0 : index
    %swap3A_47 = arith.constant 0 : index
    %swap3A_48 = vector.load %arg8[%swap3A_46, %swap3A_47] : memref<1x64xf32, #tpu.memory_space<vmem>>, vector<1x64xf32>
    tpu.vector_store %arg8[%swap3A_46, %swap3A_47], %add3A_45 {strides = array<i32>} : memref<1x64xf32, #tpu.memory_space<vmem>>, vector<1x64xf32>,
    %get3A_49 = arith.constant 0 : index
    %get3A_50 = arith.constant 0 : index
    %get3A_51 = vector.load %arg9[%get3A_49, %get3A_50] : memref<1x64xf32, #tpu.memory_space<vmem>>, vector<1x64xf32>
    %mul3A_52 = arith.mulf %select_n3A, %select_n3A : vector<512x64xf32>
    %reduce_sum3A_53 = arith.constant dense<0.000000e+00> : vector<64xf32>
    %reduce_sum3A_54 = vector.multi_reduction <add>, %mul3A_52, %reduce_sum3A_53 [0] : vector<512x64xf32> to vector<64xf32>
    %broadcast_in_dim3A_55 = vector.shape_cast %reduce_sum3A_54 : vector<64xf32> to vector<1x64xf32>
    %add3A_56 = arith.addf %get3A_51, %broadcast_in_dim3A_55 : vector<1x64xf32>
    %swap3A_57 = arith.constant 0 : index
    %swap3A_58 = arith.constant 0 : index
    %swap3A_59 = vector.load %arg9[%swap3A_57, %swap3A_58] : memref<1x64xf32, #tpu.memory_space<vmem>>, vector<1x64xf32>
    tpu.vector_store %arg9[%swap3A_57, %swap3A_58], %add3A_56 {strides = array<i32>} : memref<1x64xf32, #tpu.memory_space<vmem>>, vector<1x64xf32>,
    return
  }
  func.func @transform_0(%arg0: i32) -> (i32, i32) {
    %c0_i32 = arith.constant 0 : i32
    %c0_i32_0 = arith.constant 0 : i32
    return %arg0, %c0_i32 : i32, i32
  }
  func.func @transform_1(%arg0: i32) -> (i32, i32) {
    %c0_i32 = arith.constant 0 : i32
    %c0_i32_0 = arith.constant 0 : i32
    return %arg0, %c0_i32 : i32, i32
  }
  func.func @transform_2(%arg0: i32) -> (i32, i32) {
    %c0_i32 = arith.constant 0 : i32
    %c0_i32_0 = arith.constant 0 : i32
    %c0_i32_1 = arith.constant 0 : i32
    return %c0_i32, %c0_i32_0 : i32, i32
  }
  func.func @transform_3(%arg0: i32) -> (i32, i32) {
    %c0_i32 = arith.constant 0 : i32
    %c0_i32_0 = arith.constant 0 : i32
    %c0_i32_1 = arith.constant 0 : i32
    return %c0_i32, %c0_i32_0 : i32, i32
  }
  func.func @transform_4(%arg0: i32) -> (i32, i32) {
    %c0_i32 = arith.constant 0 : i32
    %c0_i32_0 = arith.constant 0 : i32
    %c0_i32_1 = arith.constant 0 : i32
    return %c0_i32, %c0_i32_0 : i32, i32
  }
  func.func @transform_5(%arg0: i32) -> (i32, i32) {
    %c0_i32 = arith.constant 0 : i32
    %c0_i32_0 = arith.constant 0 : i32
    %c0_i32_1 = arith.constant 0 : i32
    return %c0_i32, %c0_i32_0 : i32, i32
  }
  func.func @transform_6(%arg0: i32) -> (i32, i32) {
    %c0_i32 = arith.constant 0 : i32
    %c0_i32_0 = arith.constant 0 : i32
    return %arg0, %c0_i32 : i32, i32
  }
  func.func @transform_7(%arg0: i32) -> (i32, i32) {
    %c0_i32 = arith.constant 0 : i32
    %c0_i32_0 = arith.constant 0 : i32
    %c0_i32_1 = arith.constant 0 : i32
    return %c0_i32, %c0_i32_0 : i32, i32
  }
  func.func @transform_8(%arg0: i32) -> (i32, i32) {
    %c0_i32 = arith.constant 0 : i32
    %c0_i32_0 = arith.constant 0 : i32
    %c0_i32_1 = arith.constant 0 : i32
    return %c0_i32, %c0_i32_0 : i32, i32
  }
}

module attributes {stable_mosaic.version = 14 : i64} {
  func.func @body(%arg0: i32, %arg1: memref<512x64xf32, #tpu.memory_space<vmem>>, %arg2: memref<512x64xf32, #tpu.memory_space<vmem>>, %arg3: memref<512x16xf32, #tpu.memory_space<vmem>>, %arg4: memref<1x64xf32, #tpu.memory_space<vmem>>, %arg5: memref<1x64xf32, #tpu.memory_space<vmem>>, %arg6: memref<1x64xf32, #tpu.memory_space<vmem>>, %arg7: memref<1x64xf32, #tpu.memory_space<vmem>>, %arg8: memref<64x64xf32, #tpu.memory_space<vmem>>, %arg9: memref<1x64xf32, #tpu.memory_space<vmem>>, %arg10: memref<64x64xf32, #tpu.memory_space<vmem>>, %arg11: memref<1x64xf32, #tpu.memory_space<vmem>>, %arg12: memref<512x64xf32, #tpu.memory_space<vmem>>, %arg13: memref<1x64xf32, #tpu.memory_space<vmem>>, %arg14: memref<1x64xf32, #tpu.memory_space<vmem>>) attributes {dimension_semantics = [#tpu.dimension_semantics<arbitrary>], iteration_bounds = array<i64: 104>, scalar_prefetch = 0 : i64, scratch_operands = 0 : i64, tpu.core_type = #tpu.core_type<tc>, window_params = [{transform_indices = @transform_0, window_bounds = array<i64: 512, 64>}, {transform_indices = @transform_1, window_bounds = array<i64: 512, 64>}, {transform_indices = @transform_2, window_bounds = array<i64: 512, 16>}, {pipeline_mode = #tpu.pipeline_mode<synchronous>, transform_indices = @transform_3, window_bounds = array<i64: 1, 64>}, {pipeline_mode = #tpu.pipeline_mode<synchronous>, transform_indices = @transform_4, window_bounds = array<i64: 1, 64>}, {pipeline_mode = #tpu.pipeline_mode<synchronous>, transform_indices = @transform_5, window_bounds = array<i64: 1, 64>}, {pipeline_mode = #tpu.pipeline_mode<synchronous>, transform_indices = @transform_6, window_bounds = array<i64: 1, 64>}, {pipeline_mode = #tpu.pipeline_mode<synchronous>, transform_indices = @transform_7, window_bounds = array<i64: 64, 64>}, {pipeline_mode = #tpu.pipeline_mode<synchronous>, transform_indices = @transform_8, window_bounds = array<i64: 1, 64>}, {pipeline_mode = #tpu.pipeline_mode<synchronous>, transform_indices = @transform_9, window_bounds = array<i64: 64, 64>}, {pipeline_mode = #tpu.pipeline_mode<synchronous>, transform_indices = @transform_10, window_bounds = array<i64: 1, 64>}, {transform_indices = @transform_11, window_bounds = array<i64: 512, 64>}, {pipeline_mode = #tpu.pipeline_mode<synchronous>, transform_indices = @transform_12, window_bounds = array<i64: 1, 64>}, {pipeline_mode = #tpu.pipeline_mode<synchronous>, transform_indices = @transform_13, window_bounds = array<i64: 1, 64>}]} {
    %get3A = arith.constant 0 : index
    %get3A_0 = arith.constant 0 : index
    %get3A_1 = vector.load %arg4[%get3A, %get3A_0] : memref<1x64xf32, #tpu.memory_space<vmem>>, vector<1x64xf32>
    %mul3A = arith.constant 2.000000e-05 : f32
    %mul3A_2 = vector.broadcast %mul3A : f32 to vector<1x64xf32>
    %mul3A_3 = arith.mulf %get3A_1, %mul3A_2 : vector<1x64xf32>
    %get3A_4 = arith.constant 0 : index
    %get3A_5 = arith.constant 0 : index
    %get3A_6 = vector.load %arg5[%get3A_4, %get3A_5] : memref<1x64xf32, #tpu.memory_space<vmem>>, vector<1x64xf32>
    %mul3A_7 = arith.constant 2.000000e-05 : f32
    %mul3A_8 = vector.broadcast %mul3A_7 : f32 to vector<1x64xf32>
    %mul3A_9 = arith.mulf %get3A_6, %mul3A_8 : vector<1x64xf32>
    %mul3A_10 = arith.mulf %mul3A_3, %mul3A_3 : vector<1x64xf32>
    %sub3A = arith.subf %mul3A_9, %mul3A_10 : vector<1x64xf32>
    %get3A_11 = arith.constant 0 : index
    %get3A_12 = arith.constant 0 : index
    %get3A_13 = vector.load %arg6[%get3A_11, %get3A_12] : memref<1x64xf32, #tpu.memory_space<vmem>>, vector<1x64xf32>
    %add3A = arith.constant 9.99999974E-6 : f32
    %add3A_14 = vector.broadcast %add3A : f32 to vector<1x64xf32>
    %add3A_15 = arith.addf %sub3A, %add3A_14 : vector<1x64xf32>
    %rsqrt3A = math.rsqrt %add3A_15 : vector<1x64xf32>
    %mul3A_16 = arith.mulf %get3A_13, %rsqrt3A : vector<1x64xf32>
    %get3A_17 = arith.constant 0 : index
    %get3A_18 = arith.constant 0 : index
    %get3A_19 = vector.load %arg7[%get3A_17, %get3A_18] : memref<1x64xf32, #tpu.memory_space<vmem>>, vector<1x64xf32>
    %mul3A_20 = arith.mulf %mul3A_3, %mul3A_16 : vector<1x64xf32>
    %sub3A_21 = arith.subf %get3A_19, %mul3A_20 : vector<1x64xf32>
    %get3A_22 = arith.constant 0 : index
    %get3A_23 = arith.constant 0 : index
    %get3A_24 = vector.load %arg3[%get3A_22, %get3A_23] : memref<512x16xf32, #tpu.memory_space<vmem>>, vector<512x16xf32>
    %slice3A = vector.extract_strided_slice %get3A_24 {offsets = [0, 2], sizes = [512, 1], strides = [1, 1]} : vector<512x16xf32> to vector<512x1xf32>
    %get3A_25 = arith.constant 0 : index
    %get3A_26 = arith.constant 0 : index
    %get3A_27 = vector.load %arg1[%get3A_25, %get3A_26] : memref<512x64xf32, #tpu.memory_space<vmem>>, vector<512x64xf32>
    %get3A_28 = arith.constant 0 : index
    %get3A_29 = arith.constant 0 : index
    %get3A_30 = vector.load %arg2[%get3A_28, %get3A_29] : memref<512x64xf32, #tpu.memory_space<vmem>>, vector<512x64xf32>
    %add3A_31 = arith.addf %get3A_27, %get3A_30 : vector<512x64xf32>
    %mul3A_32 = vector.broadcast %mul3A_16 : vector<1x64xf32> to vector<512x64xf32>
    %mul3A_33 = arith.mulf %add3A_31, %mul3A_32 : vector<512x64xf32>
    %add3A_34 = arith.constant 1.000000e+00 : f32
    %add3A_35 = vector.broadcast %add3A_34 : f32 to vector<512x1xf32>
    %add3A_36 = arith.addf %add3A_35, %slice3A : vector<512x1xf32>
    %mul3A_37 = vector.broadcast %add3A_36 : vector<512x1xf32> to vector<512x64xf32>
    %mul3A_38 = vector.broadcast %sub3A_21 : vector<1x64xf32> to vector<512x64xf32>
    %mul3A_39 = arith.mulf %mul3A_37, %mul3A_38 : vector<512x64xf32>
    %add3A_40 = arith.addf %mul3A_33, %mul3A_39 : vector<512x64xf32>
    %get3A_41 = arith.constant 0 : index
    %get3A_42 = arith.constant 0 : index
    %get3A_43 = vector.load %arg8[%get3A_41, %get3A_42] : memref<64x64xf32, #tpu.memory_space<vmem>>, vector<64x64xf32>
    %dot_general3A = arith.constant dense<0.000000e+00> : vector<512x64xf32>
    %dot_general3A_44 = tpu.matmul %add3A_40, %get3A_43, %dot_general3A {dimension_numbers = #tpu.dot_dimension_numbers<[1], [0], [0], [1], [0, 0, 1, 1], [], []>, transpose_lhs_hint = false} : vector<512x64xf32>, vector<64x64xf32>, vector<512x64xf32> -> vector<512x64xf32>
    %get3A_45 = arith.constant 0 : index
    %get3A_46 = arith.constant 0 : index
    %get3A_47 = vector.load %arg9[%get3A_45, %get3A_46] : memref<1x64xf32, #tpu.memory_space<vmem>>, vector<1x64xf32>
    %add3A_48 = vector.broadcast %get3A_47 : vector<1x64xf32> to vector<512x64xf32>
    %add3A_49 = arith.addf %dot_general3A_44, %add3A_48 : vector<512x64xf32>
    %max3A = arith.constant 0.000000e+00 : f32
    %max3A_50 = vector.broadcast %max3A : f32 to vector<512x64xf32>
    %max3A_51 = arith.maximumf %add3A_49, %max3A_50 : vector<512x64xf32>
    %get3A_52 = arith.constant 0 : index
    %get3A_53 = arith.constant 0 : index
    %get3A_54 = vector.load %arg10[%get3A_52, %get3A_53] : memref<64x64xf32, #tpu.memory_space<vmem>>, vector<64x64xf32>
    %dot_general3A_55 = arith.constant dense<0.000000e+00> : vector<512x64xf32>
    %dot_general3A_56 = tpu.matmul %max3A_51, %get3A_54, %dot_general3A_55 {dimension_numbers = #tpu.dot_dimension_numbers<[1], [0], [0], [1], [0, 0, 1, 1], [], []>, transpose_lhs_hint = false} : vector<512x64xf32>, vector<64x64xf32>, vector<512x64xf32> -> vector<512x64xf32>
    %get3A_57 = arith.constant 0 : index
    %get3A_58 = arith.constant 0 : index
    %get3A_59 = vector.load %arg11[%get3A_57, %get3A_58] : memref<1x64xf32, #tpu.memory_space<vmem>>, vector<1x64xf32>
    %add3A_60 = vector.broadcast %get3A_59 : vector<1x64xf32> to vector<512x64xf32>
    %add3A_61 = arith.addf %dot_general3A_56, %add3A_60 : vector<512x64xf32>
    %max3A_62 = arith.constant 0.000000e+00 : f32
    %max3A_63 = vector.broadcast %max3A_62 : f32 to vector<512x64xf32>
    %max3A_64 = arith.maximumf %add3A_61, %max3A_63 : vector<512x64xf32>
    %swap3A = arith.constant 0 : index
    %swap3A_65 = arith.constant 0 : index
    %swap3A_66 = vector.load %arg12[%swap3A, %swap3A_65] : memref<512x64xf32, #tpu.memory_space<vmem>>, vector<512x64xf32>
    tpu.vector_store %arg12[%swap3A, %swap3A_65], %max3A_64 {strides = array<i32>} : memref<512x64xf32, #tpu.memory_space<vmem>>, vector<512x64xf32>,
    %mul3A_67 = arith.constant 512 : i32
    %mul3A_68 = arith.muli %arg0, %mul3A_67 : i32
    %iota3A = tpu.iota {dimensions = array<i32: 0>} : vector<512x1xi32>
    %add3A_69 = vector.broadcast %mul3A_68 : i32 to vector<512x1xi32>
    %add3A_70 = arith.addi %add3A_69, %iota3A : vector<512x1xi32>
    %lt3A = arith.constant 50000 : i32
    %lt3A_71 = vector.broadcast %lt3A : i32 to vector<512x1xi32>
    %lt3A_72 = arith.cmpi slt, %add3A_70, %lt3A_71 : vector<512x1xi32>
    %jit3A = arith.constant 0.000000e+00 : f32
    %broadcast_in_dim3A = vector.shape_cast %lt3A_72 : vector<512x1xi1> to vector<512x1xi1>
    %broadcast_in_dim3A_73 = vector.broadcast %broadcast_in_dim3A : vector<512x1xi1> to vector<512x64xi1>
    %broadcast_in_dim3A_74 = vector.broadcast %jit3A : f32 to vector<512x64xf32>
    %select_n3A = arith.select %broadcast_in_dim3A_73, %max3A_64, %broadcast_in_dim3A_74 : vector<512x64xi1>, vector<512x64xf32>
    %eq3A = arith.constant 0 : i32
    %eq3A_75 = arith.cmpi eq, %arg0, %eq3A : i32
    %convert_element_type3A = arith.extui %eq3A_75 : i1 to i32
    %cond3A = arith.constant 0 : i32
    %cond3A_76 = arith.cmpi ne, %convert_element_type3A, %cond3A : i32
    scf.if %cond3A_76 {
      %broadcast_in_dim3A_97 = arith.constant 0.000000e+00 : f32
      %broadcast_in_dim3A_98 = vector.broadcast %broadcast_in_dim3A_97 : f32 to vector<1x64xf32>
      %swap3A_99 = arith.constant 0 : index
      %swap3A_100 = arith.constant 0 : index
      %swap3A_101 = vector.load %arg13[%swap3A_99, %swap3A_100] : memref<1x64xf32, #tpu.memory_space<vmem>>, vector<1x64xf32>
      tpu.vector_store %arg13[%swap3A_99, %swap3A_100], %broadcast_in_dim3A_98 {strides = array<i32>} : memref<1x64xf32, #tpu.memory_space<vmem>>, vector<1x64xf32>,
      %broadcast_in_dim3A_102 = arith.constant 0.000000e+00 : f32
      %broadcast_in_dim3A_103 = vector.broadcast %broadcast_in_dim3A_102 : f32 to vector<1x64xf32>
      %swap3A_104 = arith.constant 0 : index
      %swap3A_105 = arith.constant 0 : index
      %swap3A_106 = vector.load %arg14[%swap3A_104, %swap3A_105] : memref<1x64xf32, #tpu.memory_space<vmem>>, vector<1x64xf32>
      tpu.vector_store %arg14[%swap3A_104, %swap3A_105], %broadcast_in_dim3A_103 {strides = array<i32>} : memref<1x64xf32, #tpu.memory_space<vmem>>, vector<1x64xf32>,
    } else {
    }
    %get3A_77 = arith.constant 0 : index
    %get3A_78 = arith.constant 0 : index
    %get3A_79 = vector.load %arg13[%get3A_77, %get3A_78] : memref<1x64xf32, #tpu.memory_space<vmem>>, vector<1x64xf32>
    %reduce_sum3A = arith.constant dense<0.000000e+00> : vector<64xf32>
    %reduce_sum3A_80 = vector.multi_reduction <add>, %select_n3A, %reduce_sum3A [0] : vector<512x64xf32> to vector<64xf32>
    %broadcast_in_dim3A_81 = vector.shape_cast %reduce_sum3A_80 : vector<64xf32> to vector<1x64xf32>
    %add3A_82 = arith.addf %get3A_79, %broadcast_in_dim3A_81 : vector<1x64xf32>
    %swap3A_83 = arith.constant 0 : index
    %swap3A_84 = arith.constant 0 : index
    %swap3A_85 = vector.load %arg13[%swap3A_83, %swap3A_84] : memref<1x64xf32, #tpu.memory_space<vmem>>, vector<1x64xf32>
    tpu.vector_store %arg13[%swap3A_83, %swap3A_84], %add3A_82 {strides = array<i32>} : memref<1x64xf32, #tpu.memory_space<vmem>>, vector<1x64xf32>,
    %get3A_86 = arith.constant 0 : index
    %get3A_87 = arith.constant 0 : index
    %get3A_88 = vector.load %arg14[%get3A_86, %get3A_87] : memref<1x64xf32, #tpu.memory_space<vmem>>, vector<1x64xf32>
    %mul3A_89 = arith.mulf %select_n3A, %select_n3A : vector<512x64xf32>
    %reduce_sum3A_90 = arith.constant dense<0.000000e+00> : vector<64xf32>
    %reduce_sum3A_91 = vector.multi_reduction <add>, %mul3A_89, %reduce_sum3A_90 [0] : vector<512x64xf32> to vector<64xf32>
    %broadcast_in_dim3A_92 = vector.shape_cast %reduce_sum3A_91 : vector<64xf32> to vector<1x64xf32>
    %add3A_93 = arith.addf %get3A_88, %broadcast_in_dim3A_92 : vector<1x64xf32>
    %swap3A_94 = arith.constant 0 : index
    %swap3A_95 = arith.constant 0 : index
    %swap3A_96 = vector.load %arg14[%swap3A_94, %swap3A_95] : memref<1x64xf32, #tpu.memory_space<vmem>>, vector<1x64xf32>
    tpu.vector_store %arg14[%swap3A_94, %swap3A_95], %add3A_93 {strides = array<i32>} : memref<1x64xf32, #tpu.memory_space<vmem>>, vector<1x64xf32>,
    return
  }
  func.func @transform_0(%arg0: i32) -> (i32, i32) {
    %c0_i32 = arith.constant 0 : i32
    %c0_i32_0 = arith.constant 0 : i32
    return %arg0, %c0_i32 : i32, i32
  }
  func.func @transform_1(%arg0: i32) -> (i32, i32) {
    %c0_i32 = arith.constant 0 : i32
    %c0_i32_0 = arith.constant 0 : i32
    return %arg0, %c0_i32 : i32, i32
  }
  func.func @transform_2(%arg0: i32) -> (i32, i32) {
    %c0_i32 = arith.constant 0 : i32
    %c0_i32_0 = arith.constant 0 : i32
    return %arg0, %c0_i32 : i32, i32
  }
  func.func @transform_3(%arg0: i32) -> (i32, i32) {
    %c0_i32 = arith.constant 0 : i32
    %c0_i32_0 = arith.constant 0 : i32
    %c0_i32_1 = arith.constant 0 : i32
    return %c0_i32, %c0_i32_0 : i32, i32
  }
  func.func @transform_4(%arg0: i32) -> (i32, i32) {
    %c0_i32 = arith.constant 0 : i32
    %c0_i32_0 = arith.constant 0 : i32
    %c0_i32_1 = arith.constant 0 : i32
    return %c0_i32, %c0_i32_0 : i32, i32
  }
  func.func @transform_5(%arg0: i32) -> (i32, i32) {
    %c0_i32 = arith.constant 0 : i32
    %c0_i32_0 = arith.constant 0 : i32
    %c0_i32_1 = arith.constant 0 : i32
    return %c0_i32, %c0_i32_0 : i32, i32
  }
  func.func @transform_6(%arg0: i32) -> (i32, i32) {
    %c0_i32 = arith.constant 0 : i32
    %c0_i32_0 = arith.constant 0 : i32
    %c0_i32_1 = arith.constant 0 : i32
    return %c0_i32, %c0_i32_0 : i32, i32
  }
  func.func @transform_7(%arg0: i32) -> (i32, i32) {
    %c0_i32 = arith.constant 0 : i32
    %c0_i32_0 = arith.constant 0 : i32
    %c0_i32_1 = arith.constant 0 : i32
    return %c0_i32, %c0_i32_0 : i32, i32
  }
  func.func @transform_8(%arg0: i32) -> (i32, i32) {
    %c0_i32 = arith.constant 0 : i32
    %c0_i32_0 = arith.constant 0 : i32
    %c0_i32_1 = arith.constant 0 : i32
    return %c0_i32, %c0_i32_0 : i32, i32
  }
  func.func @transform_9(%arg0: i32) -> (i32, i32) {
    %c0_i32 = arith.constant 0 : i32
    %c0_i32_0 = arith.constant 0 : i32
    %c0_i32_1 = arith.constant 0 : i32
    return %c0_i32, %c0_i32_0 : i32, i32
  }
  func.func @transform_10(%arg0: i32) -> (i32, i32) {
    %c0_i32 = arith.constant 0 : i32
    %c0_i32_0 = arith.constant 0 : i32
    %c0_i32_1 = arith.constant 0 : i32
    return %c0_i32, %c0_i32_0 : i32, i32
  }
  func.func @transform_11(%arg0: i32) -> (i32, i32) {
    %c0_i32 = arith.constant 0 : i32
    %c0_i32_0 = arith.constant 0 : i32
    return %arg0, %c0_i32 : i32, i32
  }
  func.func @transform_12(%arg0: i32) -> (i32, i32) {
    %c0_i32 = arith.constant 0 : i32
    %c0_i32_0 = arith.constant 0 : i32
    %c0_i32_1 = arith.constant 0 : i32
    return %c0_i32, %c0_i32_0 : i32, i32
  }
  func.func @transform_13(%arg0: i32) -> (i32, i32) {
    %c0_i32 = arith.constant 0 : i32
    %c0_i32_0 = arith.constant 0 : i32
    %c0_i32_1 = arith.constant 0 : i32
    return %c0_i32, %c0_i32_0 : i32, i32
  }
}

module attributes {stable_mosaic.version = 14 : i64} {
  func.func @body(%arg0: memref<1024x64xf32, #tpu.memory_space<vmem>>, %arg1: memref<1024x16xf32, #tpu.memory_space<vmem>>, %arg2: memref<1x64xf32, #tpu.memory_space<vmem>>, %arg3: memref<1x64xf32, #tpu.memory_space<vmem>>, %arg4: memref<1x64xf32, #tpu.memory_space<vmem>>, %arg5: memref<1x64xf32, #tpu.memory_space<vmem>>, %arg6: memref<64x64xf32, #tpu.memory_space<vmem>>, %arg7: memref<1x64xf32, #tpu.memory_space<vmem>>, %arg8: memref<64x128xf32, #tpu.memory_space<vmem>>, %arg9: memref<1x128xf32, #tpu.memory_space<vmem>>, %arg10: memref<512x128xf32, #tpu.memory_space<vmem>>) attributes {dimension_semantics = [], scalar_prefetch = 0 : i64, scratch_operands = 0 : i64, tpu.core_type = #tpu.core_type<tc>} {
    %get3A = arith.constant 0 : index
    %get3A_0 = arith.constant 0 : index
    %get3A_1 = vector.load %arg2[%get3A, %get3A_0] : memref<1x64xf32, #tpu.memory_space<vmem>>, vector<1x64xf32>
    %mul3A = arith.constant 2.000000e-05 : f32
    %mul3A_2 = vector.broadcast %mul3A : f32 to vector<1x64xf32>
    %mul3A_3 = arith.mulf %get3A_1, %mul3A_2 : vector<1x64xf32>
    %get3A_4 = arith.constant 0 : index
    %get3A_5 = arith.constant 0 : index
    %get3A_6 = vector.load %arg3[%get3A_4, %get3A_5] : memref<1x64xf32, #tpu.memory_space<vmem>>, vector<1x64xf32>
    %mul3A_7 = arith.constant 2.000000e-05 : f32
    %mul3A_8 = vector.broadcast %mul3A_7 : f32 to vector<1x64xf32>
    %mul3A_9 = arith.mulf %get3A_6, %mul3A_8 : vector<1x64xf32>
    %mul3A_10 = arith.mulf %mul3A_3, %mul3A_3 : vector<1x64xf32>
    %sub3A = arith.subf %mul3A_9, %mul3A_10 : vector<1x64xf32>
    %get3A_11 = arith.constant 0 : index
    %get3A_12 = arith.constant 0 : index
    %get3A_13 = vector.load %arg4[%get3A_11, %get3A_12] : memref<1x64xf32, #tpu.memory_space<vmem>>, vector<1x64xf32>
    %add3A = arith.constant 9.99999974E-6 : f32
    %add3A_14 = vector.broadcast %add3A : f32 to vector<1x64xf32>
    %add3A_15 = arith.addf %sub3A, %add3A_14 : vector<1x64xf32>
    %rsqrt3A = math.rsqrt %add3A_15 : vector<1x64xf32>
    %mul3A_16 = arith.mulf %get3A_13, %rsqrt3A : vector<1x64xf32>
    %get3A_17 = arith.constant 0 : index
    %get3A_18 = arith.constant 0 : index
    %get3A_19 = vector.load %arg5[%get3A_17, %get3A_18] : memref<1x64xf32, #tpu.memory_space<vmem>>, vector<1x64xf32>
    %mul3A_20 = arith.mulf %mul3A_3, %mul3A_16 : vector<1x64xf32>
    %sub3A_21 = arith.subf %get3A_19, %mul3A_20 : vector<1x64xf32>
    %get3A_22 = arith.constant 0 : index
    %get3A_23 = arith.constant 0 : index
    %get3A_24 = vector.load %arg0[%get3A_22, %get3A_23] : memref<1024x64xf32, #tpu.memory_space<vmem>>, vector<1024x64xf32>
    %slice3A = vector.extract_strided_slice %get3A_24 {offsets = [0, 0], sizes = [512, 64], strides = [1, 1]} : vector<1024x64xf32> to vector<512x64xf32>
    %slice3A_25 = vector.extract_strided_slice %get3A_24 {offsets = [512, 0], sizes = [512, 64], strides = [1, 1]} : vector<1024x64xf32> to vector<512x64xf32>
    %add3A_26 = arith.addf %slice3A, %slice3A_25 : vector<512x64xf32>
    %get3A_27 = arith.constant 0 : index
    %get3A_28 = arith.constant 0 : index
    %get3A_29 = vector.load %arg1[%get3A_27, %get3A_28] : memref<1024x16xf32, #tpu.memory_space<vmem>>, vector<1024x16xf32>
    %slice3A_30 = vector.extract_strided_slice %get3A_29 {offsets = [0, 0], sizes = [512, 1], strides = [1, 1]} : vector<1024x16xf32> to vector<512x1xf32>
    %slice3A_31 = vector.extract_strided_slice %get3A_29 {offsets = [512, 0], sizes = [512, 1], strides = [1, 1]} : vector<1024x16xf32> to vector<512x1xf32>
    %add3A_32 = arith.addf %slice3A_30, %slice3A_31 : vector<512x1xf32>
    %mul3A_33 = vector.broadcast %mul3A_16 : vector<1x64xf32> to vector<512x64xf32>
    %mul3A_34 = arith.mulf %add3A_26, %mul3A_33 : vector<512x64xf32>
    %mul3A_35 = vector.broadcast %add3A_32 : vector<512x1xf32> to vector<512x64xf32>
    %mul3A_36 = vector.broadcast %sub3A_21 : vector<1x64xf32> to vector<512x64xf32>
    %mul3A_37 = arith.mulf %mul3A_35, %mul3A_36 : vector<512x64xf32>
    %add3A_38 = arith.addf %mul3A_34, %mul3A_37 : vector<512x64xf32>
    %get3A_39 = arith.constant 0 : index
    %get3A_40 = arith.constant 0 : index
    %get3A_41 = vector.load %arg6[%get3A_39, %get3A_40] : memref<64x64xf32, #tpu.memory_space<vmem>>, vector<64x64xf32>
    %dot_general3A = arith.constant dense<0.000000e+00> : vector<512x64xf32>
    %dot_general3A_42 = tpu.matmul %add3A_38, %get3A_41, %dot_general3A {dimension_numbers = #tpu.dot_dimension_numbers<[1], [0], [0], [1], [0, 0, 1, 1], [], []>, transpose_lhs_hint = false} : vector<512x64xf32>, vector<64x64xf32>, vector<512x64xf32> -> vector<512x64xf32>
    %get3A_43 = arith.constant 0 : index
    %get3A_44 = arith.constant 0 : index
    %get3A_45 = vector.load %arg7[%get3A_43, %get3A_44] : memref<1x64xf32, #tpu.memory_space<vmem>>, vector<1x64xf32>
    %add3A_46 = vector.broadcast %get3A_45 : vector<1x64xf32> to vector<512x64xf32>
    %add3A_47 = arith.addf %dot_general3A_42, %add3A_46 : vector<512x64xf32>
    %max3A = arith.constant 0.000000e+00 : f32
    %max3A_48 = vector.broadcast %max3A : f32 to vector<512x64xf32>
    %max3A_49 = arith.maximumf %add3A_47, %max3A_48 : vector<512x64xf32>
    %get3A_50 = arith.constant 0 : index
    %get3A_51 = arith.constant 0 : index
    %get3A_52 = vector.load %arg8[%get3A_50, %get3A_51] : memref<64x128xf32, #tpu.memory_space<vmem>>, vector<64x128xf32>
    %dot_general3A_53 = arith.constant dense<0.000000e+00> : vector<512x128xf32>
    %dot_general3A_54 = tpu.matmul %max3A_49, %get3A_52, %dot_general3A_53 {dimension_numbers = #tpu.dot_dimension_numbers<[1], [0], [0], [1], [0, 0, 1, 1], [], []>, transpose_lhs_hint = false} : vector<512x64xf32>, vector<64x128xf32>, vector<512x128xf32> -> vector<512x128xf32>
    %get3A_55 = arith.constant 0 : index
    %get3A_56 = arith.constant 0 : index
    %get3A_57 = vector.load %arg9[%get3A_55, %get3A_56] : memref<1x128xf32, #tpu.memory_space<vmem>>, vector<1x128xf32>
    %add3A_58 = vector.broadcast %get3A_57 : vector<1x128xf32> to vector<512x128xf32>
    %add3A_59 = arith.addf %dot_general3A_54, %add3A_58 : vector<512x128xf32>
    %swap3A = arith.constant 0 : index
    %swap3A_60 = arith.constant 0 : index
    %swap3A_61 = vector.load %arg10[%swap3A, %swap3A_60] : memref<512x128xf32, #tpu.memory_space<vmem>>, vector<512x128xf32>
    tpu.vector_store %arg10[%swap3A, %swap3A_60], %add3A_59 {strides = array<i32>} : memref<512x128xf32, #tpu.memory_space<vmem>>, vector<512x128xf32>,
    return
  }
}

</mosaic_0001>

<sc_bundles>
// kernel: kernel.10.cloned.1.call-start
scs
__scs_entry_jumppad:
0x0: {  	(pc) =	sbr.rel $0x88, $3  }
0x1: {  	(tag) =	ssettag $0x0;
	lr =	simm.s32 $0x1  }
0x2: {  	[smem:$0x3F88] =	sst lr;
	_ =	strace $0xD0000000  }
0x3: {  	_ = 	snop  }
0x4: {  	_ = 	snop  }
0x5: {  	_ = 	snop  }
0x6: {  	_ = 	snop  }
0x7: {  	_ = 	snop  }
__scs_overlays_trampoline_lowered:
0x8: {  	[smem:$0x3F97] =	sst s0  }
0x9: {  	[smem:$0x3F98] =	sst s1  }
0xa: {  	[smem:$0x3F99] =	sst s2  }
0xb: {  	[smem:$0x3F9A] =	sst s3  }
0xc: {  	[smem:$0x3F9B] =	sst s4  }
0xd: {  	[smem:$0x3F9C] =	sst s5  }
0xe: {  	[smem:$0x3F9D] =	sst s6  }
0xf: {  	[smem:$0x3F9E] =	sst s7  }
0x10: {  	[smem:$0x3F9F] =	sst s8  }
0x11: {  	[smem:$0x3FA0] =	sst s9;
	s0 =	simm.s32 @!p0 $0x0  }
0x12: {  	s1 =	sld [smem:$0x3F86];
	s0 =	simm.s32 @p0 $0x1  }
0x13: {  	[smem:$0x3FA1] =	sst s0;
	s0 =	simm.s32 @!p1 $0x0  }
0x14: {  	s2 =	sld [smem:$0x3F85];
	s0 =	simm.s32 @p1 $0x1  }
0x15: {  	[smem:$0x3FA2] =	sst s0;
	s0 =	simm.s32 @!p2 $0x0  }
0x16: {  	s3 =	sld [smem:$0x3FDB];
	s0 =	simm.s32 @p2 $0x1  }
0x17: {  	s4 =	simm.s32 $0x1BF5;
	[smem:$0x3FA4] =	sst s0  }
0x18: {  	s0 =	sld [smem:$0x3F87];
	_ =	swait.ge [sflag:s4], $0x0  }
0x19: {  	s7 =	sld [smem:$0x3F88]  }
0x1a: {  	s8 =	sadd.s32 $0xFFFFE003, lr  }
0x1b: {  	s9 =	sadd.s32 $0xFFFFFEF7, lr;
	s5 =	simm.s32 $0xFFFFFFFF;
	p2 =	slt.u32 s8, $0xFFFFF086  }
0x1c: {  	p1 =	slt.u32 s9, $0xF7A;
	s5 =	simm.s32 @!p2 $0x0  }
0x1d: {  	s5 =	simm.s32 @p1 $0x1;
	p0 =	seq.s32 s7, s2  }
0x1e: {  	s7 =	smul.u32 @!p0 $0xF7A, s2;
	p2 =	seq.s32 @!p0 s5, $0x0  }
0x1f: {  	s9 =	smul.u32 $0xF7A, s1;
	s8 =	simm.s32 @!p0 $0x1BF5;
	p2 =	por !p2, p0  }
0x20: {  	[sflag:s8] =	ssyncset.s32 @!p0 $0xFFFFF086;
	s6 =	sadd.s32 @!p0 s3, s7;
	s7 =	simm.s32 @!p0 $0x108  }
0x21: {  	s3 =	sadd.s32 s3, s9;
	s6 =	sadd.s32 @!p0 $0x88, s6;
	s7 =	simm.s32 @p2 $0x1082  }
0x22: {  	[simem:s7], [sflag:s8] =	dma.local @!p0 [hbm:s6], $0xF7A  }
0x23: {  	s9 =	sor.u32 $0xD0000000, s2;
	s6 =	simm.s32 $0x108;
	_ =	swait.ge @!p0 [sflag:s8], $0x0  }
0x24: {  	s3 =	sadd.s32 $0x88, s3;
	s6 =	simm.s32 @!p1 $0x1082;
	[sflag:s4] =	ssyncset.s32 $0xFFFFF086  }
0x25: {  	[simem:s6], [sflag:s4] =	dma.local [hbm:s3], $0xF7A  }
0x26: {  	[smem:$0x3F88] =	sst s1;
	(tag) =	ssettag s2;
	_ =	strace s9  }
0x27: {  	s1 =	sld [smem:$0x3F98]  }
0x28: {  	s2 =	sld [smem:$0x3F99]  }
0x29: {  	s4 =	sld [smem:$0x3F9B]  }
0x2a: {  	p0 =	seq.s32 s5, $0x0;
	s5 =	sld [smem:$0x3F9C]  }
0x2b: {  	s6 =	sld [smem:$0x3F9D]  }
0x2c: {  	s7 =	sld [smem:$0x3F9E]  }
0x2d: {  	s3 =	simm.s32 $0x108;
	s8 =	sld [smem:$0x3F9F]  }
0x2e: {  	s3 =	simm.s32 @!p0 $0x1082;
	s9 =	sld [smem:$0x3FA0]  }
0x2f: {  	lr =	sadd.s32 s0, s3;
	s0 =	sld [smem:$0x3F97]  }
0x30: {  	s3 =	sld [smem:$0x3F9A]  }
0x31: {  	[smem:$0x3FA3] =	sst s10  }
0x32: {  	s10 =	sld [smem:$0x3FA1];
	_ =	sdelay $0x3  }
0x33: {  	p0 =	seq.s32 s10, $0x1;
	s10 =	sld [smem:$0x3FA3];
	_ =	sdelay $0x3  }
0x34: {  	[smem:$0x3FA3] =	sst s10  }
0x35: {  	s10 =	sld [smem:$0x3FA2];
	_ =	sdelay $0x3  }
0x36: {  	p1 =	seq.s32 s10, $0x1;
	s10 =	sld [smem:$0x3FA3];
	_ =	sdelay $0x3  }
0x37: {  	[smem:$0x3FA3] =	sst s10  }
0x38: {  	s10 =	sld [smem:$0x3FA4]  }
0x39: {  	_ = 	snop;
	(pc) =	sbr.ind lr, $3  }
0x3a: {  	_ = 	snop  }
0x3b: {  	_ = 	snop  }
0x3c: {  	p2 =	seq.s32 s10, $0x1;
	s10 =	sld [smem:$0x3FA3]  }
0x3d: {  	_ =	shalt  }
0x3e: {  	_ =	shalt  }
0x3f: {  	_ =	shalt  }
0x40: {  	_ =	shalt  }
0x41: {  	_ =	shalt  }
0x42: {  	_ =	shalt  }
0x43: {  	_ =	shalt  }
0x44: {  	_ =	shalt  }
0x45: {  	_ =	shalt  }
0x46: {  	_ =	shalt  }
0x47: {  	_ =	shalt  }
0x48: {  	_ =	shalt  }
0x49: {  	_ =	shalt  }
0x4a: {  	_ =	shalt  }
0x4b: {  	_ =	shalt  }
0x4c: {  	_ =	shalt  }
0x4d: {  	_ =	shalt  }
0x4e: {  	_ =	shalt  }
0x4f: {  	_ =	shalt  }
0x50: {  	_ =	shalt  }
0x51: {  	_ =	shalt  }
0x52: {  	_ =	shalt  }
0x53: {  	_ =	shalt  }
0x54: {  	_ =	shalt  }
0x55: {  	_ =	shalt  }
0x56: {  	_ =	shalt  }
0x57: {  	_ =	shalt  }
0x58: {  	_ =	shalt  }
0x59: {  	_ =	shalt  }
0x5a: {  	_ =	shalt  }
0x5b: {  	_ =	shalt  }
0x5c: {  	_ =	shalt  }
0x5d: {  	_ =	shalt  }
0x5e: {  	_ =	shalt  }
0x5f: {  	_ =	shalt  }
0x60: {  	_ =	shalt  }
0x61: {  	_ =	shalt  }
0x62: {  	_ =	shalt  }
0x63: {  	_ =	shalt  }
0x64: {  	_ =	shalt  }
0x65: {  	_ =	shalt  }
0x66: {  	_ =	shalt  }
0x67: {  	_ =	shalt  }
0x68: {  	_ =	shalt  }
0x69: {  	_ =	shalt  }
0x6a: {  	_ =	shalt  }
0x6b: {  	_ =	shalt  }
0x6c: {  	_ =	shalt  }
0x6d: {  	_ =	shalt  }
0x6e: {  	_ =	shalt  }
0x6f: {  	_ =	shalt  }
0x70: {  	_ =	shalt  }
0x71: {  	_ =	shalt  }
0x72: {  	_ =	shalt  }
0x73: {  	_ =	shalt  }
0x74: {  	_ =	shalt  }
0x75: {  	_ =	shalt  }
0x76: {  	_ =	shalt  }
0x77: {  	_ =	shalt  }
0x78: {  	_ =	shalt  }
0x79: {  	_ =	shalt  }
0x7a: {  	_ =	shalt  }
0x7b: {  	_ =	shalt  }
0x7c: {  	_ =	shalt  }
0x7d: {  	_ =	shalt  }
0x7e: {  	_ =	shalt  }
0x7f: {  	_ =	shalt  }
0x80: {  	_ =	shalt  }
0x81: {  	_ =	shalt  }
0x82: {  	_ =	shalt  }
0x83: {  	_ =	shalt  }
0x84: {  	_ =	shalt  }
0x85: {  	_ =	shalt  }
0x86: {  	_ =	shalt  }
0x87: {  	_ =	shalt  }
.Lfunc_end0:
.L_simem_size_0:
called_computation_lowered:
.L_overlay_start_0:
0x88: {  	s2 =	sld [smem:$0x3FD9]  }
0x89: {  	s3 =	sld [smem:$0x3FFE];
	_ =	sdelay $0x1  }
0x8a: {  	s1 =	srdreg.scid  }
0x8b: {  	s0 =	sand.u32 $0x1, s1  }
0x8c: {  	s16 =	sshll.u32 s0, $0xA;
	s2 =	sadd.s32 s3, s2  }
0x8d: {  	s2 =	sadd.s32 s2, s16  }
0x8e: {  	[smem:$0x3FAF] =	sst s2  }
0x8f: {  	_ = 	snop  }
0x90: {  	(tm) =	ssettm $0x1  }
0x91: {  	s17 =	sld [smem:$0x3FFB];
	_ =	sdelay $0x3  }
0x92: {  	_ =	strace s17  }
0x93: {  	s2 =	sld [smem:$0x3FFC];
	_ =	sdelay $0x3  }
0x94: {  	_ =	strace s2  }
0x95: {  	s2 =	sld [smem:$0x3FFD];
	_ =	sdelay $0x3  }
0x96: {  	_ =	strace s2  }
0x97: {  	_ =	strace $0x8FFFFFFF  }
0x98: {  	s18 =	sld [smem:$0x3FDB];
	_ =	sdelay $0x1  }
0x99: {  	s19 =	simm.s32 $_scs_section_size  }
0x9a: {  	s4 =	simm.s32 $_size__tile_overlayer_lowered;
	s5 =	simm.s32 $_tile_overlayer_lowered  }
0x9b: {  	s22 =	simm.s32 $0x1BFF;
	s21 =	sshll.u32 s5, $0x1;
	s2 =	sadd.s32 s19, s18  }
0x9c: {  	s6 =	simm.s32 $0x0;
	s20 =	sshll.u32 s4, $0x1;
	s4 =	sadd.s32 s21, s2  }
0x9d: {  	[timem:s6], [sflag:s22] =	dma.local [hbm:s4], s20  }
0x9e: {  	_ =	swait.ge [sflag:s22], s20  }
0x9f: {  	s3 =	ssub.s32 $0x0, s20;
	[sflag:s22] =	ssyncset.done $0x0  }
0xa0: {  	[sflag:s22] =	ssyncadd.s32 s3;
	_ =	sdelay $0x1  }
0xa1: {  	s23 =	simm.s32 $0x1B8B  }
0xa2: {  	_ =	swait.ge [sflag:s23], $0x1  }
0xa3: {  	[sflag:s23] =	ssyncset.done $0x0  }
0xa4: {  	s25 =	simm.s32 $0x1B8E;
	s24 =	sld [smem:$0x3FFE];
	[sflag:s23] =	ssyncadd.s32 $0xFFFFFFFF  }
0xa5: {  	s26 =	simm.s32 $execute0_lowered;
	[smem:$0x3FD2] =	sst s25  }
0xa6: {  	s4 =	sshll.u32 s26, $0x1;
	_ =	strace $0x80000046;
	[dreg:$0x1] =	wrdreg $0xFFFFFFFF  }
0xa7: {  	s28 =	simm.s32 $_size_execute0_lowered;
	s2 =	sadd.s32 s2, s4;
	[dreg:$0x0] =	wrdreg $0x0  }
0xa8: {  	s4 =	sshll.u32 s28, $0x1;
	[dreg:$0x2] =	wrdreg s2  }
0xa9: {  	[dreg:$0x3] =	wrdreg s4  }
0xaa: {  	[dreg:$0x4] =	wrdreg $0xC0  }
0xab: {  	_ =	task [dreg:s6], $0x5FFFF  }
0xac: {  	[dreg:$0x1] =	wrdreg $0xFFFFFFFF  }
0xad: {  	[dreg:$0x0] =	wrdreg $0x60  }
0xae: {  	[dreg:$0x2] =	wrdreg s24  }
0xaf: {  	[dreg:$0x3] =	wrdreg $0x0  }
0xb0: {  	[dreg:$0x4] =	wrdreg $0x9  }
0xb1: {  	_ =	task.clear_ibuf [dreg:s6], $0x5FFFF;
	_ =	strace $0x90000046  }
0xb2: {  	s29 =	simm.s32 $0x9;
	_ =	strace $0x80000048  }
0xb3: {  	_ =	swait.ge [sflag:s29], $0x1  }
0xb4: {  	[sflag:s29] =	ssyncadd.s32 $0xFFFFFFFF  }
0xb5: {  	_ =	strace $0x90000048  }
0xb6: {  	_ =	sfence  }
0xb7: {  	s30 =	sld [smem:$0x0];
	_ =	sdelay $0x2  }
0xb8: {  	s31 =	sshll.u32 s1, $0xD;
	s1 =	sshrl.u32 s1, $0x2  }
0xb9: {  	s3 =	sand.u32 $0x4000, s31;
	s1 =	sadd.s32 s1, s30  }
0xba: {  	s0 =	sor.u32 s3, s0;
	s1 =	sshll.u32 s1, $0x11  }
0xbb: {  	s0 =	sor.u32 s1, s0  }
0xbc: {  	s0 =	sadd.s32 $0x8F2B, s0  }
0xbd: {  	[sflag:s0] =	ssyncadd.remote.s32 $0x1  }
0xbe: {  	_ =	sfence.sel $0xFFFF  }
0xbf: {  	[dreg:$0x0] =	wrdreg $0xFFFFFFFF;
	(pc) =	sbr.abs _section_cstart, $3  }
0xc0: {  	[dreg:$0x1] =	wrdreg $0xFFFFFFFF  }
0xc1: {  	_ =	task.clear_ibuf [dreg:s6], $0x2FFFF;
	_ =	strace $0x9FFFFFFF  }
0xc2: {  	(tm) =	ssettm $0x7FFFFFFF  }
0xc3: {  	_ =	shalt  }
tec
execute0_lowered:
.L_overlay_start_1:
0x0: {  	(tag) =	ssettag $0x1  }
0x1: {  	s0 =	rddreg [dreg:$0x0]  }
0x2: {  	s1 =	rddreg [dreg:$0x1]  }
0x3: {  	s4 =	stileid.u32;
	s3 =	srdreg.scid  }
0x4: {  	s2 =	simm.s32 $0x0;
	s28 =	simm.s32 $0x6290;
	s29 =	simm.s32 $0x80  }
0x5: {  	s30 =	simm.s32 $0x6390;
	s31 =	simm.s32 $0x1;
	s5 =	smul.u32 $0x1870, s4  }
0x6: {  	s6 =	sand.u32 $0x1, s3;
	[smem:$0x7FF] =	sst s2;
	s3 =	sadd.s32 $0xEC400, s0  }
0x7: {  	s8 =	smul.u32 $0x18800, s4;
	s9 =	sadd.s32 $0x11EC00, s0;
	s24 =	sadd.s32 $0x62000, s1  }
0x8: {  	s21 =	smul.u32 $0xC40, s4;
	p0 =	sne.s32 s4, $0x0;
	s4 =	simm.s32 $0x0  }
0x9: {  	s7 =	smul.u32 $0xC400, s6;
	_ =	strace $0x80000047;
	[dreg:$0x3] =	wrdreg s9  }
0xa: {  	s22 =	ssub.s32 $0x2, s6;
	[dreg:$0x4] =	wrdreg s24;
	s6 =	smul.u32 $0x6200, s6  }
0xb: {  	s24 =	simm.s32 $0x6B90;
	s5 =	sadd.s32 s5, s0;
	s23 =	sshrl.u32 s22, $0x1  }
0xc: {  	s8 =	sshrl.u32 s8, $0x2;
	s0 =	sadd.s32 s7, s0;
	s9 =	ssub.s32 s22, s23  }
0xd: {  	s7 =	sadd.s32 s8, s1;
	s22 =	sadd.s32 $0x3C00, s5;
	s25 =	smax.u32 s9, $0x1  }
0xe: {  	s26 =	sadd.s32 $0x700, s7;
	s9 =	sadd.s32 $0xE00, s7;
	s10 =	sadd.s32 $0x1500, s7  }
0xf: {  	s11 =	sadd.s32 $0x1C00, s7;
	s12 =	sadd.s32 $0x2300, s7;
	s13 =	sadd.s32 $0x2A00, s7  }
0x10: {  	s14 =	sadd.s32 $0x3100, s7;
	s15 =	sadd.s32 $0x3800, s7;
	s16 =	sadd.s32 $0x3F00, s7  }
0x11: {  	s17 =	sadd.s32 $0x4600, s7;
	s18 =	sadd.s32 $0x4D00, s7;
	s19 =	sadd.s32 $0x5400, s7  }
0x12: {  	s20 =	sadd.s32 $0x5B00, s7;
	s0 =	sadd.s32 s21, s0;
	[dreg:$0x5] =	wrdreg s25  }
0x13: {  	s21 =	sadd.s32 $0x106400, s5;
	[dreg:$0x6] =	wrdreg s26;
	s23 =	sadd.s32 $0x11EE00, s0  }
0x14: {  	v0 =	vmov s6;
	s25 =	simm.s32 $0x2;
	s26 =	simm.s32 $0x6210;
	s0 =	simm.s32 $0x6310  }
.LBB2_1:
0x15: {  	s5 =	rddreg [dreg:$0x3]  }
0x16: {  	[tilespmem:s24], [sflag:$0x2] =	stream.linear.gather [hbm4b:s5+s2], $0x700, $0x38;
	[tilespmem:$0x7290] =	vst v63  }
0x17: {  	_ =	swait.ge [sflag:s25], $0x700  }
0x18: {  	[sflag:s25] =	ssyncset.done $0x0  }
0x19: {  	[sflag:s25] =	ssyncadd.s32 $0xFFFFF900  }
0x1a: {  	[spmem:s7] =	stream.linear.scatter [tilespmem:s24], [sflag:$0x2], $0x700, $0x38;
	[tilespmem:$0x7290] =	vst v63  }
0x1b: {  	_ =	swait.ge [sflag:s25], $0x700  }
0x1c: {  	[sflag:s25] =	ssyncset.done $0x0  }
0x1d: {  	s8 =	rddreg [dreg:$0x6];
	[sflag:s25] =	ssyncadd.s32 $0xFFFFF900  }
0x1e: {  	[spmem:s8] =	stream.linear.scatter [tilespmem:s24], [sflag:$0x2], $0x700, $0x38;
	[tilespmem:$0x7290] =	vst v63  }
0x1f: {  	_ =	swait.ge [sflag:s25], $0x700  }
0x20: {  	[sflag:s25] =	ssyncset.done $0x0  }
0x21: {  	[sflag:s25] =	ssyncadd.s32 $0xFFFFF900  }
0x22: {  	[spmem:s9] =	stream.linear.scatter [tilespmem:s24], [sflag:$0x2], $0x700, $0x38;
	[tilespmem:$0x7290] =	vst v63  }
0x23: {  	_ =	swait.ge [sflag:s25], $0x700  }
0x24: {  	[sflag:s25] =	ssyncset.done $0x0  }
0x25: {  	[sflag:s25] =	ssyncadd.s32 $0xFFFFF900  }
0x26: {  	[spmem:s10] =	stream.linear.scatter [tilespmem:s24], [sflag:$0x2], $0x700, $0x38;
	[tilespmem:$0x7290] =	vst v63  }
0x27: {  	_ =	swait.ge [sflag:s25], $0x700  }
0x28: {  	[sflag:s25] =	ssyncset.done $0x0  }
0x29: {  	[sflag:s25] =	ssyncadd.s32 $0xFFFFF900  }
0x2a: {  	[spmem:s11] =	stream.linear.scatter [tilespmem:s24], [sflag:$0x2], $0x700, $0x38;
	[tilespmem:$0x7290] =	vst v63  }
0x2b: {  	_ =	swait.ge [sflag:s25], $0x700  }
0x2c: {  	[sflag:s25] =	ssyncset.done $0x0  }
0x2d: {  	[sflag:s25] =	ssyncadd.s32 $0xFFFFF900  }
0x2e: {  	[spmem:s12] =	stream.linear.scatter [tilespmem:s24], [sflag:$0x2], $0x700, $0x38;
	[tilespmem:$0x7290] =	vst v63  }
0x2f: {  	_ =	swait.ge [sflag:s25], $0x700  }
0x30: {  	[sflag:s25] =	ssyncset.done $0x0  }
0x31: {  	[sflag:s25] =	ssyncadd.s32 $0xFFFFF900  }
0x32: {  	[spmem:s13] =	stream.linear.scatter [tilespmem:s24], [sflag:$0x2], $0x700, $0x38;
	[tilespmem:$0x7290] =	vst v63  }
0x33: {  	_ =	swait.ge [sflag:s25], $0x700  }
0x34: {  	[sflag:s25] =	ssyncset.done $0x0  }
0x35: {  	[sflag:s25] =	ssyncadd.s32 $0xFFFFF900  }
0x36: {  	[spmem:s14] =	stream.linear.scatter [tilespmem:s24], [sflag:$0x2], $0x700, $0x38;
	[tilespmem:$0x7290] =	vst v63  }
0x37: {  	_ =	swait.ge [sflag:s25], $0x700  }
0x38: {  	[sflag:s25] =	ssyncset.done $0x0  }
0x39: {  	[sflag:s25] =	ssyncadd.s32 $0xFFFFF900  }
0x3a: {  	[spmem:s15] =	stream.linear.scatter [tilespmem:s24], [sflag:$0x2], $0x700, $0x38;
	[tilespmem:$0x7290] =	vst v63  }
0x3b: {  	_ =	swait.ge [sflag:s25], $0x700  }
0x3c: {  	[sflag:s25] =	ssyncset.done $0x0  }
0x3d: {  	[sflag:s25] =	ssyncadd.s32 $0xFFFFF900  }
0x3e: {  	[spmem:s16] =	stream.linear.scatter [tilespmem:s24], [sflag:$0x2], $0x700, $0x38;
	[tilespmem:$0x7290] =	vst v63  }
0x3f: {  	_ =	swait.ge [sflag:s25], $0x700  }
0x40: {  	[sflag:s25] =	ssyncset.done $0x0  }
0x41: {  	[sflag:s25] =	ssyncadd.s32 $0xFFFFF900  }
0x42: {  	[spmem:s17] =	stream.linear.scatter [tilespmem:s24], [sflag:$0x2], $0x700, $0x38;
	[tilespmem:$0x7290] =	vst v63  }
0x43: {  	_ =	swait.ge [sflag:s25], $0x700  }
0x44: {  	[sflag:s25] =	ssyncset.done $0x0  }
0x45: {  	[sflag:s25] =	ssyncadd.s32 $0xFFFFF900  }
0x46: {  	[spmem:s18] =	stream.linear.scatter [tilespmem:s24], [sflag:$0x2], $0x700, $0x38;
	[tilespmem:$0x7290] =	vst v63  }
0x47: {  	_ =	swait.ge [sflag:s25], $0x700  }
0x48: {  	[sflag:s25] =	ssyncset.done $0x0  }
0x49: {  	[sflag:s25] =	ssyncadd.s32 $0xFFFFF900  }
0x4a: {  	[spmem:s19] =	stream.linear.scatter [tilespmem:s24], [sflag:$0x2], $0x700, $0x38;
	[tilespmem:$0x7290] =	vst v63  }
0x4b: {  	_ =	swait.ge [sflag:s25], $0x700  }
0x4c: {  	[sflag:s25] =	ssyncset.done $0x0  }
0x4d: {  	[sflag:s25] =	ssyncadd.s32 $0xFFFFF900  }
0x4e: {  	[spmem:s20] =	stream.linear.scatter [tilespmem:s24], [sflag:$0x2], $0x700, $0x38;
	[tilespmem:$0x7290] =	vst v63  }
0x4f: {  	_ =	swait.ge [sflag:s25], $0x700  }
0x50: {  	[sflag:s25] =	ssyncset.done $0x0  }
0x51: {  	s5 =	simm.s32 @!p0 $0x6B90;
	s6 =	rddreg [dreg:$0x4];
	[sflag:s25] =	ssyncadd.s32 $0xFFFFF900  }
0x52: {  	[spmem:s6] =	stream.linear.scatter @!p0 [tilespmem:s5], [sflag:$0x2], $0x100, $0x38;
	[tilespmem:$0x7290] =	vst v63  }
0x53: {  	s5 =	simm.s32 @!p0 $0x2  }
0x54: {  	_ =	swait.ge @!p0 [sflag:s5], $0x100  }
0x55: {  	[sflag:s5] =	ssyncset.done @!p0 $0x0  }
0x56: {  	[sflag:s5] =	ssyncadd.s32 @!p0 $0xFFFFFF00  }
0x57: {  	s6 =	sadd.s32 $0x0, s22;
	[bflag:$0x0] =	sbarrier.arrive $0xFFFF  }
0x58: {  	[tilespmem:s26], [sflag:$0x2] =	stream.linear.gather [hbm4b:s6+s2], $0x80, $0x38;
	[tilespmem:$0x7290] =	vst v63  }
0x59: {  	_ =	swait.ge [sflag:s25], $0x80  }
0x5a: {  	[sflag:s25] =	ssyncset.done $0x0  }
0x5b: {  	s8 =	sadd.s32 $0x0, s21;
	[sflag:s25] =	ssyncadd.s32 $0xFFFFFF80  }
0x5c: {  	[tilespmem:s28], [sflag:$0x2] =	stream.linear.gather [hbm4b:s8+s2], $0x80, $0x38;
	[tilespmem:$0x7290] =	vst v63  }
0x5d: {  	_ =	swait.ge [sflag:s25], $0x80  }
0x5e: {  	[sflag:s25] =	ssyncset.done $0x0  }
0x5f: {  	[sflag:s25] =	ssyncadd.s32 $0xFFFFFF80  }
0x60: {  	v1 =	vld [tilespmem:$0x62E0]  }
0x61: {  	v2 =	vld [tilespmem:$0x62C0]  }
0x62: {  	v3 =	vld [tilespmem:$0x62B0]  }
0x63: {  	v4 =	vld [tilespmem:$0x62A0]  }
0x64: {  	v5 =	vld [tilespmem:$0x62D0]  }
0x65: {  	v6 =	vld [tilespmem:$0x6290];
	v1 =	vsub.s32 v1, v0  }
0x66: {  	v7 =	vld [tilespmem:$0x62F0];
	v2 =	vsub.s32 v2, v0;
	v1 =	vmin.u32 v1, $0x6200  }
0x67: {  	v8 =	vld [tilespmem:$0x6300];
	v3 =	vsub.s32 v3, v0;
	v2 =	vmin.u32 v2, $0x6200;
	[tilespmem:$0x6360] =	vst v1  }
0x68: {  	v3 =	vmin.u32 v3, $0x6200;
	v1 =	vsub.s32 v4, v0;
	[tilespmem:$0x6340] =	vst v2  }
0x69: {  	[tilespmem:$0x6330] =	vst v3;
	v2 =	vsub.s32 v5, v0;
	v1 =	vmin.u32 v1, $0x6200  }
0x6a: {  	v3 =	vsub.s32 v6, v0;
	[tilespmem:$0x6320] =	vst v1;
	v1 =	vmin.u32 v2, $0x6200  }
0x6b: {  	v2 =	vmin.u32 v3, $0x6200;
	[tilespmem:$0x6350] =	vst v1;
	v1 =	vsub.s32 v7, v0  }
0x6c: {  	s5 =	simm.s32 $0x10;
	[tilespmem:$0x6310] =	vst v2;
	v2 =	vsub.s32 v8, v0;
	v1 =	vmin.u32 v1, $0x6200  }
.LBB2_2:
0x6d: {  	p1 =	sne.s32 s5, $0x1860;
	[tilespmem:$0x6370] =	vst v1;
	v1 =	vmin.u32 v2, $0x6200;
	s6 =	smov.u32 s5;
	s5 =	sadd.s32 $0x10, s5  }
0x6e: {  	[tilespmem:$0x6380] =	vst v1  }
0x6f: {  	[tilespmem:s30], [sflag:$0x1] =	stream.indirect.gather [hbm4b:s3+s29], $0x10, s26, s29, $0xb8;
	[tilespmem:$0x7290] =	vst v63  }
0x70: {  	_ =	swait.ge [sflag:s31], $0x800  }
0x71: {  	[sflag:s31] =	ssyncset.done $0x0  }
0x72: {  	[sflag:s31] =	ssyncadd.s32 $0xFFFFF800  }
0x73: {  	[spmem:s1] =	stream.indirect.scatter.add.f32 [tilespmem:s30], [sflag:$0x2], $0x10, s0, s29, $0xb8;
	[tilespmem:$0x7290] =	vst v63  }
0x74: {  	s8 =	sadd.s32 s6, s22;
	_ =	swait.ge [sflag:s25], $0x800  }
0x75: {  	[sflag:s25] =	ssyncset.done $0x0  }
0x76: {  	[sflag:s25] =	ssyncadd.s32 $0xFFFFF800  }
0x77: {  	[tilespmem:s26], [sflag:$0x2] =	stream.linear.gather [hbm4b:s8+s2], $0x80, $0x38;
	[tilespmem:$0x7290] =	vst v63  }
0x78: {  	_ =	swait.ge [sflag:s25], $0x80  }
0x79: {  	[sflag:s25] =	ssyncset.done $0x0  }
0x7a: {  	s6 =	sadd.s32 s6, s21;
	[sflag:s25] =	ssyncadd.s32 $0xFFFFFF80  }
0x7b: {  	[tilespmem:s28], [sflag:$0x2] =	stream.linear.gather [hbm4b:s6+s2], $0x80, $0x38;
	[tilespmem:$0x7290] =	vst v63  }
0x7c: {  	_ =	swait.ge [sflag:s25], $0x80  }
0x7d: {  	[sflag:s25] =	ssyncset.done $0x0  }
0x7e: {  	[sflag:s25] =	ssyncadd.s32 $0xFFFFFF80  }
0x7f: {  	v1 =	vld [tilespmem:$0x62E0]  }
0x80: {  	v2 =	vld [tilespmem:$0x62C0]  }
0x81: {  	v3 =	vld [tilespmem:$0x62B0]  }
0x82: {  	v4 =	vld [tilespmem:$0x62A0]  }
0x83: {  	v5 =	vld [tilespmem:$0x62D0]  }
0x84: {  	v6 =	vld [tilespmem:$0x6290];
	v1 =	vsub.s32 v1, v0  }
0x85: {  	v2 =	vsub.s32 v2, v0;
	v1 =	vmin.u32 v1, $0x6200;
	v7 =	vld [tilespmem:$0x62F0]  }
0x86: {  	v3 =	vsub.s32 v3, v0;
	v2 =	vmin.u32 v2, $0x6200;
	[tilespmem:$0x6360] =	vst v1;
	v8 =	vld [tilespmem:$0x6300]  }
.Ltmp0:
0x87: {  	v1 =	vsub.s32 v4, v0;
	v3 =	vmin.u32 v3, $0x6200;
	[tilespmem:$0x6340] =	vst v2;
	(pc) =	sbr.rel @p1 .LBB2_2-.Ltmp0, $4  }
0x88: {  	v1 =	vmin.u32 v1, $0x6200;
	[tilespmem:$0x6330] =	vst v3;
	v2 =	vsub.s32 v5, v0  }
0x89: {  	v3 =	vsub.s32 v6, v0;
	[tilespmem:$0x6320] =	vst v1;
	v1 =	vmin.u32 v2, $0x6200  }
0x8a: {  	v2 =	vmin.u32 v3, $0x6200;
	[tilespmem:$0x6350] =	vst v1;
	v1 =	vsub.s32 v7, v0  }
0x8b: {  	[tilespmem:$0x6310] =	vst v2;
	v1 =	vmin.u32 v1, $0x6200;
	v2 =	vsub.s32 v8, v0  }
0x8c: {  	[tilespmem:$0x6370] =	vst v1;
	v1 =	vmin.u32 v2, $0x6200  }
0x8d: {  	[tilespmem:$0x6380] =	vst v1  }
0x8e: {  	[tilespmem:s30], [sflag:$0x1] =	stream.indirect.gather [hbm4b:s3+s29], $0x10, s26, s29, $0xb8;
	[tilespmem:$0x7290] =	vst v63  }
0x8f: {  	_ =	swait.ge [sflag:s31], $0x800  }
0x90: {  	[sflag:s31] =	ssyncset.done $0x0  }
0x91: {  	[sflag:s31] =	ssyncadd.s32 $0xFFFFF800  }
0x92: {  	[spmem:s1] =	stream.indirect.scatter.add.f32 [tilespmem:s30], [sflag:$0x2], $0x10, s0, s29, $0xb8;
	[tilespmem:$0x7290] =	vst v63  }
0x93: {  	_ =	swait.ge [sflag:s25], $0x800  }
0x94: {  	[sflag:s25] =	ssyncset.done $0x0  }
0x95: {  	[sflag:s25] =	ssyncadd.s32 $0xFFFFF800  }
0x96: {  	[bflag:$0x0] =	sbarrier.arrive $0xFFFF  }
0x97: {  	[tilespmem:s24], [sflag:$0x2] =	stream.linear.gather [spmem:s7], $0x700, $0x38;
	[tilespmem:$0x7290] =	vst v63  }
0x98: {  	_ =	swait.ge [sflag:s25], $0x700  }
0x99: {  	[sflag:s25] =	ssyncset.done $0x0  }
0x9a: {  	s5 =	sadd.s32 $0x0, s23;
	[sflag:s25] =	ssyncadd.s32 $0xFFFFF900  }
0x9b: {  	[hbm4b:s5+s2] =	stream.linear.scatter [tilespmem:s24], [sflag:$0x2], $0x700, $0x38;
	[tilespmem:$0x7290] =	vst v63  }
0x9c: {  	_ =	swait.ge [sflag:s25], $0x700  }
0x9d: {  	s6 =	smov.u32 s7;
	s5 =	simm.s32 $0xE0;
	[sflag:s25] =	ssyncset.done $0x0  }
.LBB2_4:
0x9e: {  	p1 =	sne.s32 s5, $0xB60;
	[sflag:s25] =	ssyncadd.s32 $0xFFFFF900;
	s6 =	sadd.s32 $0x700, s6  }
0x9f: {  	[tilespmem:s24], [sflag:$0x2] =	stream.linear.gather [spmem:s6], $0x700, $0x38;
	[tilespmem:$0x7290] =	vst v63  }
0xa0: {  	s8 =	smov.u32 s5;
	s5 =	sadd.s32 $0xE0, s5;
	_ =	swait.ge [sflag:s25], $0x700  }
.Ltmp1:
0xa1: {  	[sflag:s25] =	ssyncset.done $0x0;
	(pc) =	sbr.rel @p1 .LBB2_4-.Ltmp1, $4  }
0xa2: {  	s8 =	sadd.s32 s8, s23;
	[sflag:s25] =	ssyncadd.s32 $0xFFFFF900  }
0xa3: {  	[hbm4b:s8+s2] =	stream.linear.scatter [tilespmem:s24], [sflag:$0x2], $0x700, $0x38;
	[tilespmem:$0x7290] =	vst v63  }
0xa4: {  	_ =	swait.ge [sflag:s25], $0x700  }
0xa5: {  	[sflag:s25] =	ssyncset.done $0x0  }
0xa6: {  	s4 =	sadd.s32 $0x1, s4;
	s5 =	rddreg [dreg:$0x5]  }
0xa7: {  	p1 =	sne.s32 s4, s5  }
.Ltmp2:
0xa8: {  	_ = 	snop;
	(pc) =	sbr.rel @p1 .LBB2_1-.Ltmp2, $2  }
0xa9: {  	_ =	sdelay $0x2  }
0xaa: {  	[sflag:s25] =	ssyncadd.s32 $0xFFFFF900  }
0xab: {  	_ =	sfence.sel $0x180000  }
0xac: {  	[bflag:$0x0] =	sbarrier.arrive $0xFFFF  }
0xad: {  	_ =	strace $0x90000047  }
0xae: {  	[bflag:$0x2] =	sbarrier.arrive $0xFFFF  }
0xaf: {  	s0 =	rddreg [dreg:$0x2]  }
0xb0: {  	s0 =	sadd.s32 @!p0 $0x100000, s0  }
0xb1: {  	[sflag:s0] =	ssyncadd.tile.s32 @!p0 $0x1;
	_ =	shalt  }
.Lfunc_end2:
_tile_overlayer_lowered:
.L_overlay_start_2:
0xb2: {  	(tag) =	ssettag $0x2  }
0xb3: {  	s0 =	rddreg [dreg:$0x0];
	s2 =	stileid.u32  }
0xb4: {  	s1 =	rddreg [dreg:$0x1];
	p0 =	sne.s32 s2, $0x0  }
0xb5: {  	s3 =	rddreg [dreg:$0x2];
	[bflag:$0x3] =	sbarrier.arrive $0xFFFF;
	s2 =	simm.s32 @!p0 $0x1C02  }
0xb6: {  	[timem:s3], [sflag:s2] =	dma.local @!p0 [hbm:s0], s1  }
0xb7: {  	s0 =	simm.s32 @!p0 $0x2  }
0xb8: {  	_ =	swait.ge @!p0 [sflag:s0], s1  }
0xb9: {  	s1 =	ssub.s32 @!p0 $0x0, s1;
	[sflag:s0] =	ssyncset.done @!p0 $0x0  }
0xba: {  	[sflag:s0] =	ssyncadd.s32 @!p0 s1  }
0xbb: {  	[bflag:$0x3] =	sbarrier.arrive $0xFFFF  }
0xbc: {  	_ =	shalt  }

// kernel: kernel.13.cloned.1.call-start
scs
__scs_entry_jumppad:
0x0: {  	(pc) =	sbr.rel $0x88, $3  }
0x1: {  	(tag) =	ssettag $0x0;
	lr =	simm.s32 $0x1  }
0x2: {  	[smem:$0x3F88] =	sst lr;
	_ =	strace $0xD0000000  }
0x3: {  	_ = 	snop  }
0x4: {  	_ = 	snop  }
0x5: {  	_ = 	snop  }
0x6: {  	_ = 	snop  }
0x7: {  	_ = 	snop  }
__scs_overlays_trampoline_lowered:
0x8: {  	[smem:$0x3F97] =	sst s0  }
0x9: {  	[smem:$0x3F98] =	sst s1  }
0xa: {  	[smem:$0x3F99] =	sst s2  }
0xb: {  	[smem:$0x3F9A] =	sst s3  }
0xc: {  	[smem:$0x3F9B] =	sst s4  }
0xd: {  	[smem:$0x3F9C] =	sst s5  }
0xe: {  	[smem:$0x3F9D] =	sst s6  }
0xf: {  	[smem:$0x3F9E] =	sst s7  }
0x10: {  	[smem:$0x3F9F] =	sst s8  }
0x11: {  	[smem:$0x3FA0] =	sst s9;
	s0 =	simm.s32 @!p0 $0x0  }
0x12: {  	s1 =	sld [smem:$0x3F86];
	s0 =	simm.s32 @p0 $0x1  }
0x13: {  	[smem:$0x3FA1] =	sst s0;
	s0 =	simm.s32 @!p1 $0x0  }
0x14: {  	s2 =	sld [smem:$0x3F85];
	s0 =	simm.s32 @p1 $0x1  }
0x15: {  	[smem:$0x3FA2] =	sst s0;
	s0 =	simm.s32 @!p2 $0x0  }
0x16: {  	s3 =	sld [smem:$0x3FDB];
	s0 =	simm.s32 @p2 $0x1  }
0x17: {  	s4 =	simm.s32 $0x1BF5;
	[smem:$0x3FA4] =	sst s0  }
0x18: {  	s0 =	sld [smem:$0x3F87];
	_ =	swait.ge [sflag:s4], $0x0  }
0x19: {  	s7 =	sld [smem:$0x3F88]  }
0x1a: {  	s8 =	sadd.s32 $0xFFFFE003, lr  }
0x1b: {  	s9 =	sadd.s32 $0xFFFFFEF7, lr;
	s5 =	simm.s32 $0xFFFFFFFF;
	p2 =	slt.u32 s8, $0xFFFFF086  }
0x1c: {  	p1 =	slt.u32 s9, $0xF7A;
	s5 =	simm.s32 @!p2 $0x0  }
0x1d: {  	s5 =	simm.s32 @p1 $0x1;
	p0 =	seq.s32 s7, s2  }
0x1e: {  	s7 =	smul.u32 @!p0 $0xF7A, s2;
	p2 =	seq.s32 @!p0 s5, $0x0  }
0x1f: {  	s9 =	smul.u32 $0xF7A, s1;
	s8 =	simm.s32 @!p0 $0x1BF5;
	p2 =	por !p2, p0  }
0x20: {  	[sflag:s8] =	ssyncset.s32 @!p0 $0xFFFFF086;
	s6 =	sadd.s32 @!p0 s3, s7;
	s7 =	simm.s32 @!p0 $0x108  }
0x21: {  	s3 =	sadd.s32 s3, s9;
	s6 =	sadd.s32 @!p0 $0x88, s6;
	s7 =	simm.s32 @p2 $0x1082  }
0x22: {  	[simem:s7], [sflag:s8] =	dma.local @!p0 [hbm:s6], $0xF7A  }
0x23: {  	s9 =	sor.u32 $0xD0000000, s2;
	s6 =	simm.s32 $0x108;
	_ =	swait.ge @!p0 [sflag:s8], $0x0  }
0x24: {  	s3 =	sadd.s32 $0x88, s3;
	s6 =	simm.s32 @!p1 $0x1082;
	[sflag:s4] =	ssyncset.s32 $0xFFFFF086  }
0x25: {  	[simem:s6], [sflag:s4] =	dma.local [hbm:s3], $0xF7A  }
0x26: {  	[smem:$0x3F88] =	sst s1;
	(tag) =	ssettag s2;
	_ =	strace s9  }
0x27: {  	s1 =	sld [smem:$0x3F98]  }
0x28: {  	s2 =	sld [smem:$0x3F99]  }
0x29: {  	s4 =	sld [smem:$0x3F9B]  }
0x2a: {  	p0 =	seq.s32 s5, $0x0;
	s5 =	sld [smem:$0x3F9C]  }
0x2b: {  	s6 =	sld [smem:$0x3F9D]  }
0x2c: {  	s7 =	sld [smem:$0x3F9E]  }
0x2d: {  	s3 =	simm.s32 $0x108;
	s8 =	sld [smem:$0x3F9F]  }
0x2e: {  	s3 =	simm.s32 @!p0 $0x1082;
	s9 =	sld [smem:$0x3FA0]  }
0x2f: {  	lr =	sadd.s32 s0, s3;
	s0 =	sld [smem:$0x3F97]  }
0x30: {  	s3 =	sld [smem:$0x3F9A]  }
0x31: {  	[smem:$0x3FA3] =	sst s10  }
0x32: {  	s10 =	sld [smem:$0x3FA1];
	_ =	sdelay $0x3  }
0x33: {  	p0 =	seq.s32 s10, $0x1;
	s10 =	sld [smem:$0x3FA3];
	_ =	sdelay $0x3  }
0x34: {  	[smem:$0x3FA3] =	sst s10  }
0x35: {  	s10 =	sld [smem:$0x3FA2];
	_ =	sdelay $0x3  }
0x36: {  	p1 =	seq.s32 s10, $0x1;
	s10 =	sld [smem:$0x3FA3];
	_ =	sdelay $0x3  }
0x37: {  	[smem:$0x3FA3] =	sst s10  }
0x38: {  	s10 =	sld [smem:$0x3FA4]  }
0x39: {  	_ = 	snop;
	(pc) =	sbr.ind lr, $3  }
0x3a: {  	_ = 	snop  }
0x3b: {  	_ = 	snop  }
0x3c: {  	p2 =	seq.s32 s10, $0x1;
	s10 =	sld [smem:$0x3FA3]  }
0x3d: {  	_ =	shalt  }
0x3e: {  	_ =	shalt  }
0x3f: {  	_ =	shalt  }
0x40: {  	_ =	shalt  }
0x41: {  	_ =	shalt  }
0x42: {  	_ =	shalt  }
0x43: {  	_ =	shalt  }
0x44: {  	_ =	shalt  }
0x45: {  	_ =	shalt  }
0x46: {  	_ =	shalt  }
0x47: {  	_ =	shalt  }
0x48: {  	_ =	shalt  }
0x49: {  	_ =	shalt  }
0x4a: {  	_ =	shalt  }
0x4b: {  	_ =	shalt  }
0x4c: {  	_ =	shalt  }
0x4d: {  	_ =	shalt  }
0x4e: {  	_ =	shalt  }
0x4f: {  	_ =	shalt  }
0x50: {  	_ =	shalt  }
0x51: {  	_ =	shalt  }
0x52: {  	_ =	shalt  }
0x53: {  	_ =	shalt  }
0x54: {  	_ =	shalt  }
0x55: {  	_ =	shalt  }
0x56: {  	_ =	shalt  }
0x57: {  	_ =	shalt  }
0x58: {  	_ =	shalt  }
0x59: {  	_ =	shalt  }
0x5a: {  	_ =	shalt  }
0x5b: {  	_ =	shalt  }
0x5c: {  	_ =	shalt  }
0x5d: {  	_ =	shalt  }
0x5e: {  	_ =	shalt  }
0x5f: {  	_ =	shalt  }
0x60: {  	_ =	shalt  }
0x61: {  	_ =	shalt  }
0x62: {  	_ =	shalt  }
0x63: {  	_ =	shalt  }
0x64: {  	_ =	shalt  }
0x65: {  	_ =	shalt  }
0x66: {  	_ =	shalt  }
0x67: {  	_ =	shalt  }
0x68: {  	_ =	shalt  }
0x69: {  	_ =	shalt  }
0x6a: {  	_ =	shalt  }
0x6b: {  	_ =	shalt  }
0x6c: {  	_ =	shalt  }
0x6d: {  	_ =	shalt  }
0x6e: {  	_ =	shalt  }
0x6f: {  	_ =	shalt  }
0x70: {  	_ =	shalt  }
0x71: {  	_ =	shalt  }
0x72: {  	_ =	shalt  }
0x73: {  	_ =	shalt  }
0x74: {  	_ =	shalt  }
0x75: {  	_ =	shalt  }
0x76: {  	_ =	shalt  }
0x77: {  	_ =	shalt  }
0x78: {  	_ =	shalt  }
0x79: {  	_ =	shalt  }
0x7a: {  	_ =	shalt  }
0x7b: {  	_ =	shalt  }
0x7c: {  	_ =	shalt  }
0x7d: {  	_ =	shalt  }
0x7e: {  	_ =	shalt  }
0x7f: {  	_ =	shalt  }
0x80: {  	_ =	shalt  }
0x81: {  	_ =	shalt  }
0x82: {  	_ =	shalt  }
0x83: {  	_ =	shalt  }
0x84: {  	_ =	shalt  }
0x85: {  	_ =	shalt  }
0x86: {  	_ =	shalt  }
0x87: {  	_ =	shalt  }
.Lfunc_end0:
.L_simem_size_0:
called_computation.1_lowered:
.L_overlay_start_0:
0x88: {  	s2 =	sld [smem:$0x3FD9]  }
0x89: {  	s3 =	sld [smem:$0x3FFE];
	_ =	sdelay $0x1  }
0x8a: {  	s1 =	srdreg.scid  }
0x8b: {  	s0 =	sand.u32 $0x1, s1  }
0x8c: {  	s16 =	sshll.u32 s0, $0xA;
	s2 =	sadd.s32 s3, s2  }
0x8d: {  	s2 =	sadd.s32 s2, s16  }
0x8e: {  	[smem:$0x3FAF] =	sst s2  }
0x8f: {  	_ = 	snop  }
0x90: {  	(tm) =	ssettm $0x1  }
0x91: {  	s17 =	sld [smem:$0x3FFB];
	_ =	sdelay $0x3  }
0x92: {  	_ =	strace s17  }
0x93: {  	s2 =	sld [smem:$0x3FFC];
	_ =	sdelay $0x3  }
0x94: {  	_ =	strace s2  }
0x95: {  	s2 =	sld [smem:$0x3FFD];
	_ =	sdelay $0x3  }
0x96: {  	_ =	strace s2  }
0x97: {  	_ =	strace $0x8FFFFFFF  }
0x98: {  	s18 =	sld [smem:$0x3FDB];
	_ =	sdelay $0x1  }
0x99: {  	s19 =	simm.s32 $_scs_section_size  }
0x9a: {  	s4 =	simm.s32 $_size__tile_overlayer_lowered;
	s5 =	simm.s32 $_tile_overlayer_lowered  }
0x9b: {  	s22 =	simm.s32 $0x1BFF;
	s21 =	sshll.u32 s5, $0x1;
	s2 =	sadd.s32 s19, s18  }
0x9c: {  	s6 =	simm.s32 $0x0;
	s20 =	sshll.u32 s4, $0x1;
	s4 =	sadd.s32 s21, s2  }
0x9d: {  	[timem:s6], [sflag:s22] =	dma.local [hbm:s4], s20  }
0x9e: {  	_ =	swait.ge [sflag:s22], s20  }
0x9f: {  	s3 =	ssub.s32 $0x0, s20;
	[sflag:s22] =	ssyncset.done $0x0  }
0xa0: {  	[sflag:s22] =	ssyncadd.s32 s3;
	_ =	sdelay $0x1  }
0xa1: {  	s23 =	simm.s32 $0x1B8B  }
0xa2: {  	_ =	swait.ge [sflag:s23], $0x1  }
0xa3: {  	[sflag:s23] =	ssyncset.done $0x0  }
0xa4: {  	s25 =	simm.s32 $0x1B8E;
	s24 =	sld [smem:$0x3FFE];
	[sflag:s23] =	ssyncadd.s32 $0xFFFFFFFF  }
0xa5: {  	s26 =	simm.s32 $execute0_lowered;
	[smem:$0x3FD2] =	sst s25  }
0xa6: {  	s4 =	sshll.u32 s26, $0x1;
	_ =	strace $0x80000049;
	[dreg:$0x1] =	wrdreg $0xFFFFFFFF  }
0xa7: {  	s28 =	simm.s32 $_size_execute0_lowered;
	s2 =	sadd.s32 s2, s4;
	[dreg:$0x0] =	wrdreg $0x0  }
0xa8: {  	s4 =	sshll.u32 s28, $0x1;
	[dreg:$0x2] =	wrdreg s2  }
0xa9: {  	[dreg:$0x3] =	wrdreg s4  }
0xaa: {  	[dreg:$0x4] =	wrdreg $0xC0  }
0xab: {  	_ =	task [dreg:s6], $0x5FFFF  }
0xac: {  	[dreg:$0x1] =	wrdreg $0xFFFFFFFF  }
0xad: {  	[dreg:$0x0] =	wrdreg $0x60  }
0xae: {  	[dreg:$0x2] =	wrdreg s24  }
0xaf: {  	[dreg:$0x3] =	wrdreg $0x0  }
0xb0: {  	[dreg:$0x4] =	wrdreg $0x9  }
0xb1: {  	_ =	task.clear_ibuf [dreg:s6], $0x5FFFF;
	_ =	strace $0x90000049  }
0xb2: {  	s29 =	simm.s32 $0x9;
	_ =	strace $0x8000004B  }
0xb3: {  	_ =	swait.ge [sflag:s29], $0x1  }
0xb4: {  	[sflag:s29] =	ssyncadd.s32 $0xFFFFFFFF  }
0xb5: {  	_ =	strace $0x9000004B  }
0xb6: {  	_ =	sfence  }
0xb7: {  	s30 =	sld [smem:$0x0];
	_ =	sdelay $0x2  }
0xb8: {  	s31 =	sshll.u32 s1, $0xD;
	s1 =	sshrl.u32 s1, $0x2  }
0xb9: {  	s3 =	sand.u32 $0x4000, s31;
	s1 =	sadd.s32 s1, s30  }
0xba: {  	s0 =	sor.u32 s3, s0;
	s1 =	sshll.u32 s1, $0x11  }
0xbb: {  	s0 =	sor.u32 s1, s0  }
0xbc: {  	s0 =	sadd.s32 $0x8F2B, s0  }
0xbd: {  	[sflag:s0] =	ssyncadd.remote.s32 $0x1  }
0xbe: {  	_ =	sfence.sel $0xFFFF  }
0xbf: {  	[dreg:$0x0] =	wrdreg $0xFFFFFFFF;
	(pc) =	sbr.abs _section_cstart, $3  }
0xc0: {  	[dreg:$0x1] =	wrdreg $0xFFFFFFFF  }
0xc1: {  	_ =	task.clear_ibuf [dreg:s6], $0x2FFFF;
	_ =	strace $0x9FFFFFFF  }
0xc2: {  	(tm) =	ssettm $0x7FFFFFFF  }
0xc3: {  	_ =	shalt  }
tec
execute0_lowered:
.L_overlay_start_1:
0x0: {  	(tag) =	ssettag $0x1  }
0x1: {  	s0 =	rddreg [dreg:$0x0]  }
0x2: {  	s1 =	rddreg [dreg:$0x1]  }
0x3: {  	s4 =	stileid.u32;
	s3 =	srdreg.scid  }
0x4: {  	s2 =	simm.s32 $0x0;
	s28 =	simm.s32 $0x188C0;
	s29 =	simm.s32 $0x80  }
0x5: {  	s30 =	simm.s32 $0x189C0;
	s31 =	simm.s32 $0x1;
	s5 =	smul.u32 $0x1870, s4  }
0x6: {  	s6 =	sand.u32 $0x1, s3;
	[smem:$0x7FF] =	sst s2;
	s3 =	sadd.s32 $0x1C400, s0  }
0x7: {  	s8 =	smul.u32 $0x62000, s4;
	s9 =	sadd.s32 $0x11EC00, s0;
	s24 =	sadd.s32 $0x188000, s1  }
0x8: {  	s21 =	smul.u32 $0x3100, s4;
	p0 =	sne.s32 s4, $0x0;
	s4 =	simm.s32 $0x0  }
0x9: {  	s7 =	smul.u32 $0x31000, s6;
	_ =	strace $0x8000004A;
	[dreg:$0x3] =	wrdreg s9  }
0xa: {  	s22 =	ssub.s32 $0x2, s6;
	[dreg:$0x4] =	wrdreg s24;
	s6 =	smul.u32 $0x6200, s6  }
0xb: {  	s24 =	simm.s32 $0x1A9C0;
	s5 =	sadd.s32 s5, s0;
	s23 =	sshrl.u32 s22, $0x1  }
0xc: {  	s8 =	sshrl.u32 s8, $0x2;
	s0 =	sadd.s32 s7, s0;
	s9 =	ssub.s32 s22, s23  }
0xd: {  	s7 =	sadd.s32 s8, s1;
	s22 =	sadd.s32 $0x3C00, s5;
	s25 =	smax.u32 s9, $0x1  }
0xe: {  	s26 =	sadd.s32 $0x1C00, s7;
	s9 =	sadd.s32 $0x3800, s7;
	s10 =	sadd.s32 $0x5400, s7  }
0xf: {  	s11 =	sadd.s32 $0x7000, s7;
	s12 =	sadd.s32 $0x8C00, s7;
	s13 =	sadd.s32 $0xA800, s7  }
0x10: {  	s14 =	sadd.s32 $0xC400, s7;
	s15 =	sadd.s32 $0xE000, s7;
	s16 =	sadd.s32 $0xFC00, s7  }
0x11: {  	s17 =	sadd.s32 $0x11800, s7;
	s18 =	sadd.s32 $0x13400, s7;
	s19 =	sadd.s32 $0x15000, s7  }
0x12: {  	s20 =	sadd.s32 $0x16C00, s7;
	s0 =	sadd.s32 s21, s0;
	[dreg:$0x5] =	wrdreg s25  }
0x13: {  	s21 =	sadd.s32 $0x106400, s5;
	[dreg:$0x6] =	wrdreg s26;
	s23 =	sadd.s32 $0x84400, s0  }
0x14: {  	v0 =	vmov s6;
	s25 =	simm.s32 $0x2;
	s26 =	simm.s32 $0x18840;
	s0 =	simm.s32 $0x18940  }
.LBB2_1:
0x15: {  	s5 =	rddreg [dreg:$0x3]  }
0x16: {  	[tilespmem:s24], [sflag:$0x2] =	stream.linear.gather [hbm4b:s5+s2], $0x1C00, $0x38;
	[tilespmem:$0x1C5C0] =	vst v63  }
0x17: {  	_ =	swait.ge [sflag:s25], $0x1C00  }
0x18: {  	[sflag:s25] =	ssyncset.done $0x0  }
0x19: {  	[sflag:s25] =	ssyncadd.s32 $0xFFFFE400  }
0x1a: {  	[spmem:s7] =	stream.linear.scatter [tilespmem:s24], [sflag:$0x2], $0x1C00, $0x38;
	[tilespmem:$0x1C5C0] =	vst v63  }
0x1b: {  	_ =	swait.ge [sflag:s25], $0x1C00  }
0x1c: {  	[sflag:s25] =	ssyncset.done $0x0  }
0x1d: {  	s8 =	rddreg [dreg:$0x6];
	[sflag:s25] =	ssyncadd.s32 $0xFFFFE400  }
0x1e: {  	[spmem:s8] =	stream.linear.scatter [tilespmem:s24], [sflag:$0x2], $0x1C00, $0x38;
	[tilespmem:$0x1C5C0] =	vst v63  }
0x1f: {  	_ =	swait.ge [sflag:s25], $0x1C00  }
0x20: {  	[sflag:s25] =	ssyncset.done $0x0  }
0x21: {  	[sflag:s25] =	ssyncadd.s32 $0xFFFFE400  }
0x22: {  	[spmem:s9] =	stream.linear.scatter [tilespmem:s24], [sflag:$0x2], $0x1C00, $0x38;
	[tilespmem:$0x1C5C0] =	vst v63  }
0x23: {  	_ =	swait.ge [sflag:s25], $0x1C00  }
0x24: {  	[sflag:s25] =	ssyncset.done $0x0  }
0x25: {  	[sflag:s25] =	ssyncadd.s32 $0xFFFFE400  }
0x26: {  	[spmem:s10] =	stream.linear.scatter [tilespmem:s24], [sflag:$0x2], $0x1C00, $0x38;
	[tilespmem:$0x1C5C0] =	vst v63  }
0x27: {  	_ =	swait.ge [sflag:s25], $0x1C00  }
0x28: {  	[sflag:s25] =	ssyncset.done $0x0  }
0x29: {  	[sflag:s25] =	ssyncadd.s32 $0xFFFFE400  }
0x2a: {  	[spmem:s11] =	stream.linear.scatter [tilespmem:s24], [sflag:$0x2], $0x1C00, $0x38;
	[tilespmem:$0x1C5C0] =	vst v63  }
0x2b: {  	_ =	swait.ge [sflag:s25], $0x1C00  }
0x2c: {  	[sflag:s25] =	ssyncset.done $0x0  }
0x2d: {  	[sflag:s25] =	ssyncadd.s32 $0xFFFFE400  }
0x2e: {  	[spmem:s12] =	stream.linear.scatter [tilespmem:s24], [sflag:$0x2], $0x1C00, $0x38;
	[tilespmem:$0x1C5C0] =	vst v63  }
0x2f: {  	_ =	swait.ge [sflag:s25], $0x1C00  }
0x30: {  	[sflag:s25] =	ssyncset.done $0x0  }
0x31: {  	[sflag:s25] =	ssyncadd.s32 $0xFFFFE400  }
0x32: {  	[spmem:s13] =	stream.linear.scatter [tilespmem:s24], [sflag:$0x2], $0x1C00, $0x38;
	[tilespmem:$0x1C5C0] =	vst v63  }
0x33: {  	_ =	swait.ge [sflag:s25], $0x1C00  }
0x34: {  	[sflag:s25] =	ssyncset.done $0x0  }
0x35: {  	[sflag:s25] =	ssyncadd.s32 $0xFFFFE400  }
0x36: {  	[spmem:s14] =	stream.linear.scatter [tilespmem:s24], [sflag:$0x2], $0x1C00, $0x38;
	[tilespmem:$0x1C5C0] =	vst v63  }
0x37: {  	_ =	swait.ge [sflag:s25], $0x1C00  }
0x38: {  	[sflag:s25] =	ssyncset.done $0x0  }
0x39: {  	[sflag:s25] =	ssyncadd.s32 $0xFFFFE400  }
0x3a: {  	[spmem:s15] =	stream.linear.scatter [tilespmem:s24], [sflag:$0x2], $0x1C00, $0x38;
	[tilespmem:$0x1C5C0] =	vst v63  }
0x3b: {  	_ =	swait.ge [sflag:s25], $0x1C00  }
0x3c: {  	[sflag:s25] =	ssyncset.done $0x0  }
0x3d: {  	[sflag:s25] =	ssyncadd.s32 $0xFFFFE400  }
0x3e: {  	[spmem:s16] =	stream.linear.scatter [tilespmem:s24], [sflag:$0x2], $0x1C00, $0x38;
	[tilespmem:$0x1C5C0] =	vst v63  }
0x3f: {  	_ =	swait.ge [sflag:s25], $0x1C00  }
0x40: {  	[sflag:s25] =	ssyncset.done $0x0  }
0x41: {  	[sflag:s25] =	ssyncadd.s32 $0xFFFFE400  }
0x42: {  	[spmem:s17] =	stream.linear.scatter [tilespmem:s24], [sflag:$0x2], $0x1C00, $0x38;
	[tilespmem:$0x1C5C0] =	vst v63  }
0x43: {  	_ =	swait.ge [sflag:s25], $0x1C00  }
0x44: {  	[sflag:s25] =	ssyncset.done $0x0  }
0x45: {  	[sflag:s25] =	ssyncadd.s32 $0xFFFFE400  }
0x46: {  	[spmem:s18] =	stream.linear.scatter [tilespmem:s24], [sflag:$0x2], $0x1C00, $0x38;
	[tilespmem:$0x1C5C0] =	vst v63  }
0x47: {  	_ =	swait.ge [sflag:s25], $0x1C00  }
0x48: {  	[sflag:s25] =	ssyncset.done $0x0  }
0x49: {  	[sflag:s25] =	ssyncadd.s32 $0xFFFFE400  }
0x4a: {  	[spmem:s19] =	stream.linear.scatter [tilespmem:s24], [sflag:$0x2], $0x1C00, $0x38;
	[tilespmem:$0x1C5C0] =	vst v63  }
0x4b: {  	_ =	swait.ge [sflag:s25], $0x1C00  }
0x4c: {  	[sflag:s25] =	ssyncset.done $0x0  }
0x4d: {  	[sflag:s25] =	ssyncadd.s32 $0xFFFFE400  }
0x4e: {  	[spmem:s20] =	stream.linear.scatter [tilespmem:s24], [sflag:$0x2], $0x1C00, $0x38;
	[tilespmem:$0x1C5C0] =	vst v63  }
0x4f: {  	_ =	swait.ge [sflag:s25], $0x1C00  }
0x50: {  	[sflag:s25] =	ssyncset.done $0x0  }
0x51: {  	s5 =	simm.s32 @!p0 $0x1A9C0;
	s6 =	rddreg [dreg:$0x4];
	[sflag:s25] =	ssyncadd.s32 $0xFFFFE400  }
0x52: {  	[spmem:s6] =	stream.linear.scatter @!p0 [tilespmem:s5], [sflag:$0x2], $0x400, $0x38;
	[tilespmem:$0x1C5C0] =	vst v63  }
0x53: {  	s5 =	simm.s32 @!p0 $0x2  }
0x54: {  	_ =	swait.ge @!p0 [sflag:s5], $0x400  }
0x55: {  	[sflag:s5] =	ssyncset.done @!p0 $0x0  }
0x56: {  	[sflag:s5] =	ssyncadd.s32 @!p0 $0xFFFFFC00  }
0x57: {  	s6 =	sadd.s32 $0x0, s22;
	[bflag:$0x0] =	sbarrier.arrive $0xFFFF  }
0x58: {  	[tilespmem:s26], [sflag:$0x2] =	stream.linear.gather [hbm4b:s6+s2], $0x80, $0x38;
	[tilespmem:$0x1C5C0] =	vst v63  }
0x59: {  	_ =	swait.ge [sflag:s25], $0x80  }
0x5a: {  	[sflag:s25] =	ssyncset.done $0x0  }
0x5b: {  	s8 =	sadd.s32 $0x0, s21;
	[sflag:s25] =	ssyncadd.s32 $0xFFFFFF80  }
0x5c: {  	[tilespmem:s28], [sflag:$0x2] =	stream.linear.gather [hbm4b:s8+s2], $0x80, $0x38;
	[tilespmem:$0x1C5C0] =	vst v63  }
0x5d: {  	_ =	swait.ge [sflag:s25], $0x80  }
0x5e: {  	[sflag:s25] =	ssyncset.done $0x0  }
0x5f: {  	[sflag:s25] =	ssyncadd.s32 $0xFFFFFF80  }
0x60: {  	v1 =	vld [tilespmem:$0x18910]  }
0x61: {  	v2 =	vld [tilespmem:$0x188F0]  }
0x62: {  	v3 =	vld [tilespmem:$0x188E0]  }
0x63: {  	v4 =	vld [tilespmem:$0x188D0]  }
0x64: {  	v5 =	vld [tilespmem:$0x18900]  }
0x65: {  	v6 =	vld [tilespmem:$0x188C0];
	v1 =	vsub.s32 v1, v0  }
0x66: {  	v7 =	vld [tilespmem:$0x18920];
	v2 =	vsub.s32 v2, v0;
	v1 =	vmin.u32 v1, $0x6200  }
0x67: {  	v8 =	vld [tilespmem:$0x18930];
	v3 =	vsub.s32 v3, v0;
	v2 =	vmin.u32 v2, $0x6200;
	[tilespmem:$0x18990] =	vst v1  }
0x68: {  	v3 =	vmin.u32 v3, $0x6200;
	v1 =	vsub.s32 v4, v0;
	[tilespmem:$0x18970] =	vst v2  }
0x69: {  	[tilespmem:$0x18960] =	vst v3;
	v2 =	vsub.s32 v5, v0;
	v1 =	vmin.u32 v1, $0x6200  }
0x6a: {  	v3 =	vsub.s32 v6, v0;
	[tilespmem:$0x18950] =	vst v1;
	v1 =	vmin.u32 v2, $0x6200  }
0x6b: {  	v2 =	vmin.u32 v3, $0x6200;
	[tilespmem:$0x18980] =	vst v1;
	v1 =	vsub.s32 v7, v0  }
0x6c: {  	s5 =	simm.s32 $0x10;
	[tilespmem:$0x18940] =	vst v2;
	v2 =	vsub.s32 v8, v0;
	v1 =	vmin.u32 v1, $0x6200  }
.LBB2_2:
0x6d: {  	p1 =	sne.s32 s5, $0x1860;
	[tilespmem:$0x189A0] =	vst v1;
	v1 =	vmin.u32 v2, $0x6200;
	s6 =	smov.u32 s5;
	s5 =	sadd.s32 $0x10, s5  }
0x6e: {  	[tilespmem:$0x189B0] =	vst v1  }
0x6f: {  	[tilespmem:s30], [sflag:$0x1] =	stream.indirect.gather [hbm4b:s3+s29], $0x40, s26, s29, $0xb8;
	[tilespmem:$0x1C5C0] =	vst v63  }
0x70: {  	_ =	swait.ge [sflag:s31], $0x2000  }
0x71: {  	[sflag:s31] =	ssyncset.done $0x0  }
0x72: {  	[sflag:s31] =	ssyncadd.s32 $0xFFFFE000  }
0x73: {  	[spmem:s1] =	stream.indirect.scatter.add.f32 [tilespmem:s30], [sflag:$0x2], $0x40, s0, s29, $0xb8;
	[tilespmem:$0x1C5C0] =	vst v63  }
0x74: {  	s8 =	sadd.s32 s6, s22;
	_ =	swait.ge [sflag:s25], $0x2000  }
0x75: {  	[sflag:s25] =	ssyncset.done $0x0  }
0x76: {  	[sflag:s25] =	ssyncadd.s32 $0xFFFFE000  }
0x77: {  	[tilespmem:s26], [sflag:$0x2] =	stream.linear.gather [hbm4b:s8+s2], $0x80, $0x38;
	[tilespmem:$0x1C5C0] =	vst v63  }
0x78: {  	_ =	swait.ge [sflag:s25], $0x80  }
0x79: {  	[sflag:s25] =	ssyncset.done $0x0  }
0x7a: {  	s6 =	sadd.s32 s6, s21;
	[sflag:s25] =	ssyncadd.s32 $0xFFFFFF80  }
0x7b: {  	[tilespmem:s28], [sflag:$0x2] =	stream.linear.gather [hbm4b:s6+s2], $0x80, $0x38;
	[tilespmem:$0x1C5C0] =	vst v63  }
0x7c: {  	_ =	swait.ge [sflag:s25], $0x80  }
0x7d: {  	[sflag:s25] =	ssyncset.done $0x0  }
0x7e: {  	[sflag:s25] =	ssyncadd.s32 $0xFFFFFF80  }
0x7f: {  	v1 =	vld [tilespmem:$0x18910]  }
0x80: {  	v2 =	vld [tilespmem:$0x188F0]  }
0x81: {  	v3 =	vld [tilespmem:$0x188E0]  }
0x82: {  	v4 =	vld [tilespmem:$0x188D0]  }
0x83: {  	v5 =	vld [tilespmem:$0x18900]  }
0x84: {  	v6 =	vld [tilespmem:$0x188C0];
	v1 =	vsub.s32 v1, v0  }
0x85: {  	v2 =	vsub.s32 v2, v0;
	v1 =	vmin.u32 v1, $0x6200;
	v7 =	vld [tilespmem:$0x18920]  }
0x86: {  	v3 =	vsub.s32 v3, v0;
	v2 =	vmin.u32 v2, $0x6200;
	[tilespmem:$0x18990] =	vst v1;
	v8 =	vld [tilespmem:$0x18930]  }
.Ltmp0:
0x87: {  	v1 =	vsub.s32 v4, v0;
	v3 =	vmin.u32 v3, $0x6200;
	[tilespmem:$0x18970] =	vst v2;
	(pc) =	sbr.rel @p1 .LBB2_2-.Ltmp0, $4  }
0x88: {  	v1 =	vmin.u32 v1, $0x6200;
	[tilespmem:$0x18960] =	vst v3;
	v2 =	vsub.s32 v5, v0  }
0x89: {  	v3 =	vsub.s32 v6, v0;
	[tilespmem:$0x18950] =	vst v1;
	v1 =	vmin.u32 v2, $0x6200  }
0x8a: {  	v2 =	vmin.u32 v3, $0x6200;
	[tilespmem:$0x18980] =	vst v1;
	v1 =	vsub.s32 v7, v0  }
0x8b: {  	[tilespmem:$0x18940] =	vst v2;
	v1 =	vmin.u32 v1, $0x6200;
	v2 =	vsub.s32 v8, v0  }
0x8c: {  	[tilespmem:$0x189A0] =	vst v1;
	v1 =	vmin.u32 v2, $0x6200  }
0x8d: {  	[tilespmem:$0x189B0] =	vst v1  }
0x8e: {  	[tilespmem:s30], [sflag:$0x1] =	stream.indirect.gather [hbm4b:s3+s29], $0x40, s26, s29, $0xb8;
	[tilespmem:$0x1C5C0] =	vst v63  }
0x8f: {  	_ =	swait.ge [sflag:s31], $0x2000  }
0x90: {  	[sflag:s31] =	ssyncset.done $0x0  }
0x91: {  	[sflag:s31] =	ssyncadd.s32 $0xFFFFE000  }
0x92: {  	[spmem:s1] =	stream.indirect.scatter.add.f32 [tilespmem:s30], [sflag:$0x2], $0x40, s0, s29, $0xb8;
	[tilespmem:$0x1C5C0] =	vst v63  }
0x93: {  	_ =	swait.ge [sflag:s25], $0x2000  }
0x94: {  	[sflag:s25] =	ssyncset.done $0x0  }
0x95: {  	[sflag:s25] =	ssyncadd.s32 $0xFFFFE000  }
0x96: {  	[bflag:$0x0] =	sbarrier.arrive $0xFFFF  }
0x97: {  	[tilespmem:s24], [sflag:$0x2] =	stream.linear.gather [spmem:s7], $0x1C00, $0x38;
	[tilespmem:$0x1C5C0] =	vst v63  }
0x98: {  	_ =	swait.ge [sflag:s25], $0x1C00  }
0x99: {  	[sflag:s25] =	ssyncset.done $0x0  }
0x9a: {  	s5 =	sadd.s32 $0x0, s23;
	[sflag:s25] =	ssyncadd.s32 $0xFFFFE400  }
0x9b: {  	[hbm4b:s5+s2] =	stream.linear.scatter [tilespmem:s24], [sflag:$0x2], $0x1C00, $0x38;
	[tilespmem:$0x1C5C0] =	vst v63  }
0x9c: {  	_ =	swait.ge [sflag:s25], $0x1C00  }
0x9d: {  	s6 =	smov.u32 s7;
	s5 =	simm.s32 $0x380;
	[sflag:s25] =	ssyncset.done $0x0  }
.LBB2_4:
0x9e: {  	p1 =	sne.s32 s5, $0x2D80;
	[sflag:s25] =	ssyncadd.s32 $0xFFFFE400;
	s6 =	sadd.s32 $0x1C00, s6  }
0x9f: {  	[tilespmem:s24], [sflag:$0x2] =	stream.linear.gather [spmem:s6], $0x1C00, $0x38;
	[tilespmem:$0x1C5C0] =	vst v63  }
0xa0: {  	s8 =	smov.u32 s5;
	s5 =	sadd.s32 $0x380, s5;
	_ =	swait.ge [sflag:s25], $0x1C00  }
.Ltmp1:
0xa1: {  	[sflag:s25] =	ssyncset.done $0x0;
	(pc) =	sbr.rel @p1 .LBB2_4-.Ltmp1, $4  }
0xa2: {  	s8 =	sadd.s32 s8, s23;
	[sflag:s25] =	ssyncadd.s32 $0xFFFFE400  }
0xa3: {  	[hbm4b:s8+s2] =	stream.linear.scatter [tilespmem:s24], [sflag:$0x2], $0x1C00, $0x38;
	[tilespmem:$0x1C5C0] =	vst v63  }
0xa4: {  	_ =	swait.ge [sflag:s25], $0x1C00  }
0xa5: {  	[sflag:s25] =	ssyncset.done $0x0  }
0xa6: {  	s4 =	sadd.s32 $0x1, s4;
	s5 =	rddreg [dreg:$0x5]  }
0xa7: {  	p1 =	sne.s32 s4, s5  }
.Ltmp2:
0xa8: {  	_ = 	snop;
	(pc) =	sbr.rel @p1 .LBB2_1-.Ltmp2, $2  }
0xa9: {  	_ =	sdelay $0x2  }
0xaa: {  	[sflag:s25] =	ssyncadd.s32 $0xFFFFE400  }
0xab: {  	_ =	sfence.sel $0x180000  }
0xac: {  	[bflag:$0x0] =	sbarrier.arrive $0xFFFF  }
0xad: {  	_ =	strace $0x9000004A  }
0xae: {  	[bflag:$0x2] =	sbarrier.arrive $0xFFFF  }
0xaf: {  	s0 =	rddreg [dreg:$0x2]  }
0xb0: {  	s0 =	sadd.s32 @!p0 $0x100000, s0  }
0xb1: {  	[sflag:s0] =	ssyncadd.tile.s32 @!p0 $0x1;
	_ =	shalt  }
.Lfunc_end2:
_tile_overlayer_lowered:
.L_overlay_start_2:
0xb2: {  	(tag) =	ssettag $0x2  }
0xb3: {  	s0 =	rddreg [dreg:$0x0];
	s2 =	stileid.u32  }
0xb4: {  	s1 =	rddreg [dreg:$0x1];
	p0 =	sne.s32 s2, $0x0  }
0xb5: {  	s3 =	rddreg [dreg:$0x2];
	[bflag:$0x3] =	sbarrier.arrive $0xFFFF;
	s2 =	simm.s32 @!p0 $0x1C02  }
0xb6: {  	[timem:s3], [sflag:s2] =	dma.local @!p0 [hbm:s0], s1  }
0xb7: {  	s0 =	simm.s32 @!p0 $0x2  }
0xb8: {  	_ =	swait.ge @!p0 [sflag:s0], s1  }
0xb9: {  	s1 =	ssub.s32 @!p0 $0x0, s1;
	[sflag:s0] =	ssyncset.done @!p0 $0x0  }
0xba: {  	[sflag:s0] =	ssyncadd.s32 @!p0 s1  }
0xbb: {  	[bflag:$0x3] =	sbarrier.arrive $0xFFFF  }
0xbc: {  	_ =	shalt  }

// kernel: kernel.16.cloned.1.call-start
scs
__scs_entry_jumppad:
0x0: {  	(pc) =	sbr.rel $0x88, $3  }
0x1: {  	(tag) =	ssettag $0x0;
	lr =	simm.s32 $0x1  }
0x2: {  	[smem:$0x3F88] =	sst lr;
	_ =	strace $0xD0000000  }
0x3: {  	_ = 	snop  }
0x4: {  	_ = 	snop  }
0x5: {  	_ = 	snop  }
0x6: {  	_ = 	snop  }
0x7: {  	_ = 	snop  }
__scs_overlays_trampoline_lowered:
0x8: {  	[smem:$0x3F97] =	sst s0  }
0x9: {  	[smem:$0x3F98] =	sst s1  }
0xa: {  	[smem:$0x3F99] =	sst s2  }
0xb: {  	[smem:$0x3F9A] =	sst s3  }
0xc: {  	[smem:$0x3F9B] =	sst s4  }
0xd: {  	[smem:$0x3F9C] =	sst s5  }
0xe: {  	[smem:$0x3F9D] =	sst s6  }
0xf: {  	[smem:$0x3F9E] =	sst s7  }
0x10: {  	[smem:$0x3F9F] =	sst s8  }
0x11: {  	[smem:$0x3FA0] =	sst s9;
	s0 =	simm.s32 @!p0 $0x0  }
0x12: {  	s1 =	sld [smem:$0x3F86];
	s0 =	simm.s32 @p0 $0x1  }
0x13: {  	[smem:$0x3FA1] =	sst s0;
	s0 =	simm.s32 @!p1 $0x0  }
0x14: {  	s2 =	sld [smem:$0x3F85];
	s0 =	simm.s32 @p1 $0x1  }
0x15: {  	[smem:$0x3FA2] =	sst s0;
	s0 =	simm.s32 @!p2 $0x0  }
0x16: {  	s3 =	sld [smem:$0x3FDB];
	s0 =	simm.s32 @p2 $0x1  }
0x17: {  	s4 =	simm.s32 $0x1BF5;
	[smem:$0x3FA4] =	sst s0  }
0x18: {  	s0 =	sld [smem:$0x3F87];
	_ =	swait.ge [sflag:s4], $0x0  }
0x19: {  	s7 =	sld [smem:$0x3F88]  }
0x1a: {  	s8 =	sadd.s32 $0xFFFFE003, lr  }
0x1b: {  	s9 =	sadd.s32 $0xFFFFFEF7, lr;
	s5 =	simm.s32 $0xFFFFFFFF;
	p2 =	slt.u32 s8, $0xFFFFF086  }
0x1c: {  	p1 =	slt.u32 s9, $0xF7A;
	s5 =	simm.s32 @!p2 $0x0  }
0x1d: {  	s5 =	simm.s32 @p1 $0x1;
	p0 =	seq.s32 s7, s2  }
0x1e: {  	s7 =	smul.u32 @!p0 $0xF7A, s2;
	p2 =	seq.s32 @!p0 s5, $0x0  }
0x1f: {  	s9 =	smul.u32 $0xF7A, s1;
	s8 =	simm.s32 @!p0 $0x1BF5;
	p2 =	por !p2, p0  }
0x20: {  	[sflag:s8] =	ssyncset.s32 @!p0 $0xFFFFF086;
	s6 =	sadd.s32 @!p0 s3, s7;
	s7 =	simm.s32 @!p0 $0x108  }
0x21: {  	s3 =	sadd.s32 s3, s9;
	s6 =	sadd.s32 @!p0 $0x88, s6;
	s7 =	simm.s32 @p2 $0x1082  }
0x22: {  	[simem:s7], [sflag:s8] =	dma.local @!p0 [hbm:s6], $0xF7A  }
0x23: {  	s9 =	sor.u32 $0xD0000000, s2;
	s6 =	simm.s32 $0x108;
	_ =	swait.ge @!p0 [sflag:s8], $0x0  }
0x24: {  	s3 =	sadd.s32 $0x88, s3;
	s6 =	simm.s32 @!p1 $0x1082;
	[sflag:s4] =	ssyncset.s32 $0xFFFFF086  }
0x25: {  	[simem:s6], [sflag:s4] =	dma.local [hbm:s3], $0xF7A  }
0x26: {  	[smem:$0x3F88] =	sst s1;
	(tag) =	ssettag s2;
	_ =	strace s9  }
0x27: {  	s1 =	sld [smem:$0x3F98]  }
0x28: {  	s2 =	sld [smem:$0x3F99]  }
0x29: {  	s4 =	sld [smem:$0x3F9B]  }
0x2a: {  	p0 =	seq.s32 s5, $0x0;
	s5 =	sld [smem:$0x3F9C]  }
0x2b: {  	s6 =	sld [smem:$0x3F9D]  }
0x2c: {  	s7 =	sld [smem:$0x3F9E]  }
0x2d: {  	s3 =	simm.s32 $0x108;
	s8 =	sld [smem:$0x3F9F]  }
0x2e: {  	s3 =	simm.s32 @!p0 $0x1082;
	s9 =	sld [smem:$0x3FA0]  }
0x2f: {  	lr =	sadd.s32 s0, s3;
	s0 =	sld [smem:$0x3F97]  }
0x30: {  	s3 =	sld [smem:$0x3F9A]  }
0x31: {  	[smem:$0x3FA3] =	sst s10  }
0x32: {  	s10 =	sld [smem:$0x3FA1];
	_ =	sdelay $0x3  }
0x33: {  	p0 =	seq.s32 s10, $0x1;
	s10 =	sld [smem:$0x3FA3];
	_ =	sdelay $0x3  }
0x34: {  	[smem:$0x3FA3] =	sst s10  }
0x35: {  	s10 =	sld [smem:$0x3FA2];
	_ =	sdelay $0x3  }
0x36: {  	p1 =	seq.s32 s10, $0x1;
	s10 =	sld [smem:$0x3FA3];
	_ =	sdelay $0x3  }
0x37: {  	[smem:$0x3FA3] =	sst s10  }
0x38: {  	s10 =	sld [smem:$0x3FA4]  }
0x39: {  	_ = 	snop;
	(pc) =	sbr.ind lr, $3  }
0x3a: {  	_ = 	snop  }
0x3b: {  	_ = 	snop  }
0x3c: {  	p2 =	seq.s32 s10, $0x1;
	s10 =	sld [smem:$0x3FA3]  }
0x3d: {  	_ =	shalt  }
0x3e: {  	_ =	shalt  }
0x3f: {  	_ =	shalt  }
0x40: {  	_ =	shalt  }
0x41: {  	_ =	shalt  }
0x42: {  	_ =	shalt  }
0x43: {  	_ =	shalt  }
0x44: {  	_ =	shalt  }
0x45: {  	_ =	shalt  }
0x46: {  	_ =	shalt  }
0x47: {  	_ =	shalt  }
0x48: {  	_ =	shalt  }
0x49: {  	_ =	shalt  }
0x4a: {  	_ =	shalt  }
0x4b: {  	_ =	shalt  }
0x4c: {  	_ =	shalt  }
0x4d: {  	_ =	shalt  }
0x4e: {  	_ =	shalt  }
0x4f: {  	_ =	shalt  }
0x50: {  	_ =	shalt  }
0x51: {  	_ =	shalt  }
0x52: {  	_ =	shalt  }
0x53: {  	_ =	shalt  }
0x54: {  	_ =	shalt  }
0x55: {  	_ =	shalt  }
0x56: {  	_ =	shalt  }
0x57: {  	_ =	shalt  }
0x58: {  	_ =	shalt  }
0x59: {  	_ =	shalt  }
0x5a: {  	_ =	shalt  }
0x5b: {  	_ =	shalt  }
0x5c: {  	_ =	shalt  }
0x5d: {  	_ =	shalt  }
0x5e: {  	_ =	shalt  }
0x5f: {  	_ =	shalt  }
0x60: {  	_ =	shalt  }
0x61: {  	_ =	shalt  }
0x62: {  	_ =	shalt  }
0x63: {  	_ =	shalt  }
0x64: {  	_ =	shalt  }
0x65: {  	_ =	shalt  }
0x66: {  	_ =	shalt  }
0x67: {  	_ =	shalt  }
0x68: {  	_ =	shalt  }
0x69: {  	_ =	shalt  }
0x6a: {  	_ =	shalt  }
0x6b: {  	_ =	shalt  }
0x6c: {  	_ =	shalt  }
0x6d: {  	_ =	shalt  }
0x6e: {  	_ =	shalt  }
0x6f: {  	_ =	shalt  }
0x70: {  	_ =	shalt  }
0x71: {  	_ =	shalt  }
0x72: {  	_ =	shalt  }
0x73: {  	_ =	shalt  }
0x74: {  	_ =	shalt  }
0x75: {  	_ =	shalt  }
0x76: {  	_ =	shalt  }
0x77: {  	_ =	shalt  }
0x78: {  	_ =	shalt  }
0x79: {  	_ =	shalt  }
0x7a: {  	_ =	shalt  }
0x7b: {  	_ =	shalt  }
0x7c: {  	_ =	shalt  }
0x7d: {  	_ =	shalt  }
0x7e: {  	_ =	shalt  }
0x7f: {  	_ =	shalt  }
0x80: {  	_ =	shalt  }
0x81: {  	_ =	shalt  }
0x82: {  	_ =	shalt  }
0x83: {  	_ =	shalt  }
0x84: {  	_ =	shalt  }
0x85: {  	_ =	shalt  }
0x86: {  	_ =	shalt  }
0x87: {  	_ =	shalt  }
.Lfunc_end0:
.L_simem_size_0:
called_computation.2_lowered:
.L_overlay_start_0:
0x88: {  	s2 =	sld [smem:$0x3FD9]  }
0x89: {  	s3 =	sld [smem:$0x3FFE];
	_ =	sdelay $0x1  }
0x8a: {  	s1 =	srdreg.scid  }
0x8b: {  	s0 =	sand.u32 $0x1, s1  }
0x8c: {  	s16 =	sshll.u32 s0, $0xA;
	s2 =	sadd.s32 s3, s2  }
0x8d: {  	s2 =	sadd.s32 s2, s16  }
0x8e: {  	[smem:$0x3FAF] =	sst s2  }
0x8f: {  	_ = 	snop  }
0x90: {  	(tm) =	ssettm $0x1  }
0x91: {  	s17 =	sld [smem:$0x3FFB];
	_ =	sdelay $0x3  }
0x92: {  	_ =	strace s17  }
0x93: {  	s2 =	sld [smem:$0x3FFC];
	_ =	sdelay $0x3  }
0x94: {  	_ =	strace s2  }
0x95: {  	s2 =	sld [smem:$0x3FFD];
	_ =	sdelay $0x3  }
0x96: {  	_ =	strace s2  }
0x97: {  	_ =	strace $0x8FFFFFFF  }
0x98: {  	s18 =	sld [smem:$0x3FDB];
	_ =	sdelay $0x1  }
0x99: {  	s19 =	simm.s32 $_scs_section_size  }
0x9a: {  	s4 =	simm.s32 $_size__tile_overlayer_lowered;
	s5 =	simm.s32 $_tile_overlayer_lowered  }
0x9b: {  	s22 =	simm.s32 $0x1BFF;
	s21 =	sshll.u32 s5, $0x1;
	s2 =	sadd.s32 s19, s18  }
0x9c: {  	s6 =	simm.s32 $0x0;
	s20 =	sshll.u32 s4, $0x1;
	s4 =	sadd.s32 s21, s2  }
0x9d: {  	[timem:s6], [sflag:s22] =	dma.local [hbm:s4], s20  }
0x9e: {  	_ =	swait.ge [sflag:s22], s20  }
0x9f: {  	s3 =	ssub.s32 $0x0, s20;
	[sflag:s22] =	ssyncset.done $0x0  }
0xa0: {  	[sflag:s22] =	ssyncadd.s32 s3;
	_ =	sdelay $0x1  }
0xa1: {  	s23 =	simm.s32 $0x1B8B  }
0xa2: {  	_ =	swait.ge [sflag:s23], $0x1  }
0xa3: {  	[sflag:s23] =	ssyncset.done $0x0  }
0xa4: {  	s25 =	simm.s32 $0x1B8E;
	s24 =	sld [smem:$0x3FFE];
	[sflag:s23] =	ssyncadd.s32 $0xFFFFFFFF  }
0xa5: {  	s26 =	simm.s32 $execute0_lowered;
	[smem:$0x3FD2] =	sst s25  }
0xa6: {  	s4 =	sshll.u32 s26, $0x1;
	_ =	strace $0x8000004C;
	[dreg:$0x1] =	wrdreg $0xFFFFFFFF  }
0xa7: {  	s28 =	simm.s32 $_size_execute0_lowered;
	s2 =	sadd.s32 s2, s4;
	[dreg:$0x0] =	wrdreg $0x0  }
0xa8: {  	s4 =	sshll.u32 s28, $0x1;
	[dreg:$0x2] =	wrdreg s2  }
0xa9: {  	[dreg:$0x3] =	wrdreg s4  }
0xaa: {  	[dreg:$0x4] =	wrdreg $0xC0  }
0xab: {  	_ =	task [dreg:s6], $0x5FFFF  }
0xac: {  	[dreg:$0x1] =	wrdreg $0xFFFFFFFF  }
0xad: {  	[dreg:$0x0] =	wrdreg $0x60  }
0xae: {  	[dreg:$0x2] =	wrdreg s24  }
0xaf: {  	[dreg:$0x3] =	wrdreg $0x0  }
0xb0: {  	[dreg:$0x4] =	wrdreg $0x9  }
0xb1: {  	_ =	task.clear_ibuf [dreg:s6], $0x5FFFF;
	_ =	strace $0x9000004C  }
0xb2: {  	s29 =	simm.s32 $0x9;
	_ =	strace $0x8000004E  }
0xb3: {  	_ =	swait.ge [sflag:s29], $0x1  }
0xb4: {  	[sflag:s29] =	ssyncadd.s32 $0xFFFFFFFF  }
0xb5: {  	_ =	strace $0x9000004E  }
0xb6: {  	_ =	sfence  }
0xb7: {  	s30 =	sld [smem:$0x0];
	_ =	sdelay $0x2  }
0xb8: {  	s31 =	sshll.u32 s1, $0xD;
	s1 =	sshrl.u32 s1, $0x2  }
0xb9: {  	s3 =	sand.u32 $0x4000, s31;
	s1 =	sadd.s32 s1, s30  }
0xba: {  	s0 =	sor.u32 s3, s0;
	s1 =	sshll.u32 s1, $0x11  }
0xbb: {  	s0 =	sor.u32 s1, s0  }
0xbc: {  	s0 =	sadd.s32 $0x8F2B, s0  }
0xbd: {  	[sflag:s0] =	ssyncadd.remote.s32 $0x1  }
0xbe: {  	_ =	sfence.sel $0xFFFF  }
0xbf: {  	[dreg:$0x0] =	wrdreg $0xFFFFFFFF;
	(pc) =	sbr.abs _section_cstart, $3  }
0xc0: {  	[dreg:$0x1] =	wrdreg $0xFFFFFFFF  }
0xc1: {  	_ =	task.clear_ibuf [dreg:s6], $0x2FFFF;
	_ =	strace $0x9FFFFFFF  }
0xc2: {  	(tm) =	ssettm $0x7FFFFFFF  }
0xc3: {  	_ =	shalt  }
tec
execute0_lowered:
.L_overlay_start_1:
0x0: {  	(tag) =	ssettag $0x1  }
0x1: {  	s0 =	rddreg [dreg:$0x0]  }
0x2: {  	s1 =	rddreg [dreg:$0x1];
	s2 =	simm.s32 $0x0;
	s4 =	stileid.u32  }
0x3: {  	s3 =	srdreg.scid;
	s28 =	simm.s32 $0x188C0;
	s29 =	simm.s32 $0x80  }
0x4: {  	s30 =	simm.s32 $0x189C0;
	s31 =	simm.s32 $0x1;
	[smem:$0x7FF] =	sst s2  }
0x5: {  	s5 =	smul.u32 $0x1870, s4;
	s6 =	sand.u32 $0x1, s3;
	s3 =	sadd.s32 $0x208E00, s0  }
0x6: {  	s8 =	smul.u32 $0x62000, s4;
	s9 =	sadd.s32 $0x11EC00, s0;
	s24 =	sadd.s32 $0x188000, s1  }
0x7: {  	s21 =	smul.u32 $0x3100, s4;
	p0 =	sne.s32 s4, $0x0;
	s4 =	simm.s32 $0x0  }
0x8: {  	_ =	strace $0x8000004D;
	s7 =	smul.u32 $0x31000, s6;
	[dreg:$0x3] =	wrdreg s9  }
0x9: {  	s22 =	ssub.s32 $0x2, s6;
	[dreg:$0x4] =	wrdreg s24;
	s6 =	smul.u32 $0x6200, s6  }
0xa: {  	s24 =	simm.s32 $0x1A9C0;
	s5 =	sadd.s32 s5, s0;
	s23 =	sshrl.u32 s22, $0x1  }
0xb: {  	s8 =	sshrl.u32 s8, $0x2;
	s0 =	sadd.s32 s7, s0;
	s9 =	ssub.s32 s22, s23  }
0xc: {  	s7 =	sadd.s32 s8, s1;
	s22 =	sadd.s32 $0x3C00, s5;
	s25 =	smax.u32 s9, $0x1  }
0xd: {  	s26 =	sadd.s32 $0x1C00, s7;
	s9 =	sadd.s32 $0x3800, s7;
	s10 =	sadd.s32 $0x5400, s7  }
0xe: {  	s11 =	sadd.s32 $0x7000, s7;
	s12 =	sadd.s32 $0x8C00, s7;
	s13 =	sadd.s32 $0xA800, s7  }
0xf: {  	s14 =	sadd.s32 $0xC400, s7;
	s15 =	sadd.s32 $0xE000, s7;
	s16 =	sadd.s32 $0xFC00, s7  }
0x10: {  	s17 =	sadd.s32 $0x11800, s7;
	s18 =	sadd.s32 $0x13400, s7;
	s19 =	sadd.s32 $0x15000, s7  }
0x11: {  	s20 =	sadd.s32 $0x16C00, s7;
	s0 =	sadd.s32 s21, s0;
	[dreg:$0x5] =	wrdreg s25  }
0x12: {  	s21 =	sadd.s32 $0x106400, s5;
	[dreg:$0x6] =	wrdreg s26;
	s23 =	sadd.s32 $0x270E00, s0  }
0x13: {  	v0 =	vmov s6;
	s25 =	simm.s32 $0x2;
	s26 =	simm.s32 $0x18840;
	s0 =	simm.s32 $0x18940  }
.LBB2_1:
0x14: {  	s5 =	rddreg [dreg:$0x3]  }
0x15: {  	[tilespmem:s24], [sflag:$0x2] =	stream.linear.gather [hbm4b:s5+s2], $0x1C00, $0x38;
	[tilespmem:$0x1C5C0] =	vst v63  }
0x16: {  	_ =	swait.ge [sflag:s25], $0x1C00  }
0x17: {  	[sflag:s25] =	ssyncset.done $0x0  }
0x18: {  	[sflag:s25] =	ssyncadd.s32 $0xFFFFE400  }
0x19: {  	[spmem:s7] =	stream.linear.scatter [tilespmem:s24], [sflag:$0x2], $0x1C00, $0x38;
	[tilespmem:$0x1C5C0] =	vst v63  }
0x1a: {  	_ =	swait.ge [sflag:s25], $0x1C00  }
0x1b: {  	[sflag:s25] =	ssyncset.done $0x0  }
0x1c: {  	s8 =	rddreg [dreg:$0x6];
	[sflag:s25] =	ssyncadd.s32 $0xFFFFE400  }
0x1d: {  	[spmem:s8] =	stream.linear.scatter [tilespmem:s24], [sflag:$0x2], $0x1C00, $0x38;
	[tilespmem:$0x1C5C0] =	vst v63  }
0x1e: {  	_ =	swait.ge [sflag:s25], $0x1C00  }
0x1f: {  	[sflag:s25] =	ssyncset.done $0x0  }
0x20: {  	[sflag:s25] =	ssyncadd.s32 $0xFFFFE400  }
0x21: {  	[spmem:s9] =	stream.linear.scatter [tilespmem:s24], [sflag:$0x2], $0x1C00, $0x38;
	[tilespmem:$0x1C5C0] =	vst v63  }
0x22: {  	_ =	swait.ge [sflag:s25], $0x1C00  }
0x23: {  	[sflag:s25] =	ssyncset.done $0x0  }
0x24: {  	[sflag:s25] =	ssyncadd.s32 $0xFFFFE400  }
0x25: {  	[spmem:s10] =	stream.linear.scatter [tilespmem:s24], [sflag:$0x2], $0x1C00, $0x38;
	[tilespmem:$0x1C5C0] =	vst v63  }
0x26: {  	_ =	swait.ge [sflag:s25], $0x1C00  }
0x27: {  	[sflag:s25] =	ssyncset.done $0x0  }
0x28: {  	[sflag:s25] =	ssyncadd.s32 $0xFFFFE400  }
0x29: {  	[spmem:s11] =	stream.linear.scatter [tilespmem:s24], [sflag:$0x2], $0x1C00, $0x38;
	[tilespmem:$0x1C5C0] =	vst v63  }
0x2a: {  	_ =	swait.ge [sflag:s25], $0x1C00  }
0x2b: {  	[sflag:s25] =	ssyncset.done $0x0  }
0x2c: {  	[sflag:s25] =	ssyncadd.s32 $0xFFFFE400  }
0x2d: {  	[spmem:s12] =	stream.linear.scatter [tilespmem:s24], [sflag:$0x2], $0x1C00, $0x38;
	[tilespmem:$0x1C5C0] =	vst v63  }
0x2e: {  	_ =	swait.ge [sflag:s25], $0x1C00  }
0x2f: {  	[sflag:s25] =	ssyncset.done $0x0  }
0x30: {  	[sflag:s25] =	ssyncadd.s32 $0xFFFFE400  }
0x31: {  	[spmem:s13] =	stream.linear.scatter [tilespmem:s24], [sflag:$0x2], $0x1C00, $0x38;
	[tilespmem:$0x1C5C0] =	vst v63  }
0x32: {  	_ =	swait.ge [sflag:s25], $0x1C00  }
0x33: {  	[sflag:s25] =	ssyncset.done $0x0  }
0x34: {  	[sflag:s25] =	ssyncadd.s32 $0xFFFFE400  }
0x35: {  	[spmem:s14] =	stream.linear.scatter [tilespmem:s24], [sflag:$0x2], $0x1C00, $0x38;
	[tilespmem:$0x1C5C0] =	vst v63  }
0x36: {  	_ =	swait.ge [sflag:s25], $0x1C00  }
0x37: {  	[sflag:s25] =	ssyncset.done $0x0  }
0x38: {  	[sflag:s25] =	ssyncadd.s32 $0xFFFFE400  }
0x39: {  	[spmem:s15] =	stream.linear.scatter [tilespmem:s24], [sflag:$0x2], $0x1C00, $0x38;
	[tilespmem:$0x1C5C0] =	vst v63  }
0x3a: {  	_ =	swait.ge [sflag:s25], $0x1C00  }
0x3b: {  	[sflag:s25] =	ssyncset.done $0x0  }
0x3c: {  	[sflag:s25] =	ssyncadd.s32 $0xFFFFE400  }
0x3d: {  	[spmem:s16] =	stream.linear.scatter [tilespmem:s24], [sflag:$0x2], $0x1C00, $0x38;
	[tilespmem:$0x1C5C0] =	vst v63  }
0x3e: {  	_ =	swait.ge [sflag:s25], $0x1C00  }
0x3f: {  	[sflag:s25] =	ssyncset.done $0x0  }
0x40: {  	[sflag:s25] =	ssyncadd.s32 $0xFFFFE400  }
0x41: {  	[spmem:s17] =	stream.linear.scatter [tilespmem:s24], [sflag:$0x2], $0x1C00, $0x38;
	[tilespmem:$0x1C5C0] =	vst v63  }
0x42: {  	_ =	swait.ge [sflag:s25], $0x1C00  }
0x43: {  	[sflag:s25] =	ssyncset.done $0x0  }
0x44: {  	[sflag:s25] =	ssyncadd.s32 $0xFFFFE400  }
0x45: {  	[spmem:s18] =	stream.linear.scatter [tilespmem:s24], [sflag:$0x2], $0x1C00, $0x38;
	[tilespmem:$0x1C5C0] =	vst v63  }
0x46: {  	_ =	swait.ge [sflag:s25], $0x1C00  }
0x47: {  	[sflag:s25] =	ssyncset.done $0x0  }
0x48: {  	[sflag:s25] =	ssyncadd.s32 $0xFFFFE400  }
0x49: {  	[spmem:s19] =	stream.linear.scatter [tilespmem:s24], [sflag:$0x2], $0x1C00, $0x38;
	[tilespmem:$0x1C5C0] =	vst v63  }
0x4a: {  	_ =	swait.ge [sflag:s25], $0x1C00  }
0x4b: {  	[sflag:s25] =	ssyncset.done $0x0  }
0x4c: {  	[sflag:s25] =	ssyncadd.s32 $0xFFFFE400  }
0x4d: {  	[spmem:s20] =	stream.linear.scatter [tilespmem:s24], [sflag:$0x2], $0x1C00, $0x38;
	[tilespmem:$0x1C5C0] =	vst v63  }
0x4e: {  	_ =	swait.ge [sflag:s25], $0x1C00  }
0x4f: {  	[sflag:s25] =	ssyncset.done $0x0  }
0x50: {  	s5 =	simm.s32 @!p0 $0x1A9C0;
	s6 =	rddreg [dreg:$0x4];
	[sflag:s25] =	ssyncadd.s32 $0xFFFFE400  }
0x51: {  	[spmem:s6] =	stream.linear.scatter @!p0 [tilespmem:s5], [sflag:$0x2], $0x400, $0x38;
	[tilespmem:$0x1C5C0] =	vst v63  }
0x52: {  	s5 =	simm.s32 @!p0 $0x2  }
0x53: {  	_ =	swait.ge @!p0 [sflag:s5], $0x400  }
0x54: {  	[sflag:s5] =	ssyncset.done @!p0 $0x0  }
0x55: {  	[sflag:s5] =	ssyncadd.s32 @!p0 $0xFFFFFC00  }
0x56: {  	s6 =	sadd.s32 $0x0, s22;
	[bflag:$0x0] =	sbarrier.arrive $0xFFFF  }
0x57: {  	[tilespmem:s26], [sflag:$0x2] =	stream.linear.gather [hbm4b:s6+s2], $0x80, $0x38;
	[tilespmem:$0x1C5C0] =	vst v63  }
0x58: {  	_ =	swait.ge [sflag:s25], $0x80  }
0x59: {  	[sflag:s25] =	ssyncset.done $0x0  }
0x5a: {  	s8 =	sadd.s32 $0x0, s21;
	[sflag:s25] =	ssyncadd.s32 $0xFFFFFF80  }
0x5b: {  	[tilespmem:s28], [sflag:$0x2] =	stream.linear.gather [hbm4b:s8+s2], $0x80, $0x38;
	[tilespmem:$0x1C5C0] =	vst v63  }
0x5c: {  	_ =	swait.ge [sflag:s25], $0x80  }
0x5d: {  	[sflag:s25] =	ssyncset.done $0x0  }
0x5e: {  	[sflag:s25] =	ssyncadd.s32 $0xFFFFFF80  }
0x5f: {  	v1 =	vld [tilespmem:$0x18910]  }
0x60: {  	v2 =	vld [tilespmem:$0x188F0]  }
0x61: {  	v3 =	vld [tilespmem:$0x188E0]  }
0x62: {  	v4 =	vld [tilespmem:$0x188D0]  }
0x63: {  	v5 =	vld [tilespmem:$0x18900]  }
0x64: {  	v6 =	vld [tilespmem:$0x188C0];
	v1 =	vsub.s32 v1, v0  }
0x65: {  	v7 =	vld [tilespmem:$0x18920];
	v2 =	vsub.s32 v2, v0;
	v1 =	vmin.u32 v1, $0x6200  }
0x66: {  	v8 =	vld [tilespmem:$0x18930];
	v3 =	vsub.s32 v3, v0;
	v2 =	vmin.u32 v2, $0x6200;
	[tilespmem:$0x18990] =	vst v1  }
0x67: {  	v3 =	vmin.u32 v3, $0x6200;
	v1 =	vsub.s32 v4, v0;
	[tilespmem:$0x18970] =	vst v2  }
0x68: {  	[tilespmem:$0x18960] =	vst v3;
	v2 =	vsub.s32 v5, v0;
	v1 =	vmin.u32 v1, $0x6200  }
0x69: {  	v3 =	vsub.s32 v6, v0;
	[tilespmem:$0x18950] =	vst v1;
	v1 =	vmin.u32 v2, $0x6200  }
0x6a: {  	v2 =	vmin.u32 v3, $0x6200;
	[tilespmem:$0x18980] =	vst v1;
	v1 =	vsub.s32 v7, v0  }
0x6b: {  	s5 =	simm.s32 $0x10;
	[tilespmem:$0x18940] =	vst v2;
	v2 =	vsub.s32 v8, v0;
	v1 =	vmin.u32 v1, $0x6200  }
.LBB2_2:
0x6c: {  	p1 =	sne.s32 s5, $0x1860;
	[tilespmem:$0x189A0] =	vst v1;
	v1 =	vmin.u32 v2, $0x6200;
	s6 =	smov.u32 s5;
	s5 =	sadd.s32 $0x10, s5  }
0x6d: {  	[tilespmem:$0x189B0] =	vst v1  }
0x6e: {  	[tilespmem:s30], [sflag:$0x1] =	stream.indirect.gather [hbm4b:s3+s29], $0x40, s26, s29, $0xb8;
	[tilespmem:$0x1C5C0] =	vst v63  }
0x6f: {  	_ =	swait.ge [sflag:s31], $0x2000  }
0x70: {  	[sflag:s31] =	ssyncset.done $0x0  }
0x71: {  	[sflag:s31] =	ssyncadd.s32 $0xFFFFE000  }
0x72: {  	[spmem:s1] =	stream.indirect.scatter.add.f32 [tilespmem:s30], [sflag:$0x2], $0x40, s0, s29, $0xb8;
	[tilespmem:$0x1C5C0] =	vst v63  }
0x73: {  	s8 =	sadd.s32 s6, s22;
	_ =	swait.ge [sflag:s25], $0x2000  }
0x74: {  	[sflag:s25] =	ssyncset.done $0x0  }
0x75: {  	[sflag:s25] =	ssyncadd.s32 $0xFFFFE000  }
0x76: {  	[tilespmem:s26], [sflag:$0x2] =	stream.linear.gather [hbm4b:s8+s2], $0x80, $0x38;
	[tilespmem:$0x1C5C0] =	vst v63  }
0x77: {  	_ =	swait.ge [sflag:s25], $0x80  }
0x78: {  	[sflag:s25] =	ssyncset.done $0x0  }
0x79: {  	s6 =	sadd.s32 s6, s21;
	[sflag:s25] =	ssyncadd.s32 $0xFFFFFF80  }
0x7a: {  	[tilespmem:s28], [sflag:$0x2] =	stream.linear.gather [hbm4b:s6+s2], $0x80, $0x38;
	[tilespmem:$0x1C5C0] =	vst v63  }
0x7b: {  	_ =	swait.ge [sflag:s25], $0x80  }
0x7c: {  	[sflag:s25] =	ssyncset.done $0x0  }
0x7d: {  	[sflag:s25] =	ssyncadd.s32 $0xFFFFFF80  }
0x7e: {  	v1 =	vld [tilespmem:$0x18910]  }
0x7f: {  	v2 =	vld [tilespmem:$0x188F0]  }
0x80: {  	v3 =	vld [tilespmem:$0x188E0]  }
0x81: {  	v4 =	vld [tilespmem:$0x188D0]  }
0x82: {  	v5 =	vld [tilespmem:$0x18900]  }
0x83: {  	v6 =	vld [tilespmem:$0x188C0];
	v1 =	vsub.s32 v1, v0  }
0x84: {  	v2 =	vsub.s32 v2, v0;
	v1 =	vmin.u32 v1, $0x6200;
	v7 =	vld [tilespmem:$0x18920]  }
0x85: {  	v3 =	vsub.s32 v3, v0;
	v2 =	vmin.u32 v2, $0x6200;
	[tilespmem:$0x18990] =	vst v1;
	v8 =	vld [tilespmem:$0x18930]  }
.Ltmp0:
0x86: {  	v1 =	vsub.s32 v4, v0;
	v3 =	vmin.u32 v3, $0x6200;
	[tilespmem:$0x18970] =	vst v2;
	(pc) =	sbr.rel @p1 .LBB2_2-.Ltmp0, $4  }
0x87: {  	v1 =	vmin.u32 v1, $0x6200;
	[tilespmem:$0x18960] =	vst v3;
	v2 =	vsub.s32 v5, v0  }
0x88: {  	v3 =	vsub.s32 v6, v0;
	[tilespmem:$0x18950] =	vst v1;
	v1 =	vmin.u32 v2, $0x6200  }
0x89: {  	v2 =	vmin.u32 v3, $0x6200;
	[tilespmem:$0x18980] =	vst v1;
	v1 =	vsub.s32 v7, v0  }
0x8a: {  	[tilespmem:$0x18940] =	vst v2;
	v1 =	vmin.u32 v1, $0x6200;
	v2 =	vsub.s32 v8, v0  }
0x8b: {  	[tilespmem:$0x189A0] =	vst v1;
	v1 =	vmin.u32 v2, $0x6200  }
0x8c: {  	[tilespmem:$0x189B0] =	vst v1  }
0x8d: {  	[tilespmem:s30], [sflag:$0x1] =	stream.indirect.gather [hbm4b:s3+s29], $0x40, s26, s29, $0xb8;
	[tilespmem:$0x1C5C0] =	vst v63  }
0x8e: {  	_ =	swait.ge [sflag:s31], $0x2000  }
0x8f: {  	[sflag:s31] =	ssyncset.done $0x0  }
0x90: {  	[sflag:s31] =	ssyncadd.s32 $0xFFFFE000  }
0x91: {  	[spmem:s1] =	stream.indirect.scatter.add.f32 [tilespmem:s30], [sflag:$0x2], $0x40, s0, s29, $0xb8;
	[tilespmem:$0x1C5C0] =	vst v63  }
0x92: {  	_ =	swait.ge [sflag:s25], $0x2000  }
0x93: {  	[sflag:s25] =	ssyncset.done $0x0  }
0x94: {  	[sflag:s25] =	ssyncadd.s32 $0xFFFFE000  }
0x95: {  	[bflag:$0x0] =	sbarrier.arrive $0xFFFF  }
0x96: {  	[tilespmem:s24], [sflag:$0x2] =	stream.linear.gather [spmem:s7], $0x1C00, $0x38;
	[tilespmem:$0x1C5C0] =	vst v63  }
0x97: {  	_ =	swait.ge [sflag:s25], $0x1C00  }
0x98: {  	[sflag:s25] =	ssyncset.done $0x0  }
0x99: {  	s5 =	sadd.s32 $0x0, s23;
	[sflag:s25] =	ssyncadd.s32 $0xFFFFE400  }
0x9a: {  	[hbm4b:s5+s2] =	stream.linear.scatter [tilespmem:s24], [sflag:$0x2], $0x1C00, $0x38;
	[tilespmem:$0x1C5C0] =	vst v63  }
0x9b: {  	_ =	swait.ge [sflag:s25], $0x1C00  }
0x9c: {  	s6 =	smov.u32 s7;
	s5 =	simm.s32 $0x380;
	[sflag:s25] =	ssyncset.done $0x0  }
.LBB2_4:
0x9d: {  	p1 =	sne.s32 s5, $0x2D80;
	[sflag:s25] =	ssyncadd.s32 $0xFFFFE400;
	s6 =	sadd.s32 $0x1C00, s6  }
0x9e: {  	[tilespmem:s24], [sflag:$0x2] =	stream.linear.gather [spmem:s6], $0x1C00, $0x38;
	[tilespmem:$0x1C5C0] =	vst v63  }
0x9f: {  	s8 =	smov.u32 s5;
	s5 =	sadd.s32 $0x380, s5;
	_ =	swait.ge [sflag:s25], $0x1C00  }
.Ltmp1:
0xa0: {  	[sflag:s25] =	ssyncset.done $0x0;
	(pc) =	sbr.rel @p1 .LBB2_4-.Ltmp1, $4  }
0xa1: {  	s8 =	sadd.s32 s8, s23;
	[sflag:s25] =	ssyncadd.s32 $0xFFFFE400  }
0xa2: {  	[hbm4b:s8+s2] =	stream.linear.scatter [tilespmem:s24], [sflag:$0x2], $0x1C00, $0x38;
	[tilespmem:$0x1C5C0] =	vst v63  }
0xa3: {  	_ =	swait.ge [sflag:s25], $0x1C00  }
0xa4: {  	[sflag:s25] =	ssyncset.done $0x0  }
0xa5: {  	s4 =	sadd.s32 $0x1, s4;
	s5 =	rddreg [dreg:$0x5]  }
0xa6: {  	p1 =	sne.s32 s4, s5  }
.Ltmp2:
0xa7: {  	_ = 	snop;
	(pc) =	sbr.rel @p1 .LBB2_1-.Ltmp2, $2  }
0xa8: {  	_ =	sdelay $0x2  }
0xa9: {  	[sflag:s25] =	ssyncadd.s32 $0xFFFFE400  }
0xaa: {  	_ =	sfence.sel $0x180000  }
0xab: {  	[bflag:$0x0] =	sbarrier.arrive $0xFFFF  }
0xac: {  	_ =	strace $0x9000004D  }
0xad: {  	[bflag:$0x2] =	sbarrier.arrive $0xFFFF  }
0xae: {  	s0 =	rddreg [dreg:$0x2]  }
0xaf: {  	s0 =	sadd.s32 @!p0 $0x100000, s0  }
0xb0: {  	[sflag:s0] =	ssyncadd.tile.s32 @!p0 $0x1;
	_ =	shalt  }
.Lfunc_end2:
_tile_overlayer_lowered:
.L_overlay_start_2:
0xb1: {  	(tag) =	ssettag $0x2  }
0xb2: {  	s0 =	rddreg [dreg:$0x0];
	s2 =	stileid.u32  }
0xb3: {  	s1 =	rddreg [dreg:$0x1];
	p0 =	sne.s32 s2, $0x0  }
0xb4: {  	s3 =	rddreg [dreg:$0x2];
	[bflag:$0x3] =	sbarrier.arrive $0xFFFF;
	s2 =	simm.s32 @!p0 $0x1C02  }
0xb5: {  	[timem:s3], [sflag:s2] =	dma.local @!p0 [hbm:s0], s1  }
0xb6: {  	s0 =	simm.s32 @!p0 $0x2  }
0xb7: {  	_ =	swait.ge @!p0 [sflag:s0], s1  }
0xb8: {  	s1 =	ssub.s32 @!p0 $0x0, s1;
	[sflag:s0] =	ssyncset.done @!p0 $0x0  }
0xb9: {  	[sflag:s0] =	ssyncadd.s32 @!p0 s1  }
0xba: {  	[bflag:$0x3] =	sbarrier.arrive $0xFFFF  }
0xbb: {  	_ =	shalt  }

// kernel: kernel.19.cloned.1.call-start
scs
__scs_entry_jumppad:
0x0: {  	(pc) =	sbr.rel $0x88, $3  }
0x1: {  	(tag) =	ssettag $0x0;
	lr =	simm.s32 $0x1  }
0x2: {  	[smem:$0x3F88] =	sst lr;
	_ =	strace $0xD0000000  }
0x3: {  	_ = 	snop  }
0x4: {  	_ = 	snop  }
0x5: {  	_ = 	snop  }
0x6: {  	_ = 	snop  }
0x7: {  	_ = 	snop  }
__scs_overlays_trampoline_lowered:
0x8: {  	[smem:$0x3F97] =	sst s0  }
0x9: {  	[smem:$0x3F98] =	sst s1  }
0xa: {  	[smem:$0x3F99] =	sst s2  }
0xb: {  	[smem:$0x3F9A] =	sst s3  }
0xc: {  	[smem:$0x3F9B] =	sst s4  }
0xd: {  	[smem:$0x3F9C] =	sst s5  }
0xe: {  	[smem:$0x3F9D] =	sst s6  }
0xf: {  	[smem:$0x3F9E] =	sst s7  }
0x10: {  	[smem:$0x3F9F] =	sst s8  }
0x11: {  	[smem:$0x3FA0] =	sst s9;
	s0 =	simm.s32 @!p0 $0x0  }
0x12: {  	s1 =	sld [smem:$0x3F86];
	s0 =	simm.s32 @p0 $0x1  }
0x13: {  	[smem:$0x3FA1] =	sst s0;
	s0 =	simm.s32 @!p1 $0x0  }
0x14: {  	s2 =	sld [smem:$0x3F85];
	s0 =	simm.s32 @p1 $0x1  }
0x15: {  	[smem:$0x3FA2] =	sst s0;
	s0 =	simm.s32 @!p2 $0x0  }
0x16: {  	s3 =	sld [smem:$0x3FDB];
	s0 =	simm.s32 @p2 $0x1  }
0x17: {  	s4 =	simm.s32 $0x1BF5;
	[smem:$0x3FA4] =	sst s0  }
0x18: {  	s0 =	sld [smem:$0x3F87];
	_ =	swait.ge [sflag:s4], $0x0  }
0x19: {  	s7 =	sld [smem:$0x3F88]  }
0x1a: {  	s8 =	sadd.s32 $0xFFFFE003, lr  }
0x1b: {  	s9 =	sadd.s32 $0xFFFFFEF7, lr;
	s5 =	simm.s32 $0xFFFFFFFF;
	p2 =	slt.u32 s8, $0xFFFFF086  }
0x1c: {  	p1 =	slt.u32 s9, $0xF7A;
	s5 =	simm.s32 @!p2 $0x0  }
0x1d: {  	s5 =	simm.s32 @p1 $0x1;
	p0 =	seq.s32 s7, s2  }
0x1e: {  	s7 =	smul.u32 @!p0 $0xF7A, s2;
	p2 =	seq.s32 @!p0 s5, $0x0  }
0x1f: {  	s9 =	smul.u32 $0xF7A, s1;
	s8 =	simm.s32 @!p0 $0x1BF5;
	p2 =	por !p2, p0  }
0x20: {  	[sflag:s8] =	ssyncset.s32 @!p0 $0xFFFFF086;
	s6 =	sadd.s32 @!p0 s3, s7;
	s7 =	simm.s32 @!p0 $0x108  }
0x21: {  	s3 =	sadd.s32 s3, s9;
	s6 =	sadd.s32 @!p0 $0x88, s6;
	s7 =	simm.s32 @p2 $0x1082  }
0x22: {  	[simem:s7], [sflag:s8] =	dma.local @!p0 [hbm:s6], $0xF7A  }
0x23: {  	s9 =	sor.u32 $0xD0000000, s2;
	s6 =	simm.s32 $0x108;
	_ =	swait.ge @!p0 [sflag:s8], $0x0  }
0x24: {  	s3 =	sadd.s32 $0x88, s3;
	s6 =	simm.s32 @!p1 $0x1082;
	[sflag:s4] =	ssyncset.s32 $0xFFFFF086  }
0x25: {  	[simem:s6], [sflag:s4] =	dma.local [hbm:s3], $0xF7A  }
0x26: {  	[smem:$0x3F88] =	sst s1;
	(tag) =	ssettag s2;
	_ =	strace s9  }
0x27: {  	s1 =	sld [smem:$0x3F98]  }
0x28: {  	s2 =	sld [smem:$0x3F99]  }
0x29: {  	s4 =	sld [smem:$0x3F9B]  }
0x2a: {  	p0 =	seq.s32 s5, $0x0;
	s5 =	sld [smem:$0x3F9C]  }
0x2b: {  	s6 =	sld [smem:$0x3F9D]  }
0x2c: {  	s7 =	sld [smem:$0x3F9E]  }
0x2d: {  	s3 =	simm.s32 $0x108;
	s8 =	sld [smem:$0x3F9F]  }
0x2e: {  	s3 =	simm.s32 @!p0 $0x1082;
	s9 =	sld [smem:$0x3FA0]  }
0x2f: {  	lr =	sadd.s32 s0, s3;
	s0 =	sld [smem:$0x3F97]  }
0x30: {  	s3 =	sld [smem:$0x3F9A]  }
0x31: {  	[smem:$0x3FA3] =	sst s10  }
0x32: {  	s10 =	sld [smem:$0x3FA1];
	_ =	sdelay $0x3  }
0x33: {  	p0 =	seq.s32 s10, $0x1;
	s10 =	sld [smem:$0x3FA3];
	_ =	sdelay $0x3  }
0x34: {  	[smem:$0x3FA3] =	sst s10  }
0x35: {  	s10 =	sld [smem:$0x3FA2];
	_ =	sdelay $0x3  }
0x36: {  	p1 =	seq.s32 s10, $0x1;
	s10 =	sld [smem:$0x3FA3];
	_ =	sdelay $0x3  }
0x37: {  	[smem:$0x3FA3] =	sst s10  }
0x38: {  	s10 =	sld [smem:$0x3FA4]  }
0x39: {  	_ = 	snop;
	(pc) =	sbr.ind lr, $3  }
0x3a: {  	_ = 	snop  }
0x3b: {  	_ = 	snop  }
0x3c: {  	p2 =	seq.s32 s10, $0x1;
	s10 =	sld [smem:$0x3FA3]  }
0x3d: {  	_ =	shalt  }
0x3e: {  	_ =	shalt  }
0x3f: {  	_ =	shalt  }
0x40: {  	_ =	shalt  }
0x41: {  	_ =	shalt  }
0x42: {  	_ =	shalt  }
0x43: {  	_ =	shalt  }
0x44: {  	_ =	shalt  }
0x45: {  	_ =	shalt  }
0x46: {  	_ =	shalt  }
0x47: {  	_ =	shalt  }
0x48: {  	_ =	shalt  }
0x49: {  	_ =	shalt  }
0x4a: {  	_ =	shalt  }
0x4b: {  	_ =	shalt  }
0x4c: {  	_ =	shalt  }
0x4d: {  	_ =	shalt  }
0x4e: {  	_ =	shalt  }
0x4f: {  	_ =	shalt  }
0x50: {  	_ =	shalt  }
0x51: {  	_ =	shalt  }
0x52: {  	_ =	shalt  }
0x53: {  	_ =	shalt  }
0x54: {  	_ =	shalt  }
0x55: {  	_ =	shalt  }
0x56: {  	_ =	shalt  }
0x57: {  	_ =	shalt  }
0x58: {  	_ =	shalt  }
0x59: {  	_ =	shalt  }
0x5a: {  	_ =	shalt  }
0x5b: {  	_ =	shalt  }
0x5c: {  	_ =	shalt  }
0x5d: {  	_ =	shalt  }
0x5e: {  	_ =	shalt  }
0x5f: {  	_ =	shalt  }
0x60: {  	_ =	shalt  }
0x61: {  	_ =	shalt  }
0x62: {  	_ =	shalt  }
0x63: {  	_ =	shalt  }
0x64: {  	_ =	shalt  }
0x65: {  	_ =	shalt  }
0x66: {  	_ =	shalt  }
0x67: {  	_ =	shalt  }
0x68: {  	_ =	shalt  }
0x69: {  	_ =	shalt  }
0x6a: {  	_ =	shalt  }
0x6b: {  	_ =	shalt  }
0x6c: {  	_ =	shalt  }
0x6d: {  	_ =	shalt  }
0x6e: {  	_ =	shalt  }
0x6f: {  	_ =	shalt  }
0x70: {  	_ =	shalt  }
0x71: {  	_ =	shalt  }
0x72: {  	_ =	shalt  }
0x73: {  	_ =	shalt  }
0x74: {  	_ =	shalt  }
0x75: {  	_ =	shalt  }
0x76: {  	_ =	shalt  }
0x77: {  	_ =	shalt  }
0x78: {  	_ =	shalt  }
0x79: {  	_ =	shalt  }
0x7a: {  	_ =	shalt  }
0x7b: {  	_ =	shalt  }
0x7c: {  	_ =	shalt  }
0x7d: {  	_ =	shalt  }
0x7e: {  	_ =	shalt  }
0x7f: {  	_ =	shalt  }
0x80: {  	_ =	shalt  }
0x81: {  	_ =	shalt  }
0x82: {  	_ =	shalt  }
0x83: {  	_ =	shalt  }
0x84: {  	_ =	shalt  }
0x85: {  	_ =	shalt  }
0x86: {  	_ =	shalt  }
0x87: {  	_ =	shalt  }
.Lfunc_end0:
.L_simem_size_0:
called_computation.3_lowered:
.L_overlay_start_0:
0x88: {  	s2 =	sld [smem:$0x3FD9]  }
0x89: {  	s3 =	sld [smem:$0x3FFE];
	_ =	sdelay $0x1  }
0x8a: {  	s1 =	srdreg.scid  }
0x8b: {  	s0 =	sand.u32 $0x1, s1  }
0x8c: {  	s16 =	sshll.u32 s0, $0xA;
	s2 =	sadd.s32 s3, s2  }
0x8d: {  	s2 =	sadd.s32 s2, s16  }
0x8e: {  	[smem:$0x3FAF] =	sst s2  }
0x8f: {  	_ = 	snop  }
0x90: {  	(tm) =	ssettm $0x1  }
0x91: {  	s17 =	sld [smem:$0x3FFB];
	_ =	sdelay $0x3  }
0x92: {  	_ =	strace s17  }
0x93: {  	s2 =	sld [smem:$0x3FFC];
	_ =	sdelay $0x3  }
0x94: {  	_ =	strace s2  }
0x95: {  	s2 =	sld [smem:$0x3FFD];
	_ =	sdelay $0x3  }
0x96: {  	_ =	strace s2  }
0x97: {  	_ =	strace $0x8FFFFFFF  }
0x98: {  	s18 =	sld [smem:$0x3FDB];
	_ =	sdelay $0x1  }
0x99: {  	s19 =	simm.s32 $_scs_section_size  }
0x9a: {  	s4 =	simm.s32 $_size__tile_overlayer_lowered;
	s5 =	simm.s32 $_tile_overlayer_lowered  }
0x9b: {  	s22 =	simm.s32 $0x1BFF;
	s21 =	sshll.u32 s5, $0x1;
	s2 =	sadd.s32 s19, s18  }
0x9c: {  	s6 =	simm.s32 $0x0;
	s20 =	sshll.u32 s4, $0x1;
	s4 =	sadd.s32 s21, s2  }
0x9d: {  	[timem:s6], [sflag:s22] =	dma.local [hbm:s4], s20  }
0x9e: {  	_ =	swait.ge [sflag:s22], s20  }
0x9f: {  	s3 =	ssub.s32 $0x0, s20;
	[sflag:s22] =	ssyncset.done $0x0  }
0xa0: {  	[sflag:s22] =	ssyncadd.s32 s3;
	_ =	sdelay $0x1  }
0xa1: {  	s23 =	simm.s32 $0x1B8B  }
0xa2: {  	_ =	swait.ge [sflag:s23], $0x1  }
0xa3: {  	[sflag:s23] =	ssyncset.done $0x0  }
0xa4: {  	s25 =	simm.s32 $0x1B8E;
	s24 =	sld [smem:$0x3FFE];
	[sflag:s23] =	ssyncadd.s32 $0xFFFFFFFF  }
0xa5: {  	s26 =	simm.s32 $execute0_lowered;
	[smem:$0x3FD2] =	sst s25  }
0xa6: {  	s4 =	sshll.u32 s26, $0x1;
	_ =	strace $0x8000004F;
	[dreg:$0x1] =	wrdreg $0xFFFFFFFF  }
0xa7: {  	s28 =	simm.s32 $_size_execute0_lowered;
	s2 =	sadd.s32 s2, s4;
	[dreg:$0x0] =	wrdreg $0x0  }
0xa8: {  	s4 =	sshll.u32 s28, $0x1;
	[dreg:$0x2] =	wrdreg s2  }
0xa9: {  	[dreg:$0x3] =	wrdreg s4  }
0xaa: {  	[dreg:$0x4] =	wrdreg $0xC0  }
0xab: {  	_ =	task [dreg:s6], $0x5FFFF  }
0xac: {  	[dreg:$0x1] =	wrdreg $0xFFFFFFFF  }
0xad: {  	[dreg:$0x0] =	wrdreg $0x60  }
0xae: {  	[dreg:$0x2] =	wrdreg s24  }
0xaf: {  	[dreg:$0x3] =	wrdreg $0x0  }
0xb0: {  	[dreg:$0x4] =	wrdreg $0x8400  }
0xb1: {  	[dreg:$0x5] =	wrdreg $0x9  }
0xb2: {  	_ =	task.clear_ibuf [dreg:s6], $0x6FFFF;
	_ =	strace $0x9000004F  }
0xb3: {  	s29 =	simm.s32 $0x9;
	_ =	strace $0x80000051  }
0xb4: {  	_ =	swait.ge [sflag:s29], $0x1  }
0xb5: {  	[sflag:s29] =	ssyncadd.s32 $0xFFFFFFFF  }
0xb6: {  	_ =	strace $0x90000051  }
0xb7: {  	_ =	sfence  }
0xb8: {  	s30 =	sld [smem:$0x0];
	_ =	sdelay $0x2  }
0xb9: {  	s31 =	sshll.u32 s1, $0xD;
	s1 =	sshrl.u32 s1, $0x2  }
0xba: {  	s3 =	sand.u32 $0x4000, s31;
	s1 =	sadd.s32 s1, s30  }
0xbb: {  	s0 =	sor.u32 s3, s0;
	s1 =	sshll.u32 s1, $0x11  }
0xbc: {  	s0 =	sor.u32 s1, s0  }
0xbd: {  	s0 =	sadd.s32 $0x8F2B, s0  }
0xbe: {  	[sflag:s0] =	ssyncadd.remote.s32 $0x1  }
0xbf: {  	_ =	sfence.sel $0xFFFF  }
0xc0: {  	[dreg:$0x0] =	wrdreg $0xFFFFFFFF;
	(pc) =	sbr.abs _section_cstart, $3  }
0xc1: {  	[dreg:$0x1] =	wrdreg $0xFFFFFFFF  }
0xc2: {  	_ =	task.clear_ibuf [dreg:s6], $0x2FFFF;
	_ =	strace $0x9FFFFFFF  }
0xc3: {  	(tm) =	ssettm $0x7FFFFFFF  }
tec
execute0_lowered:
.L_overlay_start_1:
0x0: {  	(tag) =	ssettag $0x1  }
0x1: {  	s8 =	rddreg [dreg:$0x0]  }
0x2: {  	s2 =	rddreg [dreg:$0x1]  }
0x3: {  	s0 =	srdreg.scid;
	s3 =	rddreg [dreg:$0x2]  }
0x4: {  	s1 =	rddreg [dreg:$0x3];
	s4 =	simm.s32 $0x0;
	s18 =	simm.s32 $0x1  }
0x5: {  	s19 =	simm.s32 $0x2DC0;
	s20 =	simm.s32 $0x3600;
	s9 =	sand.u32 $0x1, s0  }
0x6: {  	s21 =	simm.s32 $0x2650;
	s0 =	stileid.u32;
	s5 =	smul.u32 $0x6200, s9  }
0x7: {  	s22 =	simm.s32 $0xA50;
	s23 =	simm.s32 $0x70;
	s6 =	smul.u32 $0x620, s0  }
0x8: {  	s24 =	simm.s32 $0x0;
	[smem:$0x7FF] =	sst s4;
	s7 =	smul.u32 $0x31000, s9  }
0x9: {  	_ =	strace $0x80000050;
	s26 =	sshll.u32 s0, $0x5;
	s12 =	smul.u32 $0x2100, s0  }
0xa: {  	s10 =	sshll.u32 s9, $0x9;
	s9 =	ssub.s32 $0x2, s9;
	s15 =	smul.u32 $0x840, s0  }
0xb: {  	s29 =	sshll.u32 s0, $0xB;
	s30 =	smul.u32 $0x3100, s0;
	s31 =	sshll.u32 s0, $0x9  }
0xc: {  	s10 =	sor.u32 s26, s10;
	s14 =	sshrl.u32 s9, $0x1;
	s5 =	sadd.s32 s6, s5  }
0xd: {  	s13 =	sadd.s32 s7, s8;
	s6 =	sadd.s32 $0x3C00, s8;
	s7 =	sadd.s32 $0x4000, s8  }
0xe: {  	s11 =	sshll.u32 s10, $0x3;
	s10 =	sshll.u32 s10, $0x1;
	s12 =	sshrl.u32 s12, $0x2  }
0xf: {  	s14 =	ssub.s32 s9, s14;
	s28 =	sshrl.u32 s15, $0x2;
	s5 =	sshrl.u32 s5, $0x3  }
0x10: {  	s11 =	sadd.s32 s11, s8;
	s17 =	sadd.s32 s10, s8;
	s9 =	sadd.s32 s28, s3  }
0x11: {  	s10 =	sadd.s32 s29, s2;
	s15 =	sadd.s32 s30, s13;
	s14 =	smax.u32 s14, $0x1  }
0x12: {  	s16 =	sadd.s32 s5, s8;
	s5 =	sadd.s32 $0x3E00, s8;
	s8 =	sadd.s32 s12, s2  }
0x13: {  	s11 =	sadd.s32 $0x4A00, s11;
	s12 =	sadd.s32 s31, s3;
	s13 =	sadd.s32 $0x4200, s17  }
0x14: {  	s15 =	sadd.s32 $0x120A00, s15;
	s17 =	simm.s32 $0x26C0;
	s16 =	sadd.s32 $0x11F000, s16  }
.LBB2_1:
0x15: {  	[tilespmem:s17], [sflag:$0x1] =	stream.linear.gather [hbm4b:s5+s4], $0x700, $0x38;
	[tilespmem:$0x3810] =	vst v63  }
0x16: {  	_ =	swait.ge [sflag:s18], $0x700  }
0x17: {  	[sflag:s18] =	ssyncset.done $0x0  }
0x18: {  	[sflag:s18] =	ssyncadd.s32 $0xFFFFF900  }
0x19: {  	[tilespmem:s19], [sflag:$0x1] =	stream.linear.gather [hbm4b:s6+s4], $0x840, $0x38;
	[tilespmem:$0x3810] =	vst v63  }
0x1a: {  	_ =	swait.ge [sflag:s18], $0x840  }
0x1b: {  	[sflag:s18] =	ssyncset.done $0x0  }
0x1c: {  	[sflag:s18] =	ssyncadd.s32 $0xFFFFF7C0  }
0x1d: {  	[spmem:s8] =	stream.linear.scatter [tilespmem:s19], [sflag:$0x1], $0x840, $0x38;
	[tilespmem:$0x3810] =	vst v63  }
0x1e: {  	_ =	swait.ge [sflag:s18], $0x840  }
0x1f: {  	[sflag:s18] =	ssyncset.done $0x0  }
0x20: {  	[sflag:s18] =	ssyncadd.s32 $0xFFFFF7C0  }
0x21: {  	[tilespmem:s20], [sflag:$0x1] =	stream.linear.gather [hbm4b:s7+s4], $0x210, $0x38;
	[tilespmem:$0x3810] =	vst v63  }
0x22: {  	_ =	swait.ge [sflag:s18], $0x210  }
0x23: {  	[sflag:s18] =	ssyncset.done $0x0  }
0x24: {  	[sflag:s18] =	ssyncadd.s32 $0xFFFFFDF0  }
0x25: {  	[spmem:s9] =	stream.linear.scatter [tilespmem:s20], [sflag:$0x1], $0x210, $0x38;
	[tilespmem:$0x3810] =	vst v63  }
0x26: {  	_ =	swait.ge [sflag:s18], $0x210  }
0x27: {  	[sflag:s18] =	ssyncset.done $0x0  }
0x28: {  	[sflag:s18] =	ssyncadd.s32 $0xFFFFFDF0  }
0x29: {  	s25 =	sadd.s32 $0x0, s16;
	[bflag:$0x0] =	sbarrier.arrive $0xFFFF  }
0x2a: {  	[tilespmem:s21], [sflag:$0x1] =	stream.linear.gather [hbm4b:s25+s4], $0x70, $0x38;
	[tilespmem:$0x3810] =	vst v63  }
0x2b: {  	_ =	swait.ge [sflag:s18], $0x70  }
0x2c: {  	[sflag:s18] =	ssyncset.done $0x0  }
0x2d: {  	[sflag:s18] =	ssyncadd.s32 $0xFFFFFF90  }
0x2e: {  	[tilespmem:s22], [sflag:$0x1] =	stream.linear.gather [hbm4b:s15+s4], $0x1C00, $0x38;
	[tilespmem:$0x3810] =	vst v63  }
0x2f: {  	_ =	swait.ge [sflag:s18], $0x1C00  }
0x30: {  	[sflag:s18] =	ssyncset.done $0x0  }
0x31: {  	[sflag:s18] =	ssyncadd.s32 $0xFFFFE400  }
0x32: {  	[spmem:s2] =	stream.indirect.scatter.add.f32 [tilespmem:s22], [sflag:$0x1], $0x40, s21, s23, $0xb8;
	[tilespmem:$0x3810] =	vst v63  }
0x33: {  	_ =	swait.ge [sflag:s18], $0x1C00  }
0x34: {  	[sflag:s18] =	ssyncset.done $0x0  }
0x35: {  	[sflag:s18] =	ssyncadd.s32 $0xFFFFE400  }
0x36: {  	[spmem:s3] =	stream.indirect.scatter.add.f32 [tilespmem:s17], [sflag:$0x1], $0x10, s21, s23, $0xb8;
	[tilespmem:$0x3810] =	vst v63  }
0x37: {  	s26 =	simm.s32 $0xE;
	_ =	swait.ge [sflag:s18], $0x700  }
0x38: {  	s28 =	simm.s32 $0x1C;
	s25 =	sadd.s32 $0x380, s15;
	[sflag:s18] =	ssyncset.done $0x0  }
.LBB2_2:
0x39: {  	s29 =	sadd.s32 s26, s16  }
0x3a: {  	[sflag:s18] =	ssyncadd.s32 $0xFFFFF900;
	s26 =	smov.u32 s28;
	s30 =	sadd.s32 $0xE, s28  }
0x3b: {  	[tilespmem:s21], [sflag:$0x1] =	stream.linear.gather [hbm4b:s29+s4], $0x70, $0x38;
	[tilespmem:$0x3810] =	vst v63  }
0x3c: {  	p0 =	sne.s32 s28, $0xB6;
	_ =	swait.ge [sflag:s18], $0x70  }
0x3d: {  	[sflag:s18] =	ssyncset.done $0x0  }
0x3e: {  	[sflag:s18] =	ssyncadd.s32 $0xFFFFFF90  }
0x3f: {  	[tilespmem:s22], [sflag:$0x1] =	stream.linear.gather [hbm4b:s25+s4], $0x1C00, $0x38;
	[tilespmem:$0x3810] =	vst v63  }
0x40: {  	_ =	swait.ge [sflag:s18], $0x1C00  }
0x41: {  	[sflag:s18] =	ssyncset.done $0x0  }
0x42: {  	[sflag:s18] =	ssyncadd.s32 $0xFFFFE400  }
0x43: {  	[spmem:s2] =	stream.indirect.scatter.add.f32 [tilespmem:s22], [sflag:$0x1], $0x40, s21, s23, $0xb8;
	[tilespmem:$0x3810] =	vst v63  }
0x44: {  	_ =	swait.ge [sflag:s18], $0x1C00  }
.Ltmp0:
0x45: {  	[sflag:s18] =	ssyncset.done $0x0;
	(pc) =	sbr.rel @p0 .LBB2_2-.Ltmp0, $4  }
0x46: {  	[sflag:s18] =	ssyncadd.s32 $0xFFFFE400  }
0x47: {  	[spmem:s3] =	stream.indirect.scatter.add.f32 [tilespmem:s17], [sflag:$0x1], $0x10, s21, s23, $0xb8;
	[tilespmem:$0x3810] =	vst v63  }
0x48: {  	_ =	swait.ge [sflag:s18], $0x700  }
0x49: {  	s28 =	smov.u32 s30;
	s25 =	sadd.s32 $0x380, s25;
	[sflag:s18] =	ssyncset.done $0x0  }
0x4a: {  	s26 =	sadd.s32 s26, s16;
	[sflag:s18] =	ssyncadd.s32 $0xFFFFF900  }
0x4b: {  	[tilespmem:s21], [sflag:$0x1] =	stream.linear.gather [hbm4b:s26+s4], $0x70, $0x38;
	[tilespmem:$0x3810] =	vst v63  }
0x4c: {  	_ =	swait.ge [sflag:s18], $0x70  }
0x4d: {  	[sflag:s18] =	ssyncset.done $0x0  }
0x4e: {  	[sflag:s18] =	ssyncadd.s32 $0xFFFFFF90  }
0x4f: {  	[tilespmem:s22], [sflag:$0x1] =	stream.linear.gather [hbm4b:s25+s4], $0x1C00, $0x38;
	[tilespmem:$0x3810] =	vst v63  }
0x50: {  	_ =	swait.ge [sflag:s18], $0x1C00  }
0x51: {  	[sflag:s18] =	ssyncset.done $0x0  }
0x52: {  	[sflag:s18] =	ssyncadd.s32 $0xFFFFE400  }
0x53: {  	[spmem:s2] =	stream.indirect.scatter.add.f32 [tilespmem:s22], [sflag:$0x1], $0x40, s21, s23, $0xb8;
	[tilespmem:$0x3810] =	vst v63  }
0x54: {  	_ =	swait.ge [sflag:s18], $0x1C00  }
0x55: {  	[sflag:s18] =	ssyncset.done $0x0  }
0x56: {  	[sflag:s18] =	ssyncadd.s32 $0xFFFFE400  }
0x57: {  	[spmem:s3] =	stream.indirect.scatter.add.f32 [tilespmem:s17], [sflag:$0x1], $0x10, s21, s23, $0xb8;
	[tilespmem:$0x3810] =	vst v63  }
0x58: {  	_ =	swait.ge [sflag:s18], $0x700  }
0x59: {  	[sflag:s18] =	ssyncset.done $0x0  }
0x5a: {  	[sflag:s18] =	ssyncadd.s32 $0xFFFFF900  }
0x5b: {  	[bflag:$0x0] =	sbarrier.arrive $0xFFFF  }
0x5c: {  	[tilespmem:s22], [sflag:$0x1] =	stream.linear.gather [spmem:s10], $0x800, $0x38;
	[tilespmem:$0x3810] =	vst v63  }
0x5d: {  	_ =	swait.ge [sflag:s18], $0x800  }
0x5e: {  	[sflag:s18] =	ssyncset.done $0x0  }
0x5f: {  	[sflag:s18] =	ssyncadd.s32 $0xFFFFF800  }
0x60: {  	[hbm4b:s11+s4] =	stream.linear.scatter [tilespmem:s22], [sflag:$0x1], $0x800, $0x38;
	[tilespmem:$0x3810] =	vst v63  }
0x61: {  	_ =	swait.ge [sflag:s18], $0x800  }
0x62: {  	[sflag:s18] =	ssyncset.done $0x0  }
0x63: {  	[sflag:s18] =	ssyncadd.s32 $0xFFFFF800  }
0x64: {  	[tilespmem:s17], [sflag:$0x1] =	stream.linear.gather [spmem:s12], $0x200, $0x38;
	[tilespmem:$0x3810] =	vst v63  }
0x65: {  	s24 =	sadd.s32 $0x1, s24;
	_ =	swait.ge [sflag:s18], $0x200  }
0x66: {  	p0 =	sne.s32 s24, s14;
	[sflag:s18] =	ssyncset.done $0x0  }
.Ltmp1:
0x67: {  	[sflag:s18] =	ssyncadd.s32 $0xFFFFFE00;
	(pc) =	sbr.rel @p0 .LBB2_1-.Ltmp1, $4  }
0x68: {  	[hbm4b:s13+s4] =	stream.linear.scatter [tilespmem:s17], [sflag:$0x1], $0x200, $0x38;
	[tilespmem:$0x3810] =	vst v63  }
0x69: {  	_ =	swait.ge [sflag:s18], $0x200  }
0x6a: {  	[sflag:s18] =	ssyncset.done $0x0  }
0x6b: {  	[sflag:s18] =	ssyncadd.s32 $0xFFFFFE00  }
0x6c: {  	_ =	sfence.sel $0x180000  }
0x6d: {  	[bflag:$0x0] =	sbarrier.arrive $0xFFFF  }
0x6e: {  	p0 =	sne.s32 s0, $0x0;
	_ =	strace $0x90000050  }
0x6f: {  	s0 =	sadd.s32 @!p0 $0x100000, s1;
	[bflag:$0x2] =	sbarrier.arrive $0xFFFF  }
0x70: {  	[sflag:s0] =	ssyncadd.tile.s32 @!p0 $0x1;
	_ =	shalt  }
.Lfunc_end2:
_tile_overlayer_lowered:
.L_overlay_start_2:
0x71: {  	(tag) =	ssettag $0x2  }
0x72: {  	s0 =	rddreg [dreg:$0x0];
	s2 =	stileid.u32  }
0x73: {  	s1 =	rddreg [dreg:$0x1];
	p0 =	sne.s32 s2, $0x0  }
0x74: {  	s3 =	rddreg [dreg:$0x2];
	[bflag:$0x3] =	sbarrier.arrive $0xFFFF;
	s2 =	simm.s32 @!p0 $0x1C01  }
0x75: {  	[timem:s3], [sflag:s2] =	dma.local @!p0 [hbm:s0], s1  }
0x76: {  	s0 =	simm.s32 @!p0 $0x1  }
0x77: {  	_ =	swait.ge @!p0 [sflag:s0], s1  }
0x78: {  	s1 =	ssub.s32 @!p0 $0x0, s1;
	[sflag:s0] =	ssyncset.done @!p0 $0x0  }
0x79: {  	[sflag:s0] =	ssyncadd.s32 @!p0 s1  }
0x7a: {  	[bflag:$0x3] =	sbarrier.arrive $0xFFFF  }
0x7b: {  	_ =	shalt  }

</sc_bundles>
